<compile_context>
chip_gen: v7x
topology: tpu7x:2x2x1
jax: 0.10.2.dev20260603
libtpu: 0.0.44.dev20260713+nightly
codegen_flags: <defaults>
</compile_context>

<pallas_src>
import functools

import jax
import jax.numpy as jnp
from jax import lax
from jax.experimental import pallas as pl
from jax.experimental.pallas import tpu as pltpu
from jax.experimental.pallas import tpu_sc as plsc

_NC = 2
_NS = 16
_NW = _NC * _NS
_L = 16

_W = 6400
_KA = 3200


def _build_transpose(C: int, n_in: int):
    n_full = n_in // _KA
    tail = n_in - n_full * _KA
    n_chunk = n_full + (1 if tail else 0)
    per_tile = -(-n_chunk // _NW)

    mesh = plsc.VectorSubcoreMesh(core_axis_name="c", subcore_axis_name="s")
    scratch = [
        pltpu.VMEM((C, _KA), jnp.float32),
        pltpu.VMEM((_KA * C,), jnp.float32),
    ]
    if tail:
        scratch += [
            pltpu.VMEM((C, tail), jnp.float32),
            pltpu.VMEM((tail * C,), jnp.float32),
        ]
    scratch.append(pltpu.SemaphoreType.DMA)

    @functools.partial(
        pl.kernel,
        mesh=mesh,
        out_type=jax.ShapeDtypeStruct((n_in * C,), jnp.float32),
        scratch_types=scratch,
        compiler_params=pltpu.CompilerParams(needs_layout_passes=False),
    )
    def transpose_kernel(feat_hbm, tbl_hbm, *rest):
        if tail:
            slab_v, rowb_v, slab2_v, rowb2_v, sem = rest
        else:
            slab_v, rowb_v, sem = rest
        core = lax.axis_index("c")
        sub = lax.axis_index("s")
        wid = sub * _NC + core
        lane_c = lax.iota(jnp.int32, _L) * C

        def do(slab, rowb, base, K):
            pltpu.sync_copy(feat_hbm.at[0].at[:, pl.ds(base, K)], slab)

            def grp(g, c2):
                j = g * _L
                for c in range(C):
                    vals = slab[c, pl.ds(j, _L)]
                    plsc.store_scatter(rowb, [j * C + lane_c + c], vals)
                return c2

            lax.fori_loop(0, K // _L, grp, 0)
            pltpu.sync_copy(rowb, tbl_hbm.at[pl.ds(base * C, K * C)])

        def chunk(t, carry):
            m = t * _NW + wid

            @pl.when(m < n_full)
            def _():
                do(slab_v, rowb_v, m * _KA, _KA)

            if tail:
                @pl.when(m == n_full)
                def _():
                    do(slab2_v, rowb2_v, n_full * _KA, tail)

            return carry

        lax.fori_loop(0, per_tile, chunk, 0)

    return transpose_kernel


_WG = 4000


def _build_gather(C: int, n_in: int, n_out: int):
    assert n_out % _WG == 0
    n_win = n_out // _WG
    win_per_worker = -(-n_win // _NW)
    n_pair = -(-win_per_worker // 2)

    mesh = plsc.VectorSubcoreMesh(core_axis_name="c", subcore_axis_name="s")

    @functools.partial(
        pl.kernel,
        mesh=mesh,
        out_type=jax.ShapeDtypeStruct((C * n_out,), jnp.float32),
        scratch_types=[
            pltpu.VMEM((2, _WG), jnp.int32),
            pltpu.VMEM((2, _WG, C), jnp.float32),
            pltpu.VMEM((C, _WG), jnp.float32),
            pltpu.SemaphoreType.DMA,
            pltpu.SemaphoreType.DMA,
        ],
        compiler_params=pltpu.CompilerParams(
            use_tc_tiling_on_sc=False, needs_layout_passes=False
        ),
    )
    def gather_kernel(tbl_hbm, idx_hbm, out_hbm, idx_v, rows_v, trans_v, s0, s1):
        core = lax.axis_index("c")
        sub = lax.axis_index("s")
        wid = sub * _NC + core
        lane = lax.iota(jnp.int32, _L)
        c_splat = [jnp.full((_L,), c, dtype=jnp.int32) for c in range(C)]
        sems = (s0, s1)

        def fire(w, b):
            @pl.when(w < n_win)
            def _():
                base = w * _WG
                pltpu.sync_copy(idx_hbm.at[pl.ds(base, _WG)], idx_v.at[b])
                pltpu.async_copy(tbl_hbm.at[idx_v.at[b]], rows_v.at[b], sems[b])

        def drain_process(w, b):
            @pl.when(w < n_win)
            def _():
                pltpu.make_async_copy(
                    tbl_hbm.at[pl.ds(0, _WG), :], rows_v.at[b], sems[b]
                ).wait()
                base = w * _WG
                rows_b = rows_v.at[b]

                def grp(g, c2):
                    j = g * _L
                    j_idx = j + lane
                    for c in range(C):
                        vals = plsc.load_gather(rows_b, [j_idx, c_splat[c]])
                        trans_v[c, pl.ds(j, _L)] = vals
                    return c2

                lax.fori_loop(0, _WG // _L, grp, 0)
                for c in range(C):
                    pltpu.sync_copy(
                        trans_v.at[c], out_hbm.at[pl.ds(c * n_out + base, _WG)]
                    )

        def w_of(t):
            return t * _NW + wid

        fire(w_of(0), 0)

        def pair(u, carry):
            t0 = 2 * u
            fire(w_of(t0 + 1), 1)
            drain_process(w_of(t0), 0)
            fire(w_of(t0 + 2), 0)
            drain_process(w_of(t0 + 1), 1)
            return carry

        lax.fori_loop(0, n_pair, pair, 0)

    return gather_kernel


def _build_relayout(C: int, n_out: int):
    assert n_out % _W == 0
    n_win = n_out // _W
    win_per_worker = -(-n_win // _NW)

    mesh = plsc.VectorSubcoreMesh(core_axis_name="c", subcore_axis_name="s")

    @functools.partial(
        pl.kernel,
        mesh=mesh,
        out_type=jax.ShapeDtypeStruct((1, C, n_out), jnp.float32),
        scratch_types=[
            pltpu.VMEM((C, _W), jnp.float32),
            pltpu.SemaphoreType.DMA,
        ],
        compiler_params=pltpu.CompilerParams(needs_layout_passes=False),
    )
    def relayout_kernel(flat_hbm, out_hbm, slab_v, sem):
        core = lax.axis_index("c")
        sub = lax.axis_index("s")
        wid = sub * _NC + core

        def win(t, carry):
            w = t * _NW + wid

            @pl.when(w < n_win)
            def _():
                base = w * _W
                for c in range(C):
                    pltpu.sync_copy(
                        flat_hbm.at[pl.ds(c * n_out + base, _W)], slab_v.at[c]
                    )
                pltpu.sync_copy(slab_v, out_hbm.at[0].at[:, pl.ds(base, _W)])

            return carry

        lax.fori_loop(0, win_per_worker, win, 0)

    return relayout_kernel


def kernel(input_features, aprs, level_deltas):
    B, C, n_in = input_features.shape
    n_out = aprs.shape[0]
    tbl_flat = _build_transpose(B * C, n_in)(input_features)
    tbl = tbl_flat.reshape(n_in, B * C)
    out_flat = _build_gather(B * C, n_in, n_out)(tbl, aprs)
    out = _build_relayout(B * C, n_out)(out_flat)
    return out.reshape(B, C, n_out)

# --- scband reference (transcript-rebuilt; emitter-appended) ---
"""Pipeline reference for scband-up-sample-const-36653250904491 (READ-ONLY COPY).

The authoritative reference and input builder live on the scoring server;
editing this copy changes nothing except your own understanding.
"""

import jax, jax.numpy as jnp
import numpy as np

N_IN = 500000
N_OUT = 4000000
C = 8
B = 1


def setup_inputs(seed: int = 0) -> dict:
    key = jax.random.key(seed)
    k1, k2 = jax.random.split(key)
    # particle features at the coarse APR level: (batch, channels, n_particles)
    input_features = jax.random.normal(k1, (B, C, N_IN), dtype=jnp.float32)
    # 'aprs' stands in for the APR access structure: for constant upsampling,
    # each fine-level particle copies the value of its coarse-level parent.
    # We materialize that mapping as an explicit parent index array.
    aprs = jax.random.randint(k2, (N_OUT,), 0, N_IN, dtype=jnp.int32)
    # one level of upsampling per APR in the batch
    level_deltas = jnp.ones((B,), dtype=jnp.int32)
    return {"input_features": input_features, "aprs": aprs, "level_deltas": level_deltas}


def reference(input_features, aprs, level_deltas):
    # upsample_const_forward: constant (nearest / piecewise-constant) upsampling
    # of particle features by `level_deltas` levels. Each output particle takes
    # the value of its parent particle -> a pure gather along the particle axis.
    # level_deltas is consumed by the APR access structure (already baked into
    # the parent index map here); it does not enter the math directly.
    out = jnp.take(input_features, aprs, axis=2)
    return out

if __name__ == "__main__":
    import jax
    _d = setup_inputs()
    print(jax.jit(kernel)(*tuple(_d.values())))

</pallas_src>

<mosaic_0001>
#map = affine_map<(d0, d1) -> (0, 0)>
#map1 = affine_map<(d0, d1) -> (0)>
module attributes {stable_mosaic.version = 14 : i64} {
  func.func @gather_kernel(%arg0: i32, %arg1: i32, %arg2: memref<500000x8xf32, #tpu.memory_space<hbm>>, %arg3: memref<4000000xi32, #tpu.memory_space<hbm>>, %arg4: memref<32000000xf32, #tpu.memory_space<hbm>>, %arg5: memref<2x4000xi32, #tpu.memory_space<vmem>>, %arg6: memref<2x4000x8xf32, #tpu.memory_space<vmem>>, %arg7: memref<8x4000xf32, #tpu.memory_space<vmem>>, %arg8: memref<!tpu.dma_semaphore, #tpu.memory_space<semaphore_mem>>, %arg9: memref<!tpu.dma_semaphore, #tpu.memory_space<semaphore_mem>>) attributes {dimension_semantics = [#tpu.dimension_semantics<core_parallel>, #tpu.dimension_semantics<subcore_parallel>], iteration_bounds = array<i64: 2, 16>, scalar_prefetch = 0 : i64, scratch_operands = 5 : i64, tpu.core_type = #tpu.core_type<sc_vector_subcore>, window_params = [{transform_indices = #map}, {transform_indices = #map1}, {transform_indices = #map1}]} {
    %mul3A = arith.constant 2 : i32
    %mul3A_0 = arith.muli %arg1, %mul3A : i32
    %add3A = arith.addi %mul3A_0, %arg0 : i32
    %iota3A = tpu.iota {dimensions = array<i32: 0>} : vector<16xi32>
    %broadcast_in_dim3A = arith.constant 0 : i32
    %broadcast_in_dim3A_1 = vector.broadcast %broadcast_in_dim3A : i32 to vector<16xi32>
    %broadcast_in_dim3A_2 = arith.constant 1 : i32
    %broadcast_in_dim3A_3 = vector.broadcast %broadcast_in_dim3A_2 : i32 to vector<16xi32>
    %broadcast_in_dim3A_4 = arith.constant 2 : i32
    %broadcast_in_dim3A_5 = vector.broadcast %broadcast_in_dim3A_4 : i32 to vector<16xi32>
    %broadcast_in_dim3A_6 = arith.constant 3 : i32
    %broadcast_in_dim3A_7 = vector.broadcast %broadcast_in_dim3A_6 : i32 to vector<16xi32>
    %broadcast_in_dim3A_8 = arith.constant 4 : i32
    %broadcast_in_dim3A_9 = vector.broadcast %broadcast_in_dim3A_8 : i32 to vector<16xi32>
    %broadcast_in_dim3A_10 = arith.constant 5 : i32
    %broadcast_in_dim3A_11 = vector.broadcast %broadcast_in_dim3A_10 : i32 to vector<16xi32>
    %broadcast_in_dim3A_12 = arith.constant 6 : i32
    %broadcast_in_dim3A_13 = vector.broadcast %broadcast_in_dim3A_12 : i32 to vector<16xi32>
    %broadcast_in_dim3A_14 = arith.constant 7 : i32
    %broadcast_in_dim3A_15 = vector.broadcast %broadcast_in_dim3A_14 : i32 to vector<16xi32>
    %add3A_16 = arith.constant 0 : i32
    %add3A_17 = arith.addi %add3A_16, %add3A : i32
    %lt3A = arith.constant 1000 : i32
    %lt3A_18 = arith.cmpi slt, %add3A_17, %lt3A : i32
    %convert_element_type3A = arith.extui %lt3A_18 : i1 to i32
    %cond3A = arith.constant 0 : i32
    %cond3A_19 = arith.cmpi ne, %convert_element_type3A, %cond3A : i32
    scf.if %cond3A_19 {
      %mul3A_25 = arith.constant 4000 : i32
      %mul3A_26 = arith.muli %add3A_17, %mul3A_25 : i32
      %run_scoped3A = arith.constant 0 : i32
      "tpu.region"() ({
        %run_scoped3A_38 = tpu.sem_alloc : memref<!tpu.dma_semaphore, #tpu.memory_space<semaphore_mem>>
        %dma_start3A_39 = arith.constant 0 : i32
        %dma_start3A_40 = tpu.memref_slice %arg5[%run_scoped3A, %dma_start3A_39] : memref<2x4000xi32, #tpu.memory_space<vmem>> -> memref<1x4000xi32, #tpu.memory_space<vmem>>
        %dma_start3A_41 = tpu.memref_squeeze %dma_start3A_40 : memref<1x4000xi32, #tpu.memory_space<vmem>> -> memref<4000xi32, #tpu.memory_space<vmem>>
        %dma_start3A_42 = tpu.memref_slice %arg3[%mul3A_26] : memref<4000000xi32, #tpu.memory_space<hbm>> -> memref<4000xi32, #tpu.memory_space<hbm>>
        %dma_start3A_43 = arith.constant 0 : i32
        %dma_start3A_44 = tpu.memref_slice %arg5[%run_scoped3A, %dma_start3A_43] : memref<2x4000xi32, #tpu.memory_space<vmem>> -> memref<1x4000xi32, #tpu.memory_space<vmem>>
        %dma_start3A_45 = tpu.memref_squeeze %dma_start3A_44 : memref<1x4000xi32, #tpu.memory_space<vmem>> -> memref<4000xi32, #tpu.memory_space<vmem>>
        %dma_start3A_46 = tpu.memref_slice %arg3[%mul3A_26] : memref<4000000xi32, #tpu.memory_space<hbm>> -> memref<4000xi32, #tpu.memory_space<hbm>>
        tpu.enqueue_dma source(%dma_start3A_46 : memref<4000xi32, #tpu.memory_space<hbm>>) target(%dma_start3A_45 : memref<4000xi32, #tpu.memory_space<vmem>>) target_semaphore(%run_scoped3A_38 : memref<!tpu.dma_semaphore, #tpu.memory_space<semaphore_mem>>)
        %dma_wait3A = arith.constant 0 : i32
        %dma_wait3A_47 = tpu.memref_slice %arg5[%run_scoped3A, %dma_wait3A] : memref<2x4000xi32, #tpu.memory_space<vmem>> -> memref<1x4000xi32, #tpu.memory_space<vmem>>
        %dma_wait3A_48 = tpu.memref_squeeze %dma_wait3A_47 : memref<1x4000xi32, #tpu.memory_space<vmem>> -> memref<4000xi32, #tpu.memory_space<vmem>>
        %dma_wait3A_49 = tpu.memref_slice %arg3[%mul3A_26] : memref<4000000xi32, #tpu.memory_space<hbm>> -> memref<4000xi32, #tpu.memory_space<hbm>>
        %dma_wait3A_50 = arith.constant 0 : i32
        %dma_wait3A_51 = tpu.memref_slice %arg5[%run_scoped3A, %dma_wait3A_50] : memref<2x4000xi32, #tpu.memory_space<vmem>> -> memref<1x4000xi32, #tpu.memory_space<vmem>>
        %dma_wait3A_52 = tpu.memref_squeeze %dma_wait3A_51 : memref<1x4000xi32, #tpu.memory_space<vmem>> -> memref<4000xi32, #tpu.memory_space<vmem>>
        %dma_wait3A_53 = tpu.memref_slice %arg3[%mul3A_26] : memref<4000000xi32, #tpu.memory_space<hbm>> -> memref<4000xi32, #tpu.memory_space<hbm>>
        tpu.wait_dma2 semaphore(%run_scoped3A_38 : memref<!tpu.dma_semaphore, #tpu.memory_space<semaphore_mem>>) src(%dma_wait3A_53 : memref<4000xi32, #tpu.memory_space<hbm>>) dst(%dma_wait3A_52 : memref<4000xi32, #tpu.memory_space<vmem>>)
        tpu.yield
      }) : () -> ()
      %dma_start3A = arith.constant 0 : i32
      %dma_start3A_27 = arith.constant 0 : i32
      %dma_start3A_28 = arith.constant 0 : i32
      %dma_start3A_29 = arith.constant 0 : i32
      %dma_start3A_30 = tpu.memref_slice %arg6[%dma_start3A_27, %dma_start3A_28, %dma_start3A_29] : memref<2x4000x8xf32, #tpu.memory_space<vmem>> -> memref<1x4000x8xf32, #tpu.memory_space<vmem>>
      %dma_start3A_31 = tpu.memref_squeeze %dma_start3A_30 : memref<1x4000x8xf32, #tpu.memory_space<vmem>> -> memref<4000x8xf32, #tpu.memory_space<vmem>>
      %dma_start3A_32 = arith.constant 0 : i32
      %dma_start3A_33 = tpu.memref_slice %arg5[%dma_start3A, %dma_start3A_32] : memref<2x4000xi32, #tpu.memory_space<vmem>> -> memref<1x4000xi32, #tpu.memory_space<vmem>>
      %dma_start3A_34 = tpu.memref_squeeze %dma_start3A_33 : memref<1x4000xi32, #tpu.memory_space<vmem>> -> memref<4000xi32, #tpu.memory_space<vmem>>
      %dma_start3A_35 = arith.constant 0 : i32
      %dma_start3A_36 = arith.constant 0 : i32
      %dma_start3A_37 = tpu.memref_slice %arg2[%dma_start3A_35, %dma_start3A_36] : memref<500000x8xf32, #tpu.memory_space<hbm>> -> memref<500000x8xf32, #tpu.memory_space<hbm>>
      tpu.enqueue_indirect_dma source(%dma_start3A_37 : memref<500000x8xf32, #tpu.memory_space<hbm>>) target(%dma_start3A_31 : memref<4000x8xf32, #tpu.memory_space<vmem>>) offsets(%dma_start3A_34 : memref<4000xi32, #tpu.memory_space<vmem>>) semaphore(%arg8 : memref<!tpu.dma_semaphore, #tpu.memory_space<semaphore_mem>>)
    } else {
    }
    %scan3A = arith.constant 0 : i32
    %scan3A_20 = arith.constant 0 : i32
    %scan3A_21 = arith.constant 16 : i32
    %scan3A_22 = arith.addi %scan3A_20, %scan3A_21 : i32
    %scan3A_23 = arith.constant 1 : i32
    scf.for %scan3A_25 = %scan3A_20 to %scan3A_22 step %scan3A_23  : i32 {
      %mul3A_26 = arith.constant 2 : i32
      %mul3A_27 = arith.muli %mul3A_26, %scan3A_25 : i32
      %add3A_28 = arith.constant 1 : i32
      %add3A_29 = arith.addi %mul3A_27, %add3A_28 : i32
      %mul3A_30 = arith.constant 32 : i32
      %mul3A_31 = arith.muli %add3A_29, %mul3A_30 : i32
      %add3A_32 = arith.addi %mul3A_31, %add3A : i32
      %lt3A_33 = arith.constant 1000 : i32
      %lt3A_34 = arith.cmpi slt, %add3A_32, %lt3A_33 : i32
      %convert_element_type3A_35 = arith.extui %lt3A_34 : i1 to i32
      %cond3A_36 = arith.constant 0 : i32
      %cond3A_37 = arith.cmpi ne, %convert_element_type3A_35, %cond3A_36 : i32
      scf.if %cond3A_37 {
        %mul3A_66 = arith.constant 4000 : i32
        %mul3A_67 = arith.muli %add3A_32, %mul3A_66 : i32
        %run_scoped3A = arith.constant 1 : i32
        "tpu.region"() ({
          %run_scoped3A_79 = tpu.sem_alloc : memref<!tpu.dma_semaphore, #tpu.memory_space<semaphore_mem>>
          %dma_start3A_80 = arith.constant 0 : i32
          %dma_start3A_81 = tpu.memref_slice %arg5[%run_scoped3A, %dma_start3A_80] : memref<2x4000xi32, #tpu.memory_space<vmem>> -> memref<1x4000xi32, #tpu.memory_space<vmem>>
          %dma_start3A_82 = tpu.memref_squeeze %dma_start3A_81 : memref<1x4000xi32, #tpu.memory_space<vmem>> -> memref<4000xi32, #tpu.memory_space<vmem>>
          %dma_start3A_83 = tpu.memref_slice %arg3[%mul3A_67] : memref<4000000xi32, #tpu.memory_space<hbm>> -> memref<4000xi32, #tpu.memory_space<hbm>>
          %dma_start3A_84 = arith.constant 0 : i32
          %dma_start3A_85 = tpu.memref_slice %arg5[%run_scoped3A, %dma_start3A_84] : memref<2x4000xi32, #tpu.memory_space<vmem>> -> memref<1x4000xi32, #tpu.memory_space<vmem>>
          %dma_start3A_86 = tpu.memref_squeeze %dma_start3A_85 : memref<1x4000xi32, #tpu.memory_space<vmem>> -> memref<4000xi32, #tpu.memory_space<vmem>>
          %dma_start3A_87 = tpu.memref_slice %arg3[%mul3A_67] : memref<4000000xi32, #tpu.memory_space<hbm>> -> memref<4000xi32, #tpu.memory_space<hbm>>
          tpu.enqueue_dma source(%dma_start3A_87 : memref<4000xi32, #tpu.memory_space<hbm>>) target(%dma_start3A_86 : memref<4000xi32, #tpu.memory_space<vmem>>) target_semaphore(%run_scoped3A_79 : memref<!tpu.dma_semaphore, #tpu.memory_space<semaphore_mem>>)
          %dma_wait3A = arith.constant 0 : i32
          %dma_wait3A_88 = tpu.memref_slice %arg5[%run_scoped3A, %dma_wait3A] : memref<2x4000xi32, #tpu.memory_space<vmem>> -> memref<1x4000xi32, #tpu.memory_space<vmem>>
          %dma_wait3A_89 = tpu.memref_squeeze %dma_wait3A_88 : memref<1x4000xi32, #tpu.memory_space<vmem>> -> memref<4000xi32, #tpu.memory_space<vmem>>
          %dma_wait3A_90 = tpu.memref_slice %arg3[%mul3A_67] : memref<4000000xi32, #tpu.memory_space<hbm>> -> memref<4000xi32, #tpu.memory_space<hbm>>
          %dma_wait3A_91 = arith.constant 0 : i32
          %dma_wait3A_92 = tpu.memref_slice %arg5[%run_scoped3A, %dma_wait3A_91] : memref<2x4000xi32, #tpu.memory_space<vmem>> -> memref<1x4000xi32, #tpu.memory_space<vmem>>
          %dma_wait3A_93 = tpu.memref_squeeze %dma_wait3A_92 : memref<1x4000xi32, #tpu.memory_space<vmem>> -> memref<4000xi32, #tpu.memory_space<vmem>>
          %dma_wait3A_94 = tpu.memref_slice %arg3[%mul3A_67] : memref<4000000xi32, #tpu.memory_space<hbm>> -> memref<4000xi32, #tpu.memory_space<hbm>>
          tpu.wait_dma2 semaphore(%run_scoped3A_79 : memref<!tpu.dma_semaphore, #tpu.memory_space<semaphore_mem>>) src(%dma_wait3A_94 : memref<4000xi32, #tpu.memory_space<hbm>>) dst(%dma_wait3A_93 : memref<4000xi32, #tpu.memory_space<vmem>>)
          tpu.yield
        }) : () -> ()
        %dma_start3A = arith.constant 1 : i32
        %dma_start3A_68 = arith.constant 1 : i32
        %dma_start3A_69 = arith.constant 0 : i32
        %dma_start3A_70 = arith.constant 0 : i32
        %dma_start3A_71 = tpu.memref_slice %arg6[%dma_start3A_68, %dma_start3A_69, %dma_start3A_70] : memref<2x4000x8xf32, #tpu.memory_space<vmem>> -> memref<1x4000x8xf32, #tpu.memory_space<vmem>>
        %dma_start3A_72 = tpu.memref_squeeze %dma_start3A_71 : memref<1x4000x8xf32, #tpu.memory_space<vmem>> -> memref<4000x8xf32, #tpu.memory_space<vmem>>
        %dma_start3A_73 = arith.constant 0 : i32
        %dma_start3A_74 = tpu.memref_slice %arg5[%dma_start3A, %dma_start3A_73] : memref<2x4000xi32, #tpu.memory_space<vmem>> -> memref<1x4000xi32, #tpu.memory_space<vmem>>
        %dma_start3A_75 = tpu.memref_squeeze %dma_start3A_74 : memref<1x4000xi32, #tpu.memory_space<vmem>> -> memref<4000xi32, #tpu.memory_space<vmem>>
        %dma_start3A_76 = arith.constant 0 : i32
        %dma_start3A_77 = arith.constant 0 : i32
        %dma_start3A_78 = tpu.memref_slice %arg2[%dma_start3A_76, %dma_start3A_77] : memref<500000x8xf32, #tpu.memory_space<hbm>> -> memref<500000x8xf32, #tpu.memory_space<hbm>>
        tpu.enqueue_indirect_dma source(%dma_start3A_78 : memref<500000x8xf32, #tpu.memory_space<hbm>>) target(%dma_start3A_72 : memref<4000x8xf32, #tpu.memory_space<vmem>>) offsets(%dma_start3A_75 : memref<4000xi32, #tpu.memory_space<vmem>>) semaphore(%arg9 : memref<!tpu.dma_semaphore, #tpu.memory_space<semaphore_mem>>)
      } else {
      }
      %mul3A_38 = arith.constant 32 : i32
      %mul3A_39 = arith.muli %mul3A_27, %mul3A_38 : i32
      %add3A_40 = arith.addi %mul3A_39, %add3A : i32
      %lt3A_41 = arith.constant 1000 : i32
      %lt3A_42 = arith.cmpi slt, %add3A_40, %lt3A_41 : i32
      %convert_element_type3A_43 = arith.extui %lt3A_42 : i1 to i32
      %cond3A_44 = arith.constant 0 : i32
      %cond3A_45 = arith.cmpi ne, %convert_element_type3A_43, %cond3A_44 : i32
      scf.if %cond3A_45 {
        %dma_wait3A = arith.constant 0 : i32
        %dma_wait3A_66 = arith.constant 0 : i32
        %dma_wait3A_67 = arith.constant 0 : i32
        %dma_wait3A_68 = tpu.memref_slice %arg6[%dma_wait3A, %dma_wait3A_66, %dma_wait3A_67] : memref<2x4000x8xf32, #tpu.memory_space<vmem>> -> memref<1x4000x8xf32, #tpu.memory_space<vmem>>
        %dma_wait3A_69 = tpu.memref_squeeze %dma_wait3A_68 : memref<1x4000x8xf32, #tpu.memory_space<vmem>> -> memref<4000x8xf32, #tpu.memory_space<vmem>>
        %dma_wait3A_70 = arith.constant 0 : i32
        %dma_wait3A_71 = arith.constant 0 : i32
        %dma_wait3A_72 = tpu.memref_slice %arg2[%dma_wait3A_70, %dma_wait3A_71] : memref<500000x8xf32, #tpu.memory_space<hbm>> -> memref<4000x8xf32, #tpu.memory_space<hbm>>
        %dma_wait3A_73 = arith.constant 0 : i32
        %dma_wait3A_74 = arith.constant 0 : i32
        %dma_wait3A_75 = tpu.memref_slice %arg6[%dma_wait3A, %dma_wait3A_73, %dma_wait3A_74] : memref<2x4000x8xf32, #tpu.memory_space<vmem>> -> memref<1x4000x8xf32, #tpu.memory_space<vmem>>
        %dma_wait3A_76 = tpu.memref_squeeze %dma_wait3A_75 : memref<1x4000x8xf32, #tpu.memory_space<vmem>> -> memref<4000x8xf32, #tpu.memory_space<vmem>>
        %dma_wait3A_77 = arith.constant 0 : i32
        %dma_wait3A_78 = arith.constant 0 : i32
        %dma_wait3A_79 = tpu.memref_slice %arg2[%dma_wait3A_77, %dma_wait3A_78] : memref<500000x8xf32, #tpu.memory_space<hbm>> -> memref<4000x8xf32, #tpu.memory_space<hbm>>
        tpu.wait_dma2 semaphore(%arg8 : memref<!tpu.dma_semaphore, #tpu.memory_space<semaphore_mem>>) src(%dma_wait3A_79 : memref<4000x8xf32, #tpu.memory_space<hbm>>) dst(%dma_wait3A_76 : memref<4000x8xf32, #tpu.memory_space<vmem>>)
        %mul3A_80 = arith.constant 4000 : i32
        %mul3A_81 = arith.muli %add3A_40, %mul3A_80 : i32
        %scan3A_82 = arith.constant 0 : i32
        %scan3A_83 = arith.constant 0 : i32
        %scan3A_84 = arith.constant 0 : i32
        %scan3A_85 = arith.constant 250 : i32
        %scan3A_86 = arith.addi %scan3A_84, %scan3A_85 : i32
        %scan3A_87 = arith.constant 1 : i32
        scf.for %scan3A_112 = %scan3A_84 to %scan3A_86 step %scan3A_87  : i32 {
          %mul3A_113 = arith.constant 16 : i32
          %mul3A_114 = arith.muli %scan3A_112, %mul3A_113 : i32
          %add3A_115 = vector.broadcast %mul3A_114 : i32 to vector<16xi32>
          %add3A_116 = arith.addi %add3A_115, %iota3A : vector<16xi32>
          %gather3A = arith.constant 0 : i32
          %gather3A_117 = arith.constant 0 : i32
          %gather3A_118 = tpu.memref_slice %arg6[%scan3A_83, %gather3A, %gather3A_117] : memref<2x4000x8xf32, #tpu.memory_space<vmem>> -> memref<1x4000x8xf32, #tpu.memory_space<vmem>>
          %gather3A_119 = tpu.memref_squeeze %gather3A_118 : memref<1x4000x8xf32, #tpu.memory_space<vmem>> -> memref<4000x8xf32, #tpu.memory_space<vmem>>
          %gather3A_120 = tpu.vector_load_idx %gather3A_119[%add3A_116, %broadcast_in_dim3A_1] : memref<4000x8xf32, #tpu.memory_space<vmem>>[vector<16xi32>, vector<16xi32>], vector<16xf32>,
          %swap3A = arith.constant 0 : i32
          %swap3A_121 = arith.index_cast %swap3A : i32 to index
          %swap3A_122 = arith.index_cast %mul3A_114 : i32 to index
          %swap3A_123 = tpu.vector_load %arg7[%swap3A_121, %swap3A_122] {strides = array<i32>} : memref<8x4000xf32, #tpu.memory_space<vmem>>, vector<16xf32>,
          tpu.vector_store %arg7[%swap3A_121, %swap3A_122], %gather3A_120 {strides = array<i32>} : memref<8x4000xf32, #tpu.memory_space<vmem>>, vector<16xf32>,
          %gather3A_124 = arith.constant 0 : i32
          %gather3A_125 = arith.constant 0 : i32
          %gather3A_126 = tpu.memref_slice %arg6[%scan3A_83, %gather3A_124, %gather3A_125] : memref<2x4000x8xf32, #tpu.memory_space<vmem>> -> memref<1x4000x8xf32, #tpu.memory_space<vmem>>
          %gather3A_127 = tpu.memref_squeeze %gather3A_126 : memref<1x4000x8xf32, #tpu.memory_space<vmem>> -> memref<4000x8xf32, #tpu.memory_space<vmem>>
          %gather3A_128 = tpu.vector_load_idx %gather3A_127[%add3A_116, %broadcast_in_dim3A_3] : memref<4000x8xf32, #tpu.memory_space<vmem>>[vector<16xi32>, vector<16xi32>], vector<16xf32>,
          %swap3A_129 = arith.constant 1 : i32
          %swap3A_130 = arith.index_cast %swap3A_129 : i32 to index
          %swap3A_131 = arith.index_cast %mul3A_114 : i32 to index
          %swap3A_132 = tpu.vector_load %arg7[%swap3A_130, %swap3A_131] {strides = array<i32>} : memref<8x4000xf32, #tpu.memory_space<vmem>>, vector<16xf32>,
          tpu.vector_store %arg7[%swap3A_130, %swap3A_131], %gather3A_128 {strides = array<i32>} : memref<8x4000xf32, #tpu.memory_space<vmem>>, vector<16xf32>,
          %gather3A_133 = arith.constant 0 : i32
          %gather3A_134 = arith.constant 0 : i32
          %gather3A_135 = tpu.memref_slice %arg6[%scan3A_83, %gather3A_133, %gather3A_134] : memref<2x4000x8xf32, #tpu.memory_space<vmem>> -> memref<1x4000x8xf32, #tpu.memory_space<vmem>>
          %gather3A_136 = tpu.memref_squeeze %gather3A_135 : memref<1x4000x8xf32, #tpu.memory_space<vmem>> -> memref<4000x8xf32, #tpu.memory_space<vmem>>
          %gather3A_137 = tpu.vector_load_idx %gather3A_136[%add3A_116, %broadcast_in_dim3A_5] : memref<4000x8xf32, #tpu.memory_space<vmem>>[vector<16xi32>, vector<16xi32>], vector<16xf32>,
          %swap3A_138 = arith.constant 2 : i32
          %swap3A_139 = arith.index_cast %swap3A_138 : i32 to index
          %swap3A_140 = arith.index_cast %mul3A_114 : i32 to index
          %swap3A_141 = tpu.vector_load %arg7[%swap3A_139, %swap3A_140] {strides = array<i32>} : memref<8x4000xf32, #tpu.memory_space<vmem>>, vector<16xf32>,
          tpu.vector_store %arg7[%swap3A_139, %swap3A_140], %gather3A_137 {strides = array<i32>} : memref<8x4000xf32, #tpu.memory_space<vmem>>, vector<16xf32>,
          %gather3A_142 = arith.constant 0 : i32
          %gather3A_143 = arith.constant 0 : i32
          %gather3A_144 = tpu.memref_slice %arg6[%scan3A_83, %gather3A_142, %gather3A_143] : memref<2x4000x8xf32, #tpu.memory_space<vmem>> -> memref<1x4000x8xf32, #tpu.memory_space<vmem>>
          %gather3A_145 = tpu.memref_squeeze %gather3A_144 : memref<1x4000x8xf32, #tpu.memory_space<vmem>> -> memref<4000x8xf32, #tpu.memory_space<vmem>>
          %gather3A_146 = tpu.vector_load_idx %gather3A_145[%add3A_116, %broadcast_in_dim3A_7] : memref<4000x8xf32, #tpu.memory_space<vmem>>[vector<16xi32>, vector<16xi32>], vector<16xf32>,
          %swap3A_147 = arith.constant 3 : i32
          %swap3A_148 = arith.index_cast %swap3A_147 : i32 to index
          %swap3A_149 = arith.index_cast %mul3A_114 : i32 to index
          %swap3A_150 = tpu.vector_load %arg7[%swap3A_148, %swap3A_149] {strides = array<i32>} : memref<8x4000xf32, #tpu.memory_space<vmem>>, vector<16xf32>,
          tpu.vector_store %arg7[%swap3A_148, %swap3A_149], %gather3A_146 {strides = array<i32>} : memref<8x4000xf32, #tpu.memory_space<vmem>>, vector<16xf32>,
          %gather3A_151 = arith.constant 0 : i32
          %gather3A_152 = arith.constant 0 : i32
          %gather3A_153 = tpu.memref_slice %arg6[%scan3A_83, %gather3A_151, %gather3A_152] : memref<2x4000x8xf32, #tpu.memory_space<vmem>> -> memref<1x4000x8xf32, #tpu.memory_space<vmem>>
          %gather3A_154 = tpu.memref_squeeze %gather3A_153 : memref<1x4000x8xf32, #tpu.memory_space<vmem>> -> memref<4000x8xf32, #tpu.memory_space<vmem>>
          %gather3A_155 = tpu.vector_load_idx %gather3A_154[%add3A_116, %broadcast_in_dim3A_9] : memref<4000x8xf32, #tpu.memory_space<vmem>>[vector<16xi32>, vector<16xi32>], vector<16xf32>,
          %swap3A_156 = arith.constant 4 : i32
          %swap3A_157 = arith.index_cast %swap3A_156 : i32 to index
          %swap3A_158 = arith.index_cast %mul3A_114 : i32 to index
          %swap3A_159 = tpu.vector_load %arg7[%swap3A_157, %swap3A_158] {strides = array<i32>} : memref<8x4000xf32, #tpu.memory_space<vmem>>, vector<16xf32>,
          tpu.vector_store %arg7[%swap3A_157, %swap3A_158], %gather3A_155 {strides = array<i32>} : memref<8x4000xf32, #tpu.memory_space<vmem>>, vector<16xf32>,
          %gather3A_160 = arith.constant 0 : i32
          %gather3A_161 = arith.constant 0 : i32
          %gather3A_162 = tpu.memref_slice %arg6[%scan3A_83, %gather3A_160, %gather3A_161] : memref<2x4000x8xf32, #tpu.memory_space<vmem>> -> memref<1x4000x8xf32, #tpu.memory_space<vmem>>
          %gather3A_163 = tpu.memref_squeeze %gather3A_162 : memref<1x4000x8xf32, #tpu.memory_space<vmem>> -> memref<4000x8xf32, #tpu.memory_space<vmem>>
          %gather3A_164 = tpu.vector_load_idx %gather3A_163[%add3A_116, %broadcast_in_dim3A_11] : memref<4000x8xf32, #tpu.memory_space<vmem>>[vector<16xi32>, vector<16xi32>], vector<16xf32>,
          %swap3A_165 = arith.constant 5 : i32
          %swap3A_166 = arith.index_cast %swap3A_165 : i32 to index
          %swap3A_167 = arith.index_cast %mul3A_114 : i32 to index
          %swap3A_168 = tpu.vector_load %arg7[%swap3A_166, %swap3A_167] {strides = array<i32>} : memref<8x4000xf32, #tpu.memory_space<vmem>>, vector<16xf32>,
          tpu.vector_store %arg7[%swap3A_166, %swap3A_167], %gather3A_164 {strides = array<i32>} : memref<8x4000xf32, #tpu.memory_space<vmem>>, vector<16xf32>,
          %gather3A_169 = arith.constant 0 : i32
          %gather3A_170 = arith.constant 0 : i32
          %gather3A_171 = tpu.memref_slice %arg6[%scan3A_83, %gather3A_169, %gather3A_170] : memref<2x4000x8xf32, #tpu.memory_space<vmem>> -> memref<1x4000x8xf32, #tpu.memory_space<vmem>>
          %gather3A_172 = tpu.memref_squeeze %gather3A_171 : memref<1x4000x8xf32, #tpu.memory_space<vmem>> -> memref<4000x8xf32, #tpu.memory_space<vmem>>
          %gather3A_173 = tpu.vector_load_idx %gather3A_172[%add3A_116, %broadcast_in_dim3A_13] : memref<4000x8xf32, #tpu.memory_space<vmem>>[vector<16xi32>, vector<16xi32>], vector<16xf32>,
          %swap3A_174 = arith.constant 6 : i32
          %swap3A_175 = arith.index_cast %swap3A_174 : i32 to index
          %swap3A_176 = arith.index_cast %mul3A_114 : i32 to index
          %swap3A_177 = tpu.vector_load %arg7[%swap3A_175, %swap3A_176] {strides = array<i32>} : memref<8x4000xf32, #tpu.memory_space<vmem>>, vector<16xf32>,
          tpu.vector_store %arg7[%swap3A_175, %swap3A_176], %gather3A_173 {strides = array<i32>} : memref<8x4000xf32, #tpu.memory_space<vmem>>, vector<16xf32>,
          %gather3A_178 = arith.constant 0 : i32
          %gather3A_179 = arith.constant 0 : i32
          %gather3A_180 = tpu.memref_slice %arg6[%scan3A_83, %gather3A_178, %gather3A_179] : memref<2x4000x8xf32, #tpu.memory_space<vmem>> -> memref<1x4000x8xf32, #tpu.memory_space<vmem>>
          %gather3A_181 = tpu.memref_squeeze %gather3A_180 : memref<1x4000x8xf32, #tpu.memory_space<vmem>> -> memref<4000x8xf32, #tpu.memory_space<vmem>>
          %gather3A_182 = tpu.vector_load_idx %gather3A_181[%add3A_116, %broadcast_in_dim3A_15] : memref<4000x8xf32, #tpu.memory_space<vmem>>[vector<16xi32>, vector<16xi32>], vector<16xf32>,
          %swap3A_183 = arith.constant 7 : i32
          %swap3A_184 = arith.index_cast %swap3A_183 : i32 to index
          %swap3A_185 = arith.index_cast %mul3A_114 : i32 to index
          %swap3A_186 = tpu.vector_load %arg7[%swap3A_184, %swap3A_185] {strides = array<i32>} : memref<8x4000xf32, #tpu.memory_space<vmem>>, vector<16xf32>,
          tpu.vector_store %arg7[%swap3A_184, %swap3A_185], %gather3A_182 {strides = array<i32>} : memref<8x4000xf32, #tpu.memory_space<vmem>>, vector<16xf32>,
        }
        %scan3A_88 = arith.constant 250 : i32
        %add3A_89 = arith.constant 0 : i32
        %add3A_90 = arith.addi %add3A_89, %mul3A_81 : i32
        %run_scoped3A = arith.constant 0 : i32
        "tpu.region"() ({
          %run_scoped3A_112 = tpu.sem_alloc : memref<!tpu.dma_semaphore, #tpu.memory_space<semaphore_mem>>
          %dma_start3A = arith.constant 0 : i32
          %dma_start3A_113 = tpu.memref_slice %arg7[%run_scoped3A, %dma_start3A] : memref<8x4000xf32, #tpu.memory_space<vmem>> -> memref<1x4000xf32, #tpu.memory_space<vmem>>
          %dma_start3A_114 = tpu.memref_squeeze %dma_start3A_113 : memref<1x4000xf32, #tpu.memory_space<vmem>> -> memref<4000xf32, #tpu.memory_space<vmem>>
          %dma_start3A_115 = tpu.memref_slice %arg4[%add3A_90] : memref<32000000xf32, #tpu.memory_space<hbm>> -> memref<4000xf32, #tpu.memory_space<hbm>>
          %dma_start3A_116 = tpu.memref_slice %arg4[%add3A_90] : memref<32000000xf32, #tpu.memory_space<hbm>> -> memref<4000xf32, #tpu.memory_space<hbm>>
          %dma_start3A_117 = arith.constant 0 : i32
          %dma_start3A_118 = tpu.memref_slice %arg7[%run_scoped3A, %dma_start3A_117] : memref<8x4000xf32, #tpu.memory_space<vmem>> -> memref<1x4000xf32, #tpu.memory_space<vmem>>
          %dma_start3A_119 = tpu.memref_squeeze %dma_start3A_118 : memref<1x4000xf32, #tpu.memory_space<vmem>> -> memref<4000xf32, #tpu.memory_space<vmem>>
          tpu.enqueue_dma source(%dma_start3A_119 : memref<4000xf32, #tpu.memory_space<vmem>>) target(%dma_start3A_116 : memref<4000xf32, #tpu.memory_space<hbm>>) target_semaphore(%run_scoped3A_112 : memref<!tpu.dma_semaphore, #tpu.memory_space<semaphore_mem>>)
          %dma_wait3A_120 = arith.constant 0 : i32
          %dma_wait3A_121 = tpu.memref_slice %arg7[%run_scoped3A, %dma_wait3A_120] : memref<8x4000xf32, #tpu.memory_space<vmem>> -> memref<1x4000xf32, #tpu.memory_space<vmem>>
          %dma_wait3A_122 = tpu.memref_squeeze %dma_wait3A_121 : memref<1x4000xf32, #tpu.memory_space<vmem>> -> memref<4000xf32, #tpu.memory_space<vmem>>
          %dma_wait3A_123 = tpu.memref_slice %arg4[%add3A_90] : memref<32000000xf32, #tpu.memory_space<hbm>> -> memref<4000xf32, #tpu.memory_space<hbm>>
          %dma_wait3A_124 = tpu.memref_slice %arg4[%add3A_90] : memref<32000000xf32, #tpu.memory_space<hbm>> -> memref<4000xf32, #tpu.memory_space<hbm>>
          %dma_wait3A_125 = arith.constant 0 : i32
          %dma_wait3A_126 = tpu.memref_slice %arg7[%run_scoped3A, %dma_wait3A_125] : memref<8x4000xf32, #tpu.memory_space<vmem>> -> memref<1x4000xf32, #tpu.memory_space<vmem>>
          %dma_wait3A_127 = tpu.memref_squeeze %dma_wait3A_126 : memref<1x4000xf32, #tpu.memory_space<vmem>> -> memref<4000xf32, #tpu.memory_space<vmem>>
          tpu.wait_dma2 semaphore(%run_scoped3A_112 : memref<!tpu.dma_semaphore, #tpu.memory_space<semaphore_mem>>) src(%dma_wait3A_127 : memref<4000xf32, #tpu.memory_space<vmem>>) dst(%dma_wait3A_124 : memref<4000xf32, #tpu.memory_space<hbm>>)
          tpu.yield
        }) : () -> ()
        %add3A_91 = arith.constant 4000000 : i32
        %add3A_92 = arith.addi %add3A_91, %mul3A_81 : i32
        %run_scoped3A_93 = arith.constant 1 : i32
        "tpu.region"() ({
          %run_scoped3A_112 = tpu.sem_alloc : memref<!tpu.dma_semaphore, #tpu.memory_space<semaphore_mem>>
          %dma_start3A = arith.constant 0 : i32
          %dma_start3A_113 = tpu.memref_slice %arg7[%run_scoped3A_93, %dma_start3A] : memref<8x4000xf32, #tpu.memory_space<vmem>> -> memref<1x4000xf32, #tpu.memory_space<vmem>>
          %dma_start3A_114 = tpu.memref_squeeze %dma_start3A_113 : memref<1x4000xf32, #tpu.memory_space<vmem>> -> memref<4000xf32, #tpu.memory_space<vmem>>
          %dma_start3A_115 = tpu.memref_slice %arg4[%add3A_92] : memref<32000000xf32, #tpu.memory_space<hbm>> -> memref<4000xf32, #tpu.memory_space<hbm>>
          %dma_start3A_116 = tpu.memref_slice %arg4[%add3A_92] : memref<32000000xf32, #tpu.memory_space<hbm>> -> memref<4000xf32, #tpu.memory_space<hbm>>
          %dma_start3A_117 = arith.constant 0 : i32
          %dma_start3A_118 = tpu.memref_slice %arg7[%run_scoped3A_93, %dma_start3A_117] : memref<8x4000xf32, #tpu.memory_space<vmem>> -> memref<1x4000xf32, #tpu.memory_space<vmem>>
          %dma_start3A_119 = tpu.memref_squeeze %dma_start3A_118 : memref<1x4000xf32, #tpu.memory_space<vmem>> -> memref<4000xf32, #tpu.memory_space<vmem>>
          tpu.enqueue_dma source(%dma_start3A_119 : memref<4000xf32, #tpu.memory_space<vmem>>) target(%dma_start3A_116 : memref<4000xf32, #tpu.memory_space<hbm>>) target_semaphore(%run_scoped3A_112 : memref<!tpu.dma_semaphore, #tpu.memory_space<semaphore_mem>>)
          %dma_wait3A_120 = arith.constant 0 : i32
          %dma_wait3A_121 = tpu.memref_slice %arg7[%run_scoped3A_93, %dma_wait3A_120] : memref<8x4000xf32, #tpu.memory_space<vmem>> -> memref<1x4000xf32, #tpu.memory_space<vmem>>
          %dma_wait3A_122 = tpu.memref_squeeze %dma_wait3A_121 : memref<1x4000xf32, #tpu.memory_space<vmem>> -> memref<4000xf32, #tpu.memory_space<vmem>>
          %dma_wait3A_123 = tpu.memref_slice %arg4[%add3A_92] : memref<32000000xf32, #tpu.memory_space<hbm>> -> memref<4000xf32, #tpu.memory_space<hbm>>
          %dma_wait3A_124 = tpu.memref_slice %arg4[%add3A_92] : memref<32000000xf32, #tpu.memory_space<hbm>> -> memref<4000xf32, #tpu.memory_space<hbm>>
          %dma_wait3A_125 = arith.constant 0 : i32
          %dma_wait3A_126 = tpu.memref_slice %arg7[%run_scoped3A_93, %dma_wait3A_125] : memref<8x4000xf32, #tpu.memory_space<vmem>> -> memref<1x4000xf32, #tpu.memory_space<vmem>>
          %dma_wait3A_127 = tpu.memref_squeeze %dma_wait3A_126 : memref<1x4000xf32, #tpu.memory_space<vmem>> -> memref<4000xf32, #tpu.memory_space<vmem>>
          tpu.wait_dma2 semaphore(%run_scoped3A_112 : memref<!tpu.dma_semaphore, #tpu.memory_space<semaphore_mem>>) src(%dma_wait3A_127 : memref<4000xf32, #tpu.memory_space<vmem>>) dst(%dma_wait3A_124 : memref<4000xf32, #tpu.memory_space<hbm>>)
          tpu.yield
        }) : () -> ()
        %add3A_94 = arith.constant 8000000 : i32
        %add3A_95 = arith.addi %add3A_94, %mul3A_81 : i32
        %run_scoped3A_96 = arith.constant 2 : i32
        "tpu.region"() ({
          %run_scoped3A_112 = tpu.sem_alloc : memref<!tpu.dma_semaphore, #tpu.memory_space<semaphore_mem>>
          %dma_start3A = arith.constant 0 : i32
          %dma_start3A_113 = tpu.memref_slice %arg7[%run_scoped3A_96, %dma_start3A] : memref<8x4000xf32, #tpu.memory_space<vmem>> -> memref<1x4000xf32, #tpu.memory_space<vmem>>
          %dma_start3A_114 = tpu.memref_squeeze %dma_start3A_113 : memref<1x4000xf32, #tpu.memory_space<vmem>> -> memref<4000xf32, #tpu.memory_space<vmem>>
          %dma_start3A_115 = tpu.memref_slice %arg4[%add3A_95] : memref<32000000xf32, #tpu.memory_space<hbm>> -> memref<4000xf32, #tpu.memory_space<hbm>>
          %dma_start3A_116 = tpu.memref_slice %arg4[%add3A_95] : memref<32000000xf32, #tpu.memory_space<hbm>> -> memref<4000xf32, #tpu.memory_space<hbm>>
          %dma_start3A_117 = arith.constant 0 : i32
          %dma_start3A_118 = tpu.memref_slice %arg7[%run_scoped3A_96, %dma_start3A_117] : memref<8x4000xf32, #tpu.memory_space<vmem>> -> memref<1x4000xf32, #tpu.memory_space<vmem>>
          %dma_start3A_119 = tpu.memref_squeeze %dma_start3A_118 : memref<1x4000xf32, #tpu.memory_space<vmem>> -> memref<4000xf32, #tpu.memory_space<vmem>>
          tpu.enqueue_dma source(%dma_start3A_119 : memref<4000xf32, #tpu.memory_space<vmem>>) target(%dma_start3A_116 : memref<4000xf32, #tpu.memory_space<hbm>>) target_semaphore(%run_scoped3A_112 : memref<!tpu.dma_semaphore, #tpu.memory_space<semaphore_mem>>)
          %dma_wait3A_120 = arith.constant 0 : i32
          %dma_wait3A_121 = tpu.memref_slice %arg7[%run_scoped3A_96, %dma_wait3A_120] : memref<8x4000xf32, #tpu.memory_space<vmem>> -> memref<1x4000xf32, #tpu.memory_space<vmem>>
          %dma_wait3A_122 = tpu.memref_squeeze %dma_wait3A_121 : memref<1x4000xf32, #tpu.memory_space<vmem>> -> memref<4000xf32, #tpu.memory_space<vmem>>
          %dma_wait3A_123 = tpu.memref_slice %arg4[%add3A_95] : memref<32000000xf32, #tpu.memory_space<hbm>> -> memref<4000xf32, #tpu.memory_space<hbm>>
          %dma_wait3A_124 = tpu.memref_slice %arg4[%add3A_95] : memref<32000000xf32, #tpu.memory_space<hbm>> -> memref<4000xf32, #tpu.memory_space<hbm>>
          %dma_wait3A_125 = arith.constant 0 : i32
          %dma_wait3A_126 = tpu.memref_slice %arg7[%run_scoped3A_96, %dma_wait3A_125] : memref<8x4000xf32, #tpu.memory_space<vmem>> -> memref<1x4000xf32, #tpu.memory_space<vmem>>
          %dma_wait3A_127 = tpu.memref_squeeze %dma_wait3A_126 : memref<1x4000xf32, #tpu.memory_space<vmem>> -> memref<4000xf32, #tpu.memory_space<vmem>>
          tpu.wait_dma2 semaphore(%run_scoped3A_112 : memref<!tpu.dma_semaphore, #tpu.memory_space<semaphore_mem>>) src(%dma_wait3A_127 : memref<4000xf32, #tpu.memory_space<vmem>>) dst(%dma_wait3A_124 : memref<4000xf32, #tpu.memory_space<hbm>>)
          tpu.yield
        }) : () -> ()
        %add3A_97 = arith.constant 12000000 : i32
        %add3A_98 = arith.addi %add3A_97, %mul3A_81 : i32
        %run_scoped3A_99 = arith.constant 3 : i32
        "tpu.region"() ({
          %run_scoped3A_112 = tpu.sem_alloc : memref<!tpu.dma_semaphore, #tpu.memory_space<semaphore_mem>>
          %dma_start3A = arith.constant 0 : i32
          %dma_start3A_113 = tpu.memref_slice %arg7[%run_scoped3A_99, %dma_start3A] : memref<8x4000xf32, #tpu.memory_space<vmem>> -> memref<1x4000xf32, #tpu.memory_space<vmem>>
          %dma_start3A_114 = tpu.memref_squeeze %dma_start3A_113 : memref<1x4000xf32, #tpu.memory_space<vmem>> -> memref<4000xf32, #tpu.memory_space<vmem>>
          %dma_start3A_115 = tpu.memref_slice %arg4[%add3A_98] : memref<32000000xf32, #tpu.memory_space<hbm>> -> memref<4000xf32, #tpu.memory_space<hbm>>
          %dma_start3A_116 = tpu.memref_slice %arg4[%add3A_98] : memref<32000000xf32, #tpu.memory_space<hbm>> -> memref<4000xf32, #tpu.memory_space<hbm>>
          %dma_start3A_117 = arith.constant 0 : i32
          %dma_start3A_118 = tpu.memref_slice %arg7[%run_scoped3A_99, %dma_start3A_117] : memref<8x4000xf32, #tpu.memory_space<vmem>> -> memref<1x4000xf32, #tpu.memory_space<vmem>>
          %dma_start3A_119 = tpu.memref_squeeze %dma_start3A_118 : memref<1x4000xf32, #tpu.memory_space<vmem>> -> memref<4000xf32, #tpu.memory_space<vmem>>
          tpu.enqueue_dma source(%dma_start3A_119 : memref<4000xf32, #tpu.memory_space<vmem>>) target(%dma_start3A_116 : memref<4000xf32, #tpu.memory_space<hbm>>) target_semaphore(%run_scoped3A_112 : memref<!tpu.dma_semaphore, #tpu.memory_space<semaphore_mem>>)
          %dma_wait3A_120 = arith.constant 0 : i32
          %dma_wait3A_121 = tpu.memref_slice %arg7[%run_scoped3A_99, %dma_wait3A_120] : memref<8x4000xf32, #tpu.memory_space<vmem>> -> memref<1x4000xf32, #tpu.memory_space<vmem>>
          %dma_wait3A_122 = tpu.memref_squeeze %dma_wait3A_121 : memref<1x4000xf32, #tpu.memory_space<vmem>> -> memref<4000xf32, #tpu.memory_space<vmem>>
          %dma_wait3A_123 = tpu.memref_slice %arg4[%add3A_98] : memref<32000000xf32, #tpu.memory_space<hbm>> -> memref<4000xf32, #tpu.memory_space<hbm>>
          %dma_wait3A_124 = tpu.memref_slice %arg4[%add3A_98] : memref<32000000xf32, #tpu.memory_space<hbm>> -> memref<4000xf32, #tpu.memory_space<hbm>>
          %dma_wait3A_125 = arith.constant 0 : i32
          %dma_wait3A_126 = tpu.memref_slice %arg7[%run_scoped3A_99, %dma_wait3A_125] : memref<8x4000xf32, #tpu.memory_space<vmem>> -> memref<1x4000xf32, #tpu.memory_space<vmem>>
          %dma_wait3A_127 = tpu.memref_squeeze %dma_wait3A_126 : memref<1x4000xf32, #tpu.memory_space<vmem>> -> memref<4000xf32, #tpu.memory_space<vmem>>
          tpu.wait_dma2 semaphore(%run_scoped3A_112 : memref<!tpu.dma_semaphore, #tpu.memory_space<semaphore_mem>>) src(%dma_wait3A_127 : memref<4000xf32, #tpu.memory_space<vmem>>) dst(%dma_wait3A_124 : memref<4000xf32, #tpu.memory_space<hbm>>)
          tpu.yield
        }) : () -> ()
        %add3A_100 = arith.constant 16000000 : i32
        %add3A_101 = arith.addi %add3A_100, %mul3A_81 : i32
        %run_scoped3A_102 = arith.constant 4 : i32
        "tpu.region"() ({
          %run_scoped3A_112 = tpu.sem_alloc : memref<!tpu.dma_semaphore, #tpu.memory_space<semaphore_mem>>
          %dma_start3A = arith.constant 0 : i32
          %dma_start3A_113 = tpu.memref_slice %arg7[%run_scoped3A_102, %dma_start3A] : memref<8x4000xf32, #tpu.memory_space<vmem>> -> memref<1x4000xf32, #tpu.memory_space<vmem>>
          %dma_start3A_114 = tpu.memref_squeeze %dma_start3A_113 : memref<1x4000xf32, #tpu.memory_space<vmem>> -> memref<4000xf32, #tpu.memory_space<vmem>>
          %dma_start3A_115 = tpu.memref_slice %arg4[%add3A_101] : memref<32000000xf32, #tpu.memory_space<hbm>> -> memref<4000xf32, #tpu.memory_space<hbm>>
          %dma_start3A_116 = tpu.memref_slice %arg4[%add3A_101] : memref<32000000xf32, #tpu.memory_space<hbm>> -> memref<4000xf32, #tpu.memory_space<hbm>>
          %dma_start3A_117 = arith.constant 0 : i32
          %dma_start3A_118 = tpu.memref_slice %arg7[%run_scoped3A_102, %dma_start3A_117] : memref<8x4000xf32, #tpu.memory_space<vmem>> -> memref<1x4000xf32, #tpu.memory_space<vmem>>
          %dma_start3A_119 = tpu.memref_squeeze %dma_start3A_118 : memref<1x4000xf32, #tpu.memory_space<vmem>> -> memref<4000xf32, #tpu.memory_space<vmem>>
          tpu.enqueue_dma source(%dma_start3A_119 : memref<4000xf32, #tpu.memory_space<vmem>>) target(%dma_start3A_116 : memref<4000xf32, #tpu.memory_space<hbm>>) target_semaphore(%run_scoped3A_112 : memref<!tpu.dma_semaphore, #tpu.memory_space<semaphore_mem>>)
          %dma_wait3A_120 = arith.constant 0 : i32
          %dma_wait3A_121 = tpu.memref_slice %arg7[%run_scoped3A_102, %dma_wait3A_120] : memref<8x4000xf32, #tpu.memory_space<vmem>> -> memref<1x4000xf32, #tpu.memory_space<vmem>>
          %dma_wait3A_122 = tpu.memref_squeeze %dma_wait3A_121 : memref<1x4000xf32, #tpu.memory_space<vmem>> -> memref<4000xf32, #tpu.memory_space<vmem>>
          %dma_wait3A_123 = tpu.memref_slice %arg4[%add3A_101] : memref<32000000xf32, #tpu.memory_space<hbm>> -> memref<4000xf32, #tpu.memory_space<hbm>>
          %dma_wait3A_124 = tpu.memref_slice %arg4[%add3A_101] : memref<32000000xf32, #tpu.memory_space<hbm>> -> memref<4000xf32, #tpu.memory_space<hbm>>
          %dma_wait3A_125 = arith.constant 0 : i32
          %dma_wait3A_126 = tpu.memref_slice %arg7[%run_scoped3A_102, %dma_wait3A_125] : memref<8x4000xf32, #tpu.memory_space<vmem>> -> memref<1x4000xf32, #tpu.memory_space<vmem>>
          %dma_wait3A_127 = tpu.memref_squeeze %dma_wait3A_126 : memref<1x4000xf32, #tpu.memory_space<vmem>> -> memref<4000xf32, #tpu.memory_space<vmem>>
          tpu.wait_dma2 semaphore(%run_scoped3A_112 : memref<!tpu.dma_semaphore, #tpu.memory_space<semaphore_mem>>) src(%dma_wait3A_127 : memref<4000xf32, #tpu.memory_space<vmem>>) dst(%dma_wait3A_124 : memref<4000xf32, #tpu.memory_space<hbm>>)
          tpu.yield
        }) : () -> ()
        %add3A_103 = arith.constant 20000000 : i32
        %add3A_104 = arith.addi %add3A_103, %mul3A_81 : i32
        %run_scoped3A_105 = arith.constant 5 : i32
        "tpu.region"() ({
          %run_scoped3A_112 = tpu.sem_alloc : memref<!tpu.dma_semaphore, #tpu.memory_space<semaphore_mem>>
          %dma_start3A = arith.constant 0 : i32
          %dma_start3A_113 = tpu.memref_slice %arg7[%run_scoped3A_105, %dma_start3A] : memref<8x4000xf32, #tpu.memory_space<vmem>> -> memref<1x4000xf32, #tpu.memory_space<vmem>>
          %dma_start3A_114 = tpu.memref_squeeze %dma_start3A_113 : memref<1x4000xf32, #tpu.memory_space<vmem>> -> memref<4000xf32, #tpu.memory_space<vmem>>
          %dma_start3A_115 = tpu.memref_slice %arg4[%add3A_104] : memref<32000000xf32, #tpu.memory_space<hbm>> -> memref<4000xf32, #tpu.memory_space<hbm>>
          %dma_start3A_116 = tpu.memref_slice %arg4[%add3A_104] : memref<32000000xf32, #tpu.memory_space<hbm>> -> memref<4000xf32, #tpu.memory_space<hbm>>
          %dma_start3A_117 = arith.constant 0 : i32
          %dma_start3A_118 = tpu.memref_slice %arg7[%run_scoped3A_105, %dma_start3A_117] : memref<8x4000xf32, #tpu.memory_space<vmem>> -> memref<1x4000xf32, #tpu.memory_space<vmem>>
          %dma_start3A_119 = tpu.memref_squeeze %dma_start3A_118 : memref<1x4000xf32, #tpu.memory_space<vmem>> -> memref<4000xf32, #tpu.memory_space<vmem>>
          tpu.enqueue_dma source(%dma_start3A_119 : memref<4000xf32, #tpu.memory_space<vmem>>) target(%dma_start3A_116 : memref<4000xf32, #tpu.memory_space<hbm>>) target_semaphore(%run_scoped3A_112 : memref<!tpu.dma_semaphore, #tpu.memory_space<semaphore_mem>>)
          %dma_wait3A_120 = arith.constant 0 : i32
          %dma_wait3A_121 = tpu.memref_slice %arg7[%run_scoped3A_105, %dma_wait3A_120] : memref<8x4000xf32, #tpu.memory_space<vmem>> -> memref<1x4000xf32, #tpu.memory_space<vmem>>
          %dma_wait3A_122 = tpu.memref_squeeze %dma_wait3A_121 : memref<1x4000xf32, #tpu.memory_space<vmem>> -> memref<4000xf32, #tpu.memory_space<vmem>>
          %dma_wait3A_123 = tpu.memref_slice %arg4[%add3A_104] : memref<32000000xf32, #tpu.memory_space<hbm>> -> memref<4000xf32, #tpu.memory_space<hbm>>
          %dma_wait3A_124 = tpu.memref_slice %arg4[%add3A_104] : memref<32000000xf32, #tpu.memory_space<hbm>> -> memref<4000xf32, #tpu.memory_space<hbm>>
          %dma_wait3A_125 = arith.constant 0 : i32
          %dma_wait3A_126 = tpu.memref_slice %arg7[%run_scoped3A_105, %dma_wait3A_125] : memref<8x4000xf32, #tpu.memory_space<vmem>> -> memref<1x4000xf32, #tpu.memory_space<vmem>>
          %dma_wait3A_127 = tpu.memref_squeeze %dma_wait3A_126 : memref<1x4000xf32, #tpu.memory_space<vmem>> -> memref<4000xf32, #tpu.memory_space<vmem>>
          tpu.wait_dma2 semaphore(%run_scoped3A_112 : memref<!tpu.dma_semaphore, #tpu.memory_space<semaphore_mem>>) src(%dma_wait3A_127 : memref<4000xf32, #tpu.memory_space<vmem>>) dst(%dma_wait3A_124 : memref<4000xf32, #tpu.memory_space<hbm>>)
          tpu.yield
        }) : () -> ()
        %add3A_106 = arith.constant 24000000 : i32
        %add3A_107 = arith.addi %add3A_106, %mul3A_81 : i32
        %run_scoped3A_108 = arith.constant 6 : i32
        "tpu.region"() ({
          %run_scoped3A_112 = tpu.sem_alloc : memref<!tpu.dma_semaphore, #tpu.memory_space<semaphore_mem>>
          %dma_start3A = arith.constant 0 : i32
          %dma_start3A_113 = tpu.memref_slice %arg7[%run_scoped3A_108, %dma_start3A] : memref<8x4000xf32, #tpu.memory_space<vmem>> -> memref<1x4000xf32, #tpu.memory_space<vmem>>
          %dma_start3A_114 = tpu.memref_squeeze %dma_start3A_113 : memref<1x4000xf32, #tpu.memory_space<vmem>> -> memref<4000xf32, #tpu.memory_space<vmem>>
          %dma_start3A_115 = tpu.memref_slice %arg4[%add3A_107] : memref<32000000xf32, #tpu.memory_space<hbm>> -> memref<4000xf32, #tpu.memory_space<hbm>>
          %dma_start3A_116 = tpu.memref_slice %arg4[%add3A_107] : memref<32000000xf32, #tpu.memory_space<hbm>> -> memref<4000xf32, #tpu.memory_space<hbm>>
          %dma_start3A_117 = arith.constant 0 : i32
          %dma_start3A_118 = tpu.memref_slice %arg7[%run_scoped3A_108, %dma_start3A_117] : memref<8x4000xf32, #tpu.memory_space<vmem>> -> memref<1x4000xf32, #tpu.memory_space<vmem>>
          %dma_start3A_119 = tpu.memref_squeeze %dma_start3A_118 : memref<1x4000xf32, #tpu.memory_space<vmem>> -> memref<4000xf32, #tpu.memory_space<vmem>>
          tpu.enqueue_dma source(%dma_start3A_119 : memref<4000xf32, #tpu.memory_space<vmem>>) target(%dma_start3A_116 : memref<4000xf32, #tpu.memory_space<hbm>>) target_semaphore(%run_scoped3A_112 : memref<!tpu.dma_semaphore, #tpu.memory_space<semaphore_mem>>)
          %dma_wait3A_120 = arith.constant 0 : i32
          %dma_wait3A_121 = tpu.memref_slice %arg7[%run_scoped3A_108, %dma_wait3A_120] : memref<8x4000xf32, #tpu.memory_space<vmem>> -> memref<1x4000xf32, #tpu.memory_space<vmem>>
          %dma_wait3A_122 = tpu.memref_squeeze %dma_wait3A_121 : memref<1x4000xf32, #tpu.memory_space<vmem>> -> memref<4000xf32, #tpu.memory_space<vmem>>
          %dma_wait3A_123 = tpu.memref_slice %arg4[%add3A_107] : memref<32000000xf32, #tpu.memory_space<hbm>> -> memref<4000xf32, #tpu.memory_space<hbm>>
          %dma_wait3A_124 = tpu.memref_slice %arg4[%add3A_107] : memref<32000000xf32, #tpu.memory_space<hbm>> -> memref<4000xf32, #tpu.memory_space<hbm>>
          %dma_wait3A_125 = arith.constant 0 : i32
          %dma_wait3A_126 = tpu.memref_slice %arg7[%run_scoped3A_108, %dma_wait3A_125] : memref<8x4000xf32, #tpu.memory_space<vmem>> -> memref<1x4000xf32, #tpu.memory_space<vmem>>
          %dma_wait3A_127 = tpu.memref_squeeze %dma_wait3A_126 : memref<1x4000xf32, #tpu.memory_space<vmem>> -> memref<4000xf32, #tpu.memory_space<vmem>>
          tpu.wait_dma2 semaphore(%run_scoped3A_112 : memref<!tpu.dma_semaphore, #tpu.memory_space<semaphore_mem>>) src(%dma_wait3A_127 : memref<4000xf32, #tpu.memory_space<vmem>>) dst(%dma_wait3A_124 : memref<4000xf32, #tpu.memory_space<hbm>>)
          tpu.yield
        }) : () -> ()
        %add3A_109 = arith.constant 28000000 : i32
        %add3A_110 = arith.addi %add3A_109, %mul3A_81 : i32
        %run_scoped3A_111 = arith.constant 7 : i32
        "tpu.region"() ({
          %run_scoped3A_112 = tpu.sem_alloc : memref<!tpu.dma_semaphore, #tpu.memory_space<semaphore_mem>>
          %dma_start3A = arith.constant 0 : i32
          %dma_start3A_113 = tpu.memref_slice %arg7[%run_scoped3A_111, %dma_start3A] : memref<8x4000xf32, #tpu.memory_space<vmem>> -> memref<1x4000xf32, #tpu.memory_space<vmem>>
          %dma_start3A_114 = tpu.memref_squeeze %dma_start3A_113 : memref<1x4000xf32, #tpu.memory_space<vmem>> -> memref<4000xf32, #tpu.memory_space<vmem>>
          %dma_start3A_115 = tpu.memref_slice %arg4[%add3A_110] : memref<32000000xf32, #tpu.memory_space<hbm>> -> memref<4000xf32, #tpu.memory_space<hbm>>
          %dma_start3A_116 = tpu.memref_slice %arg4[%add3A_110] : memref<32000000xf32, #tpu.memory_space<hbm>> -> memref<4000xf32, #tpu.memory_space<hbm>>
          %dma_start3A_117 = arith.constant 0 : i32
          %dma_start3A_118 = tpu.memref_slice %arg7[%run_scoped3A_111, %dma_start3A_117] : memref<8x4000xf32, #tpu.memory_space<vmem>> -> memref<1x4000xf32, #tpu.memory_space<vmem>>
          %dma_start3A_119 = tpu.memref_squeeze %dma_start3A_118 : memref<1x4000xf32, #tpu.memory_space<vmem>> -> memref<4000xf32, #tpu.memory_space<vmem>>
          tpu.enqueue_dma source(%dma_start3A_119 : memref<4000xf32, #tpu.memory_space<vmem>>) target(%dma_start3A_116 : memref<4000xf32, #tpu.memory_space<hbm>>) target_semaphore(%run_scoped3A_112 : memref<!tpu.dma_semaphore, #tpu.memory_space<semaphore_mem>>)
          %dma_wait3A_120 = arith.constant 0 : i32
          %dma_wait3A_121 = tpu.memref_slice %arg7[%run_scoped3A_111, %dma_wait3A_120] : memref<8x4000xf32, #tpu.memory_space<vmem>> -> memref<1x4000xf32, #tpu.memory_space<vmem>>
          %dma_wait3A_122 = tpu.memref_squeeze %dma_wait3A_121 : memref<1x4000xf32, #tpu.memory_space<vmem>> -> memref<4000xf32, #tpu.memory_space<vmem>>
          %dma_wait3A_123 = tpu.memref_slice %arg4[%add3A_110] : memref<32000000xf32, #tpu.memory_space<hbm>> -> memref<4000xf32, #tpu.memory_space<hbm>>
          %dma_wait3A_124 = tpu.memref_slice %arg4[%add3A_110] : memref<32000000xf32, #tpu.memory_space<hbm>> -> memref<4000xf32, #tpu.memory_space<hbm>>
          %dma_wait3A_125 = arith.constant 0 : i32
          %dma_wait3A_126 = tpu.memref_slice %arg7[%run_scoped3A_111, %dma_wait3A_125] : memref<8x4000xf32, #tpu.memory_space<vmem>> -> memref<1x4000xf32, #tpu.memory_space<vmem>>
          %dma_wait3A_127 = tpu.memref_squeeze %dma_wait3A_126 : memref<1x4000xf32, #tpu.memory_space<vmem>> -> memref<4000xf32, #tpu.memory_space<vmem>>
          tpu.wait_dma2 semaphore(%run_scoped3A_112 : memref<!tpu.dma_semaphore, #tpu.memory_space<semaphore_mem>>) src(%dma_wait3A_127 : memref<4000xf32, #tpu.memory_space<vmem>>) dst(%dma_wait3A_124 : memref<4000xf32, #tpu.memory_space<hbm>>)
          tpu.yield
        }) : () -> ()
      } else {
      }
      %add3A_46 = arith.constant 2 : i32
      %add3A_47 = arith.addi %mul3A_27, %add3A_46 : i32
      %mul3A_48 = arith.constant 32 : i32
      %mul3A_49 = arith.muli %add3A_47, %mul3A_48 : i32
      %add3A_50 = arith.addi %mul3A_49, %add3A : i32
      %lt3A_51 = arith.constant 1000 : i32
      %lt3A_52 = arith.cmpi slt, %add3A_50, %lt3A_51 : i32
      %convert_element_type3A_53 = arith.extui %lt3A_52 : i1 to i32
      %cond3A_54 = arith.constant 0 : i32
      %cond3A_55 = arith.cmpi ne, %convert_element_type3A_53, %cond3A_54 : i32
      scf.if %cond3A_55 {
        %mul3A_66 = arith.constant 4000 : i32
        %mul3A_67 = arith.muli %add3A_50, %mul3A_66 : i32
        %run_scoped3A = arith.constant 0 : i32
        "tpu.region"() ({
          %run_scoped3A_79 = tpu.sem_alloc : memref<!tpu.dma_semaphore, #tpu.memory_space<semaphore_mem>>
          %dma_start3A_80 = arith.constant 0 : i32
          %dma_start3A_81 = tpu.memref_slice %arg5[%run_scoped3A, %dma_start3A_80] : memref<2x4000xi32, #tpu.memory_space<vmem>> -> memref<1x4000xi32, #tpu.memory_space<vmem>>
          %dma_start3A_82 = tpu.memref_squeeze %dma_start3A_81 : memref<1x4000xi32, #tpu.memory_space<vmem>> -> memref<4000xi32, #tpu.memory_space<vmem>>
          %dma_start3A_83 = tpu.memref_slice %arg3[%mul3A_67] : memref<4000000xi32, #tpu.memory_space<hbm>> -> memref<4000xi32, #tpu.memory_space<hbm>>
          %dma_start3A_84 = arith.constant 0 : i32
          %dma_start3A_85 = tpu.memref_slice %arg5[%run_scoped3A, %dma_start3A_84] : memref<2x4000xi32, #tpu.memory_space<vmem>> -> memref<1x4000xi32, #tpu.memory_space<vmem>>
          %dma_start3A_86 = tpu.memref_squeeze %dma_start3A_85 : memref<1x4000xi32, #tpu.memory_space<vmem>> -> memref<4000xi32, #tpu.memory_space<vmem>>
          %dma_start3A_87 = tpu.memref_slice %arg3[%mul3A_67] : memref<4000000xi32, #tpu.memory_space<hbm>> -> memref<4000xi32, #tpu.memory_space<hbm>>
          tpu.enqueue_dma source(%dma_start3A_87 : memref<4000xi32, #tpu.memory_space<hbm>>) target(%dma_start3A_86 : memref<4000xi32, #tpu.memory_space<vmem>>) target_semaphore(%run_scoped3A_79 : memref<!tpu.dma_semaphore, #tpu.memory_space<semaphore_mem>>)
          %dma_wait3A = arith.constant 0 : i32
          %dma_wait3A_88 = tpu.memref_slice %arg5[%run_scoped3A, %dma_wait3A] : memref<2x4000xi32, #tpu.memory_space<vmem>> -> memref<1x4000xi32, #tpu.memory_space<vmem>>
          %dma_wait3A_89 = tpu.memref_squeeze %dma_wait3A_88 : memref<1x4000xi32, #tpu.memory_space<vmem>> -> memref<4000xi32, #tpu.memory_space<vmem>>
          %dma_wait3A_90 = tpu.memref_slice %arg3[%mul3A_67] : memref<4000000xi32, #tpu.memory_space<hbm>> -> memref<4000xi32, #tpu.memory_space<hbm>>
          %dma_wait3A_91 = arith.constant 0 : i32
          %dma_wait3A_92 = tpu.memref_slice %arg5[%run_scoped3A, %dma_wait3A_91] : memref<2x4000xi32, #tpu.memory_space<vmem>> -> memref<1x4000xi32, #tpu.memory_space<vmem>>
          %dma_wait3A_93 = tpu.memref_squeeze %dma_wait3A_92 : memref<1x4000xi32, #tpu.memory_space<vmem>> -> memref<4000xi32, #tpu.memory_space<vmem>>
          %dma_wait3A_94 = tpu.memref_slice %arg3[%mul3A_67] : memref<4000000xi32, #tpu.memory_space<hbm>> -> memref<4000xi32, #tpu.memory_space<hbm>>
          tpu.wait_dma2 semaphore(%run_scoped3A_79 : memref<!tpu.dma_semaphore, #tpu.memory_space<semaphore_mem>>) src(%dma_wait3A_94 : memref<4000xi32, #tpu.memory_space<hbm>>) dst(%dma_wait3A_93 : memref<4000xi32, #tpu.memory_space<vmem>>)
          tpu.yield
        }) : () -> ()
        %dma_start3A = arith.constant 0 : i32
        %dma_start3A_68 = arith.constant 0 : i32
        %dma_start3A_69 = arith.constant 0 : i32
        %dma_start3A_70 = arith.constant 0 : i32
        %dma_start3A_71 = tpu.memref_slice %arg6[%dma_start3A_68, %dma_start3A_69, %dma_start3A_70] : memref<2x4000x8xf32, #tpu.memory_space<vmem>> -> memref<1x4000x8xf32, #tpu.memory_space<vmem>>
        %dma_start3A_72 = tpu.memref_squeeze %dma_start3A_71 : memref<1x4000x8xf32, #tpu.memory_space<vmem>> -> memref<4000x8xf32, #tpu.memory_space<vmem>>
        %dma_start3A_73 = arith.constant 0 : i32
        %dma_start3A_74 = tpu.memref_slice %arg5[%dma_start3A, %dma_start3A_73] : memref<2x4000xi32, #tpu.memory_space<vmem>> -> memref<1x4000xi32, #tpu.memory_space<vmem>>
        %dma_start3A_75 = tpu.memref_squeeze %dma_start3A_74 : memref<1x4000xi32, #tpu.memory_space<vmem>> -> memref<4000xi32, #tpu.memory_space<vmem>>
        %dma_start3A_76 = arith.constant 0 : i32
        %dma_start3A_77 = arith.constant 0 : i32
        %dma_start3A_78 = tpu.memref_slice %arg2[%dma_start3A_76, %dma_start3A_77] : memref<500000x8xf32, #tpu.memory_space<hbm>> -> memref<500000x8xf32, #tpu.memory_space<hbm>>
        tpu.enqueue_indirect_dma source(%dma_start3A_78 : memref<500000x8xf32, #tpu.memory_space<hbm>>) target(%dma_start3A_72 : memref<4000x8xf32, #tpu.memory_space<vmem>>) offsets(%dma_start3A_75 : memref<4000xi32, #tpu.memory_space<vmem>>) semaphore(%arg8 : memref<!tpu.dma_semaphore, #tpu.memory_space<semaphore_mem>>)
      } else {
      }
      %add3A_56 = arith.constant 1 : i32
      %add3A_57 = arith.addi %mul3A_27, %add3A_56 : i32
      %mul3A_58 = arith.constant 32 : i32
      %mul3A_59 = arith.muli %add3A_57, %mul3A_58 : i32
      %add3A_60 = arith.addi %mul3A_59, %add3A : i32
      %lt3A_61 = arith.constant 1000 : i32
      %lt3A_62 = arith.cmpi slt, %add3A_60, %lt3A_61 : i32
      %convert_element_type3A_63 = arith.extui %lt3A_62 : i1 to i32
      %cond3A_64 = arith.constant 0 : i32
      %cond3A_65 = arith.cmpi ne, %convert_element_type3A_63, %cond3A_64 : i32
      scf.if %cond3A_65 {
        %dma_wait3A = arith.constant 1 : i32
        %dma_wait3A_66 = arith.constant 0 : i32
        %dma_wait3A_67 = arith.constant 0 : i32
        %dma_wait3A_68 = tpu.memref_slice %arg6[%dma_wait3A, %dma_wait3A_66, %dma_wait3A_67] : memref<2x4000x8xf32, #tpu.memory_space<vmem>> -> memref<1x4000x8xf32, #tpu.memory_space<vmem>>
        %dma_wait3A_69 = tpu.memref_squeeze %dma_wait3A_68 : memref<1x4000x8xf32, #tpu.memory_space<vmem>> -> memref<4000x8xf32, #tpu.memory_space<vmem>>
        %dma_wait3A_70 = arith.constant 0 : i32
        %dma_wait3A_71 = arith.constant 0 : i32
        %dma_wait3A_72 = tpu.memref_slice %arg2[%dma_wait3A_70, %dma_wait3A_71] : memref<500000x8xf32, #tpu.memory_space<hbm>> -> memref<4000x8xf32, #tpu.memory_space<hbm>>
        %dma_wait3A_73 = arith.constant 0 : i32
        %dma_wait3A_74 = arith.constant 0 : i32
        %dma_wait3A_75 = tpu.memref_slice %arg6[%dma_wait3A, %dma_wait3A_73, %dma_wait3A_74] : memref<2x4000x8xf32, #tpu.memory_space<vmem>> -> memref<1x4000x8xf32, #tpu.memory_space<vmem>>
        %dma_wait3A_76 = tpu.memref_squeeze %dma_wait3A_75 : memref<1x4000x8xf32, #tpu.memory_space<vmem>> -> memref<4000x8xf32, #tpu.memory_space<vmem>>
        %dma_wait3A_77 = arith.constant 0 : i32
        %dma_wait3A_78 = arith.constant 0 : i32
        %dma_wait3A_79 = tpu.memref_slice %arg2[%dma_wait3A_77, %dma_wait3A_78] : memref<500000x8xf32, #tpu.memory_space<hbm>> -> memref<4000x8xf32, #tpu.memory_space<hbm>>
        tpu.wait_dma2 semaphore(%arg9 : memref<!tpu.dma_semaphore, #tpu.memory_space<semaphore_mem>>) src(%dma_wait3A_79 : memref<4000x8xf32, #tpu.memory_space<hbm>>) dst(%dma_wait3A_76 : memref<4000x8xf32, #tpu.memory_space<vmem>>)
        %mul3A_80 = arith.constant 4000 : i32
        %mul3A_81 = arith.muli %add3A_60, %mul3A_80 : i32
        %scan3A_82 = arith.constant 0 : i32
        %scan3A_83 = arith.constant 1 : i32
        %scan3A_84 = arith.constant 0 : i32
        %scan3A_85 = arith.constant 250 : i32
        %scan3A_86 = arith.addi %scan3A_84, %scan3A_85 : i32
        %scan3A_87 = arith.constant 1 : i32
        scf.for %scan3A_112 = %scan3A_84 to %scan3A_86 step %scan3A_87  : i32 {
          %mul3A_113 = arith.constant 16 : i32
          %mul3A_114 = arith.muli %scan3A_112, %mul3A_113 : i32
          %add3A_115 = vector.broadcast %mul3A_114 : i32 to vector<16xi32>
          %add3A_116 = arith.addi %add3A_115, %iota3A : vector<16xi32>
          %gather3A = arith.constant 0 : i32
          %gather3A_117 = arith.constant 0 : i32
          %gather3A_118 = tpu.memref_slice %arg6[%scan3A_83, %gather3A, %gather3A_117] : memref<2x4000x8xf32, #tpu.memory_space<vmem>> -> memref<1x4000x8xf32, #tpu.memory_space<vmem>>
          %gather3A_119 = tpu.memref_squeeze %gather3A_118 : memref<1x4000x8xf32, #tpu.memory_space<vmem>> -> memref<4000x8xf32, #tpu.memory_space<vmem>>
          %gather3A_120 = tpu.vector_load_idx %gather3A_119[%add3A_116, %broadcast_in_dim3A_1] : memref<4000x8xf32, #tpu.memory_space<vmem>>[vector<16xi32>, vector<16xi32>], vector<16xf32>,
          %swap3A = arith.constant 0 : i32
          %swap3A_121 = arith.index_cast %swap3A : i32 to index
          %swap3A_122 = arith.index_cast %mul3A_114 : i32 to index
          %swap3A_123 = tpu.vector_load %arg7[%swap3A_121, %swap3A_122] {strides = array<i32>} : memref<8x4000xf32, #tpu.memory_space<vmem>>, vector<16xf32>,
          tpu.vector_store %arg7[%swap3A_121, %swap3A_122], %gather3A_120 {strides = array<i32>} : memref<8x4000xf32, #tpu.memory_space<vmem>>, vector<16xf32>,
          %gather3A_124 = arith.constant 0 : i32
          %gather3A_125 = arith.constant 0 : i32
          %gather3A_126 = tpu.memref_slice %arg6[%scan3A_83, %gather3A_124, %gather3A_125] : memref<2x4000x8xf32, #tpu.memory_space<vmem>> -> memref<1x4000x8xf32, #tpu.memory_space<vmem>>
          %gather3A_127 = tpu.memref_squeeze %gather3A_126 : memref<1x4000x8xf32, #tpu.memory_space<vmem>> -> memref<4000x8xf32, #tpu.memory_space<vmem>>
          %gather3A_128 = tpu.vector_load_idx %gather3A_127[%add3A_116, %broadcast_in_dim3A_3] : memref<4000x8xf32, #tpu.memory_space<vmem>>[vector<16xi32>, vector<16xi32>], vector<16xf32>,
          %swap3A_129 = arith.constant 1 : i32
          %swap3A_130 = arith.index_cast %swap3A_129 : i32 to index
          %swap3A_131 = arith.index_cast %mul3A_114 : i32 to index
          %swap3A_132 = tpu.vector_load %arg7[%swap3A_130, %swap3A_131] {strides = array<i32>} : memref<8x4000xf32, #tpu.memory_space<vmem>>, vector<16xf32>,
          tpu.vector_store %arg7[%swap3A_130, %swap3A_131], %gather3A_128 {strides = array<i32>} : memref<8x4000xf32, #tpu.memory_space<vmem>>, vector<16xf32>,
          %gather3A_133 = arith.constant 0 : i32
          %gather3A_134 = arith.constant 0 : i32
          %gather3A_135 = tpu.memref_slice %arg6[%scan3A_83, %gather3A_133, %gather3A_134] : memref<2x4000x8xf32, #tpu.memory_space<vmem>> -> memref<1x4000x8xf32, #tpu.memory_space<vmem>>
          %gather3A_136 = tpu.memref_squeeze %gather3A_135 : memref<1x4000x8xf32, #tpu.memory_space<vmem>> -> memref<4000x8xf32, #tpu.memory_space<vmem>>
          %gather3A_137 = tpu.vector_load_idx %gather3A_136[%add3A_116, %broadcast_in_dim3A_5] : memref<4000x8xf32, #tpu.memory_space<vmem>>[vector<16xi32>, vector<16xi32>], vector<16xf32>,
          %swap3A_138 = arith.constant 2 : i32
          %swap3A_139 = arith.index_cast %swap3A_138 : i32 to index
          %swap3A_140 = arith.index_cast %mul3A_114 : i32 to index
          %swap3A_141 = tpu.vector_load %arg7[%swap3A_139, %swap3A_140] {strides = array<i32>} : memref<8x4000xf32, #tpu.memory_space<vmem>>, vector<16xf32>,
          tpu.vector_store %arg7[%swap3A_139, %swap3A_140], %gather3A_137 {strides = array<i32>} : memref<8x4000xf32, #tpu.memory_space<vmem>>, vector<16xf32>,
          %gather3A_142 = arith.constant 0 : i32
          %gather3A_143 = arith.constant 0 : i32
          %gather3A_144 = tpu.memref_slice %arg6[%scan3A_83, %gather3A_142, %gather3A_143] : memref<2x4000x8xf32, #tpu.memory_space<vmem>> -> memref<1x4000x8xf32, #tpu.memory_space<vmem>>
          %gather3A_145 = tpu.memref_squeeze %gather3A_144 : memref<1x4000x8xf32, #tpu.memory_space<vmem>> -> memref<4000x8xf32, #tpu.memory_space<vmem>>
          %gather3A_146 = tpu.vector_load_idx %gather3A_145[%add3A_116, %broadcast_in_dim3A_7] : memref<4000x8xf32, #tpu.memory_space<vmem>>[vector<16xi32>, vector<16xi32>], vector<16xf32>,
          %swap3A_147 = arith.constant 3 : i32
          %swap3A_148 = arith.index_cast %swap3A_147 : i32 to index
          %swap3A_149 = arith.index_cast %mul3A_114 : i32 to index
          %swap3A_150 = tpu.vector_load %arg7[%swap3A_148, %swap3A_149] {strides = array<i32>} : memref<8x4000xf32, #tpu.memory_space<vmem>>, vector<16xf32>,
          tpu.vector_store %arg7[%swap3A_148, %swap3A_149], %gather3A_146 {strides = array<i32>} : memref<8x4000xf32, #tpu.memory_space<vmem>>, vector<16xf32>,
          %gather3A_151 = arith.constant 0 : i32
          %gather3A_152 = arith.constant 0 : i32
          %gather3A_153 = tpu.memref_slice %arg6[%scan3A_83, %gather3A_151, %gather3A_152] : memref<2x4000x8xf32, #tpu.memory_space<vmem>> -> memref<1x4000x8xf32, #tpu.memory_space<vmem>>
          %gather3A_154 = tpu.memref_squeeze %gather3A_153 : memref<1x4000x8xf32, #tpu.memory_space<vmem>> -> memref<4000x8xf32, #tpu.memory_space<vmem>>
          %gather3A_155 = tpu.vector_load_idx %gather3A_154[%add3A_116, %broadcast_in_dim3A_9] : memref<4000x8xf32, #tpu.memory_space<vmem>>[vector<16xi32>, vector<16xi32>], vector<16xf32>,
          %swap3A_156 = arith.constant 4 : i32
          %swap3A_157 = arith.index_cast %swap3A_156 : i32 to index
          %swap3A_158 = arith.index_cast %mul3A_114 : i32 to index
          %swap3A_159 = tpu.vector_load %arg7[%swap3A_157, %swap3A_158] {strides = array<i32>} : memref<8x4000xf32, #tpu.memory_space<vmem>>, vector<16xf32>,
          tpu.vector_store %arg7[%swap3A_157, %swap3A_158], %gather3A_155 {strides = array<i32>} : memref<8x4000xf32, #tpu.memory_space<vmem>>, vector<16xf32>,
          %gather3A_160 = arith.constant 0 : i32
          %gather3A_161 = arith.constant 0 : i32
          %gather3A_162 = tpu.memref_slice %arg6[%scan3A_83, %gather3A_160, %gather3A_161] : memref<2x4000x8xf32, #tpu.memory_space<vmem>> -> memref<1x4000x8xf32, #tpu.memory_space<vmem>>
          %gather3A_163 = tpu.memref_squeeze %gather3A_162 : memref<1x4000x8xf32, #tpu.memory_space<vmem>> -> memref<4000x8xf32, #tpu.memory_space<vmem>>
          %gather3A_164 = tpu.vector_load_idx %gather3A_163[%add3A_116, %broadcast_in_dim3A_11] : memref<4000x8xf32, #tpu.memory_space<vmem>>[vector<16xi32>, vector<16xi32>], vector<16xf32>,
          %swap3A_165 = arith.constant 5 : i32
          %swap3A_166 = arith.index_cast %swap3A_165 : i32 to index
          %swap3A_167 = arith.index_cast %mul3A_114 : i32 to index
          %swap3A_168 = tpu.vector_load %arg7[%swap3A_166, %swap3A_167] {strides = array<i32>} : memref<8x4000xf32, #tpu.memory_space<vmem>>, vector<16xf32>,
          tpu.vector_store %arg7[%swap3A_166, %swap3A_167], %gather3A_164 {strides = array<i32>} : memref<8x4000xf32, #tpu.memory_space<vmem>>, vector<16xf32>,
          %gather3A_169 = arith.constant 0 : i32
          %gather3A_170 = arith.constant 0 : i32
          %gather3A_171 = tpu.memref_slice %arg6[%scan3A_83, %gather3A_169, %gather3A_170] : memref<2x4000x8xf32, #tpu.memory_space<vmem>> -> memref<1x4000x8xf32, #tpu.memory_space<vmem>>
          %gather3A_172 = tpu.memref_squeeze %gather3A_171 : memref<1x4000x8xf32, #tpu.memory_space<vmem>> -> memref<4000x8xf32, #tpu.memory_space<vmem>>
          %gather3A_173 = tpu.vector_load_idx %gather3A_172[%add3A_116, %broadcast_in_dim3A_13] : memref<4000x8xf32, #tpu.memory_space<vmem>>[vector<16xi32>, vector<16xi32>], vector<16xf32>,
          %swap3A_174 = arith.constant 6 : i32
          %swap3A_175 = arith.index_cast %swap3A_174 : i32 to index
          %swap3A_176 = arith.index_cast %mul3A_114 : i32 to index
          %swap3A_177 = tpu.vector_load %arg7[%swap3A_175, %swap3A_176] {strides = array<i32>} : memref<8x4000xf32, #tpu.memory_space<vmem>>, vector<16xf32>,
          tpu.vector_store %arg7[%swap3A_175, %swap3A_176], %gather3A_173 {strides = array<i32>} : memref<8x4000xf32, #tpu.memory_space<vmem>>, vector<16xf32>,
          %gather3A_178 = arith.constant 0 : i32
          %gather3A_179 = arith.constant 0 : i32
          %gather3A_180 = tpu.memref_slice %arg6[%scan3A_83, %gather3A_178, %gather3A_179] : memref<2x4000x8xf32, #tpu.memory_space<vmem>> -> memref<1x4000x8xf32, #tpu.memory_space<vmem>>
          %gather3A_181 = tpu.memref_squeeze %gather3A_180 : memref<1x4000x8xf32, #tpu.memory_space<vmem>> -> memref<4000x8xf32, #tpu.memory_space<vmem>>
          %gather3A_182 = tpu.vector_load_idx %gather3A_181[%add3A_116, %broadcast_in_dim3A_15] : memref<4000x8xf32, #tpu.memory_space<vmem>>[vector<16xi32>, vector<16xi32>], vector<16xf32>,
          %swap3A_183 = arith.constant 7 : i32
          %swap3A_184 = arith.index_cast %swap3A_183 : i32 to index
          %swap3A_185 = arith.index_cast %mul3A_114 : i32 to index
          %swap3A_186 = tpu.vector_load %arg7[%swap3A_184, %swap3A_185] {strides = array<i32>} : memref<8x4000xf32, #tpu.memory_space<vmem>>, vector<16xf32>,
          tpu.vector_store %arg7[%swap3A_184, %swap3A_185], %gather3A_182 {strides = array<i32>} : memref<8x4000xf32, #tpu.memory_space<vmem>>, vector<16xf32>,
        }
        %scan3A_88 = arith.constant 250 : i32
        %add3A_89 = arith.constant 0 : i32
        %add3A_90 = arith.addi %add3A_89, %mul3A_81 : i32
        %run_scoped3A = arith.constant 0 : i32
        "tpu.region"() ({
          %run_scoped3A_112 = tpu.sem_alloc : memref<!tpu.dma_semaphore, #tpu.memory_space<semaphore_mem>>
          %dma_start3A = arith.constant 0 : i32
          %dma_start3A_113 = tpu.memref_slice %arg7[%run_scoped3A, %dma_start3A] : memref<8x4000xf32, #tpu.memory_space<vmem>> -> memref<1x4000xf32, #tpu.memory_space<vmem>>
          %dma_start3A_114 = tpu.memref_squeeze %dma_start3A_113 : memref<1x4000xf32, #tpu.memory_space<vmem>> -> memref<4000xf32, #tpu.memory_space<vmem>>
          %dma_start3A_115 = tpu.memref_slice %arg4[%add3A_90] : memref<32000000xf32, #tpu.memory_space<hbm>> -> memref<4000xf32, #tpu.memory_space<hbm>>
          %dma_start3A_116 = tpu.memref_slice %arg4[%add3A_90] : memref<32000000xf32, #tpu.memory_space<hbm>> -> memref<4000xf32, #tpu.memory_space<hbm>>
          %dma_start3A_117 = arith.constant 0 : i32
          %dma_start3A_118 = tpu.memref_slice %arg7[%run_scoped3A, %dma_start3A_117] : memref<8x4000xf32, #tpu.memory_space<vmem>> -> memref<1x4000xf32, #tpu.memory_space<vmem>>
          %dma_start3A_119 = tpu.memref_squeeze %dma_start3A_118 : memref<1x4000xf32, #tpu.memory_space<vmem>> -> memref<4000xf32, #tpu.memory_space<vmem>>
          tpu.enqueue_dma source(%dma_start3A_119 : memref<4000xf32, #tpu.memory_space<vmem>>) target(%dma_start3A_116 : memref<4000xf32, #tpu.memory_space<hbm>>) target_semaphore(%run_scoped3A_112 : memref<!tpu.dma_semaphore, #tpu.memory_space<semaphore_mem>>)
          %dma_wait3A_120 = arith.constant 0 : i32
          %dma_wait3A_121 = tpu.memref_slice %arg7[%run_scoped3A, %dma_wait3A_120] : memref<8x4000xf32, #tpu.memory_space<vmem>> -> memref<1x4000xf32, #tpu.memory_space<vmem>>
          %dma_wait3A_122 = tpu.memref_squeeze %dma_wait3A_121 : memref<1x4000xf32, #tpu.memory_space<vmem>> -> memref<4000xf32, #tpu.memory_space<vmem>>
          %dma_wait3A_123 = tpu.memref_slice %arg4[%add3A_90] : memref<32000000xf32, #tpu.memory_space<hbm>> -> memref<4000xf32, #tpu.memory_space<hbm>>
          %dma_wait3A_124 = tpu.memref_slice %arg4[%add3A_90] : memref<32000000xf32, #tpu.memory_space<hbm>> -> memref<4000xf32, #tpu.memory_space<hbm>>
          %dma_wait3A_125 = arith.constant 0 : i32
          %dma_wait3A_126 = tpu.memref_slice %arg7[%run_scoped3A, %dma_wait3A_125] : memref<8x4000xf32, #tpu.memory_space<vmem>> -> memref<1x4000xf32, #tpu.memory_space<vmem>>
          %dma_wait3A_127 = tpu.memref_squeeze %dma_wait3A_126 : memref<1x4000xf32, #tpu.memory_space<vmem>> -> memref<4000xf32, #tpu.memory_space<vmem>>
          tpu.wait_dma2 semaphore(%run_scoped3A_112 : memref<!tpu.dma_semaphore, #tpu.memory_space<semaphore_mem>>) src(%dma_wait3A_127 : memref<4000xf32, #tpu.memory_space<vmem>>) dst(%dma_wait3A_124 : memref<4000xf32, #tpu.memory_space<hbm>>)
          tpu.yield
        }) : () -> ()
        %add3A_91 = arith.constant 4000000 : i32
        %add3A_92 = arith.addi %add3A_91, %mul3A_81 : i32
        %run_scoped3A_93 = arith.constant 1 : i32
        "tpu.region"() ({
          %run_scoped3A_112 = tpu.sem_alloc : memref<!tpu.dma_semaphore, #tpu.memory_space<semaphore_mem>>
          %dma_start3A = arith.constant 0 : i32
          %dma_start3A_113 = tpu.memref_slice %arg7[%run_scoped3A_93, %dma_start3A] : memref<8x4000xf32, #tpu.memory_space<vmem>> -> memref<1x4000xf32, #tpu.memory_space<vmem>>
          %dma_start3A_114 = tpu.memref_squeeze %dma_start3A_113 : memref<1x4000xf32, #tpu.memory_space<vmem>> -> memref<4000xf32, #tpu.memory_space<vmem>>
          %dma_start3A_115 = tpu.memref_slice %arg4[%add3A_92] : memref<32000000xf32, #tpu.memory_space<hbm>> -> memref<4000xf32, #tpu.memory_space<hbm>>
          %dma_start3A_116 = tpu.memref_slice %arg4[%add3A_92] : memref<32000000xf32, #tpu.memory_space<hbm>> -> memref<4000xf32, #tpu.memory_space<hbm>>
          %dma_start3A_117 = arith.constant 0 : i32
          %dma_start3A_118 = tpu.memref_slice %arg7[%run_scoped3A_93, %dma_start3A_117] : memref<8x4000xf32, #tpu.memory_space<vmem>> -> memref<1x4000xf32, #tpu.memory_space<vmem>>
          %dma_start3A_119 = tpu.memref_squeeze %dma_start3A_118 : memref<1x4000xf32, #tpu.memory_space<vmem>> -> memref<4000xf32, #tpu.memory_space<vmem>>
          tpu.enqueue_dma source(%dma_start3A_119 : memref<4000xf32, #tpu.memory_space<vmem>>) target(%dma_start3A_116 : memref<4000xf32, #tpu.memory_space<hbm>>) target_semaphore(%run_scoped3A_112 : memref<!tpu.dma_semaphore, #tpu.memory_space<semaphore_mem>>)
          %dma_wait3A_120 = arith.constant 0 : i32
          %dma_wait3A_121 = tpu.memref_slice %arg7[%run_scoped3A_93, %dma_wait3A_120] : memref<8x4000xf32, #tpu.memory_space<vmem>> -> memref<1x4000xf32, #tpu.memory_space<vmem>>
          %dma_wait3A_122 = tpu.memref_squeeze %dma_wait3A_121 : memref<1x4000xf32, #tpu.memory_space<vmem>> -> memref<4000xf32, #tpu.memory_space<vmem>>
          %dma_wait3A_123 = tpu.memref_slice %arg4[%add3A_92] : memref<32000000xf32, #tpu.memory_space<hbm>> -> memref<4000xf32, #tpu.memory_space<hbm>>
          %dma_wait3A_124 = tpu.memref_slice %arg4[%add3A_92] : memref<32000000xf32, #tpu.memory_space<hbm>> -> memref<4000xf32, #tpu.memory_space<hbm>>
          %dma_wait3A_125 = arith.constant 0 : i32
          %dma_wait3A_126 = tpu.memref_slice %arg7[%run_scoped3A_93, %dma_wait3A_125] : memref<8x4000xf32, #tpu.memory_space<vmem>> -> memref<1x4000xf32, #tpu.memory_space<vmem>>
          %dma_wait3A_127 = tpu.memref_squeeze %dma_wait3A_126 : memref<1x4000xf32, #tpu.memory_space<vmem>> -> memref<4000xf32, #tpu.memory_space<vmem>>
          tpu.wait_dma2 semaphore(%run_scoped3A_112 : memref<!tpu.dma_semaphore, #tpu.memory_space<semaphore_mem>>) src(%dma_wait3A_127 : memref<4000xf32, #tpu.memory_space<vmem>>) dst(%dma_wait3A_124 : memref<4000xf32, #tpu.memory_space<hbm>>)
          tpu.yield
        }) : () -> ()
        %add3A_94 = arith.constant 8000000 : i32
        %add3A_95 = arith.addi %add3A_94, %mul3A_81 : i32
        %run_scoped3A_96 = arith.constant 2 : i32
        "tpu.region"() ({
          %run_scoped3A_112 = tpu.sem_alloc : memref<!tpu.dma_semaphore, #tpu.memory_space<semaphore_mem>>
          %dma_start3A = arith.constant 0 : i32
          %dma_start3A_113 = tpu.memref_slice %arg7[%run_scoped3A_96, %dma_start3A] : memref<8x4000xf32, #tpu.memory_space<vmem>> -> memref<1x4000xf32, #tpu.memory_space<vmem>>
          %dma_start3A_114 = tpu.memref_squeeze %dma_start3A_113 : memref<1x4000xf32, #tpu.memory_space<vmem>> -> memref<4000xf32, #tpu.memory_space<vmem>>
          %dma_start3A_115 = tpu.memref_slice %arg4[%add3A_95] : memref<32000000xf32, #tpu.memory_space<hbm>> -> memref<4000xf32, #tpu.memory_space<hbm>>
          %dma_start3A_116 = tpu.memref_slice %arg4[%add3A_95] : memref<32000000xf32, #tpu.memory_space<hbm>> -> memref<4000xf32, #tpu.memory_space<hbm>>
          %dma_start3A_117 = arith.constant 0 : i32
          %dma_start3A_118 = tpu.memref_slice %arg7[%run_scoped3A_96, %dma_start3A_117] : memref<8x4000xf32, #tpu.memory_space<vmem>> -> memref<1x4000xf32, #tpu.memory_space<vmem>>
          %dma_start3A_119 = tpu.memref_squeeze %dma_start3A_118 : memref<1x4000xf32, #tpu.memory_space<vmem>> -> memref<4000xf32, #tpu.memory_space<vmem>>
          tpu.enqueue_dma source(%dma_start3A_119 : memref<4000xf32, #tpu.memory_space<vmem>>) target(%dma_start3A_116 : memref<4000xf32, #tpu.memory_space<hbm>>) target_semaphore(%run_scoped3A_112 : memref<!tpu.dma_semaphore, #tpu.memory_space<semaphore_mem>>)
          %dma_wait3A_120 = arith.constant 0 : i32
          %dma_wait3A_121 = tpu.memref_slice %arg7[%run_scoped3A_96, %dma_wait3A_120] : memref<8x4000xf32, #tpu.memory_space<vmem>> -> memref<1x4000xf32, #tpu.memory_space<vmem>>
          %dma_wait3A_122 = tpu.memref_squeeze %dma_wait3A_121 : memref<1x4000xf32, #tpu.memory_space<vmem>> -> memref<4000xf32, #tpu.memory_space<vmem>>
          %dma_wait3A_123 = tpu.memref_slice %arg4[%add3A_95] : memref<32000000xf32, #tpu.memory_space<hbm>> -> memref<4000xf32, #tpu.memory_space<hbm>>
          %dma_wait3A_124 = tpu.memref_slice %arg4[%add3A_95] : memref<32000000xf32, #tpu.memory_space<hbm>> -> memref<4000xf32, #tpu.memory_space<hbm>>
          %dma_wait3A_125 = arith.constant 0 : i32
          %dma_wait3A_126 = tpu.memref_slice %arg7[%run_scoped3A_96, %dma_wait3A_125] : memref<8x4000xf32, #tpu.memory_space<vmem>> -> memref<1x4000xf32, #tpu.memory_space<vmem>>
          %dma_wait3A_127 = tpu.memref_squeeze %dma_wait3A_126 : memref<1x4000xf32, #tpu.memory_space<vmem>> -> memref<4000xf32, #tpu.memory_space<vmem>>
          tpu.wait_dma2 semaphore(%run_scoped3A_112 : memref<!tpu.dma_semaphore, #tpu.memory_space<semaphore_mem>>) src(%dma_wait3A_127 : memref<4000xf32, #tpu.memory_space<vmem>>) dst(%dma_wait3A_124 : memref<4000xf32, #tpu.memory_space<hbm>>)
          tpu.yield
        }) : () -> ()
        %add3A_97 = arith.constant 12000000 : i32
        %add3A_98 = arith.addi %add3A_97, %mul3A_81 : i32
        %run_scoped3A_99 = arith.constant 3 : i32
        "tpu.region"() ({
          %run_scoped3A_112 = tpu.sem_alloc : memref<!tpu.dma_semaphore, #tpu.memory_space<semaphore_mem>>
          %dma_start3A = arith.constant 0 : i32
          %dma_start3A_113 = tpu.memref_slice %arg7[%run_scoped3A_99, %dma_start3A] : memref<8x4000xf32, #tpu.memory_space<vmem>> -> memref<1x4000xf32, #tpu.memory_space<vmem>>
          %dma_start3A_114 = tpu.memref_squeeze %dma_start3A_113 : memref<1x4000xf32, #tpu.memory_space<vmem>> -> memref<4000xf32, #tpu.memory_space<vmem>>
          %dma_start3A_115 = tpu.memref_slice %arg4[%add3A_98] : memref<32000000xf32, #tpu.memory_space<hbm>> -> memref<4000xf32, #tpu.memory_space<hbm>>
          %dma_start3A_116 = tpu.memref_slice %arg4[%add3A_98] : memref<32000000xf32, #tpu.memory_space<hbm>> -> memref<4000xf32, #tpu.memory_space<hbm>>
          %dma_start3A_117 = arith.constant 0 : i32
          %dma_start3A_118 = tpu.memref_slice %arg7[%run_scoped3A_99, %dma_start3A_117] : memref<8x4000xf32, #tpu.memory_space<vmem>> -> memref<1x4000xf32, #tpu.memory_space<vmem>>
          %dma_start3A_119 = tpu.memref_squeeze %dma_start3A_118 : memref<1x4000xf32, #tpu.memory_space<vmem>> -> memref<4000xf32, #tpu.memory_space<vmem>>
          tpu.enqueue_dma source(%dma_start3A_119 : memref<4000xf32, #tpu.memory_space<vmem>>) target(%dma_start3A_116 : memref<4000xf32, #tpu.memory_space<hbm>>) target_semaphore(%run_scoped3A_112 : memref<!tpu.dma_semaphore, #tpu.memory_space<semaphore_mem>>)
          %dma_wait3A_120 = arith.constant 0 : i32
          %dma_wait3A_121 = tpu.memref_slice %arg7[%run_scoped3A_99, %dma_wait3A_120] : memref<8x4000xf32, #tpu.memory_space<vmem>> -> memref<1x4000xf32, #tpu.memory_space<vmem>>
          %dma_wait3A_122 = tpu.memref_squeeze %dma_wait3A_121 : memref<1x4000xf32, #tpu.memory_space<vmem>> -> memref<4000xf32, #tpu.memory_space<vmem>>
          %dma_wait3A_123 = tpu.memref_slice %arg4[%add3A_98] : memref<32000000xf32, #tpu.memory_space<hbm>> -> memref<4000xf32, #tpu.memory_space<hbm>>
          %dma_wait3A_124 = tpu.memref_slice %arg4[%add3A_98] : memref<32000000xf32, #tpu.memory_space<hbm>> -> memref<4000xf32, #tpu.memory_space<hbm>>
          %dma_wait3A_125 = arith.constant 0 : i32
          %dma_wait3A_126 = tpu.memref_slice %arg7[%run_scoped3A_99, %dma_wait3A_125] : memref<8x4000xf32, #tpu.memory_space<vmem>> -> memref<1x4000xf32, #tpu.memory_space<vmem>>
          %dma_wait3A_127 = tpu.memref_squeeze %dma_wait3A_126 : memref<1x4000xf32, #tpu.memory_space<vmem>> -> memref<4000xf32, #tpu.memory_space<vmem>>
          tpu.wait_dma2 semaphore(%run_scoped3A_112 : memref<!tpu.dma_semaphore, #tpu.memory_space<semaphore_mem>>) src(%dma_wait3A_127 : memref<4000xf32, #tpu.memory_space<vmem>>) dst(%dma_wait3A_124 : memref<4000xf32, #tpu.memory_space<hbm>>)
          tpu.yield
        }) : () -> ()
        %add3A_100 = arith.constant 16000000 : i32
        %add3A_101 = arith.addi %add3A_100, %mul3A_81 : i32
        %run_scoped3A_102 = arith.constant 4 : i32
        "tpu.region"() ({
          %run_scoped3A_112 = tpu.sem_alloc : memref<!tpu.dma_semaphore, #tpu.memory_space<semaphore_mem>>
          %dma_start3A = arith.constant 0 : i32
          %dma_start3A_113 = tpu.memref_slice %arg7[%run_scoped3A_102, %dma_start3A] : memref<8x4000xf32, #tpu.memory_space<vmem>> -> memref<1x4000xf32, #tpu.memory_space<vmem>>
          %dma_start3A_114 = tpu.memref_squeeze %dma_start3A_113 : memref<1x4000xf32, #tpu.memory_space<vmem>> -> memref<4000xf32, #tpu.memory_space<vmem>>
          %dma_start3A_115 = tpu.memref_slice %arg4[%add3A_101] : memref<32000000xf32, #tpu.memory_space<hbm>> -> memref<4000xf32, #tpu.memory_space<hbm>>
          %dma_start3A_116 = tpu.memref_slice %arg4[%add3A_101] : memref<32000000xf32, #tpu.memory_space<hbm>> -> memref<4000xf32, #tpu.memory_space<hbm>>
          %dma_start3A_117 = arith.constant 0 : i32
          %dma_start3A_118 = tpu.memref_slice %arg7[%run_scoped3A_102, %dma_start3A_117] : memref<8x4000xf32, #tpu.memory_space<vmem>> -> memref<1x4000xf32, #tpu.memory_space<vmem>>
          %dma_start3A_119 = tpu.memref_squeeze %dma_start3A_118 : memref<1x4000xf32, #tpu.memory_space<vmem>> -> memref<4000xf32, #tpu.memory_space<vmem>>
          tpu.enqueue_dma source(%dma_start3A_119 : memref<4000xf32, #tpu.memory_space<vmem>>) target(%dma_start3A_116 : memref<4000xf32, #tpu.memory_space<hbm>>) target_semaphore(%run_scoped3A_112 : memref<!tpu.dma_semaphore, #tpu.memory_space<semaphore_mem>>)
          %dma_wait3A_120 = arith.constant 0 : i32
          %dma_wait3A_121 = tpu.memref_slice %arg7[%run_scoped3A_102, %dma_wait3A_120] : memref<8x4000xf32, #tpu.memory_space<vmem>> -> memref<1x4000xf32, #tpu.memory_space<vmem>>
          %dma_wait3A_122 = tpu.memref_squeeze %dma_wait3A_121 : memref<1x4000xf32, #tpu.memory_space<vmem>> -> memref<4000xf32, #tpu.memory_space<vmem>>
          %dma_wait3A_123 = tpu.memref_slice %arg4[%add3A_101] : memref<32000000xf32, #tpu.memory_space<hbm>> -> memref<4000xf32, #tpu.memory_space<hbm>>
          %dma_wait3A_124 = tpu.memref_slice %arg4[%add3A_101] : memref<32000000xf32, #tpu.memory_space<hbm>> -> memref<4000xf32, #tpu.memory_space<hbm>>
          %dma_wait3A_125 = arith.constant 0 : i32
          %dma_wait3A_126 = tpu.memref_slice %arg7[%run_scoped3A_102, %dma_wait3A_125] : memref<8x4000xf32, #tpu.memory_space<vmem>> -> memref<1x4000xf32, #tpu.memory_space<vmem>>
          %dma_wait3A_127 = tpu.memref_squeeze %dma_wait3A_126 : memref<1x4000xf32, #tpu.memory_space<vmem>> -> memref<4000xf32, #tpu.memory_space<vmem>>
          tpu.wait_dma2 semaphore(%run_scoped3A_112 : memref<!tpu.dma_semaphore, #tpu.memory_space<semaphore_mem>>) src(%dma_wait3A_127 : memref<4000xf32, #tpu.memory_space<vmem>>) dst(%dma_wait3A_124 : memref<4000xf32, #tpu.memory_space<hbm>>)
          tpu.yield
        }) : () -> ()
        %add3A_103 = arith.constant 20000000 : i32
        %add3A_104 = arith.addi %add3A_103, %mul3A_81 : i32
        %run_scoped3A_105 = arith.constant 5 : i32
        "tpu.region"() ({
          %run_scoped3A_112 = tpu.sem_alloc : memref<!tpu.dma_semaphore, #tpu.memory_space<semaphore_mem>>
          %dma_start3A = arith.constant 0 : i32
          %dma_start3A_113 = tpu.memref_slice %arg7[%run_scoped3A_105, %dma_start3A] : memref<8x4000xf32, #tpu.memory_space<vmem>> -> memref<1x4000xf32, #tpu.memory_space<vmem>>
          %dma_start3A_114 = tpu.memref_squeeze %dma_start3A_113 : memref<1x4000xf32, #tpu.memory_space<vmem>> -> memref<4000xf32, #tpu.memory_space<vmem>>
          %dma_start3A_115 = tpu.memref_slice %arg4[%add3A_104] : memref<32000000xf32, #tpu.memory_space<hbm>> -> memref<4000xf32, #tpu.memory_space<hbm>>
          %dma_start3A_116 = tpu.memref_slice %arg4[%add3A_104] : memref<32000000xf32, #tpu.memory_space<hbm>> -> memref<4000xf32, #tpu.memory_space<hbm>>
          %dma_start3A_117 = arith.constant 0 : i32
          %dma_start3A_118 = tpu.memref_slice %arg7[%run_scoped3A_105, %dma_start3A_117] : memref<8x4000xf32, #tpu.memory_space<vmem>> -> memref<1x4000xf32, #tpu.memory_space<vmem>>
          %dma_start3A_119 = tpu.memref_squeeze %dma_start3A_118 : memref<1x4000xf32, #tpu.memory_space<vmem>> -> memref<4000xf32, #tpu.memory_space<vmem>>
          tpu.enqueue_dma source(%dma_start3A_119 : memref<4000xf32, #tpu.memory_space<vmem>>) target(%dma_start3A_116 : memref<4000xf32, #tpu.memory_space<hbm>>) target_semaphore(%run_scoped3A_112 : memref<!tpu.dma_semaphore, #tpu.memory_space<semaphore_mem>>)
          %dma_wait3A_120 = arith.constant 0 : i32
          %dma_wait3A_121 = tpu.memref_slice %arg7[%run_scoped3A_105, %dma_wait3A_120] : memref<8x4000xf32, #tpu.memory_space<vmem>> -> memref<1x4000xf32, #tpu.memory_space<vmem>>
          %dma_wait3A_122 = tpu.memref_squeeze %dma_wait3A_121 : memref<1x4000xf32, #tpu.memory_space<vmem>> -> memref<4000xf32, #tpu.memory_space<vmem>>
          %dma_wait3A_123 = tpu.memref_slice %arg4[%add3A_104] : memref<32000000xf32, #tpu.memory_space<hbm>> -> memref<4000xf32, #tpu.memory_space<hbm>>
          %dma_wait3A_124 = tpu.memref_slice %arg4[%add3A_104] : memref<32000000xf32, #tpu.memory_space<hbm>> -> memref<4000xf32, #tpu.memory_space<hbm>>
          %dma_wait3A_125 = arith.constant 0 : i32
          %dma_wait3A_126 = tpu.memref_slice %arg7[%run_scoped3A_105, %dma_wait3A_125] : memref<8x4000xf32, #tpu.memory_space<vmem>> -> memref<1x4000xf32, #tpu.memory_space<vmem>>
          %dma_wait3A_127 = tpu.memref_squeeze %dma_wait3A_126 : memref<1x4000xf32, #tpu.memory_space<vmem>> -> memref<4000xf32, #tpu.memory_space<vmem>>
          tpu.wait_dma2 semaphore(%run_scoped3A_112 : memref<!tpu.dma_semaphore, #tpu.memory_space<semaphore_mem>>) src(%dma_wait3A_127 : memref<4000xf32, #tpu.memory_space<vmem>>) dst(%dma_wait3A_124 : memref<4000xf32, #tpu.memory_space<hbm>>)
          tpu.yield
        }) : () -> ()
        %add3A_106 = arith.constant 24000000 : i32
        %add3A_107 = arith.addi %add3A_106, %mul3A_81 : i32
        %run_scoped3A_108 = arith.constant 6 : i32
        "tpu.region"() ({
          %run_scoped3A_112 = tpu.sem_alloc : memref<!tpu.dma_semaphore, #tpu.memory_space<semaphore_mem>>
          %dma_start3A = arith.constant 0 : i32
          %dma_start3A_113 = tpu.memref_slice %arg7[%run_scoped3A_108, %dma_start3A] : memref<8x4000xf32, #tpu.memory_space<vmem>> -> memref<1x4000xf32, #tpu.memory_space<vmem>>
          %dma_start3A_114 = tpu.memref_squeeze %dma_start3A_113 : memref<1x4000xf32, #tpu.memory_space<vmem>> -> memref<4000xf32, #tpu.memory_space<vmem>>
          %dma_start3A_115 = tpu.memref_slice %arg4[%add3A_107] : memref<32000000xf32, #tpu.memory_space<hbm>> -> memref<4000xf32, #tpu.memory_space<hbm>>
          %dma_start3A_116 = tpu.memref_slice %arg4[%add3A_107] : memref<32000000xf32, #tpu.memory_space<hbm>> -> memref<4000xf32, #tpu.memory_space<hbm>>
          %dma_start3A_117 = arith.constant 0 : i32
          %dma_start3A_118 = tpu.memref_slice %arg7[%run_scoped3A_108, %dma_start3A_117] : memref<8x4000xf32, #tpu.memory_space<vmem>> -> memref<1x4000xf32, #tpu.memory_space<vmem>>
          %dma_start3A_119 = tpu.memref_squeeze %dma_start3A_118 : memref<1x4000xf32, #tpu.memory_space<vmem>> -> memref<4000xf32, #tpu.memory_space<vmem>>
          tpu.enqueue_dma source(%dma_start3A_119 : memref<4000xf32, #tpu.memory_space<vmem>>) target(%dma_start3A_116 : memref<4000xf32, #tpu.memory_space<hbm>>) target_semaphore(%run_scoped3A_112 : memref<!tpu.dma_semaphore, #tpu.memory_space<semaphore_mem>>)
          %dma_wait3A_120 = arith.constant 0 : i32
          %dma_wait3A_121 = tpu.memref_slice %arg7[%run_scoped3A_108, %dma_wait3A_120] : memref<8x4000xf32, #tpu.memory_space<vmem>> -> memref<1x4000xf32, #tpu.memory_space<vmem>>
          %dma_wait3A_122 = tpu.memref_squeeze %dma_wait3A_121 : memref<1x4000xf32, #tpu.memory_space<vmem>> -> memref<4000xf32, #tpu.memory_space<vmem>>
          %dma_wait3A_123 = tpu.memref_slice %arg4[%add3A_107] : memref<32000000xf32, #tpu.memory_space<hbm>> -> memref<4000xf32, #tpu.memory_space<hbm>>
          %dma_wait3A_124 = tpu.memref_slice %arg4[%add3A_107] : memref<32000000xf32, #tpu.memory_space<hbm>> -> memref<4000xf32, #tpu.memory_space<hbm>>
          %dma_wait3A_125 = arith.constant 0 : i32
          %dma_wait3A_126 = tpu.memref_slice %arg7[%run_scoped3A_108, %dma_wait3A_125] : memref<8x4000xf32, #tpu.memory_space<vmem>> -> memref<1x4000xf32, #tpu.memory_space<vmem>>
          %dma_wait3A_127 = tpu.memref_squeeze %dma_wait3A_126 : memref<1x4000xf32, #tpu.memory_space<vmem>> -> memref<4000xf32, #tpu.memory_space<vmem>>
          tpu.wait_dma2 semaphore(%run_scoped3A_112 : memref<!tpu.dma_semaphore, #tpu.memory_space<semaphore_mem>>) src(%dma_wait3A_127 : memref<4000xf32, #tpu.memory_space<vmem>>) dst(%dma_wait3A_124 : memref<4000xf32, #tpu.memory_space<hbm>>)
          tpu.yield
        }) : () -> ()
        %add3A_109 = arith.constant 28000000 : i32
        %add3A_110 = arith.addi %add3A_109, %mul3A_81 : i32
        %run_scoped3A_111 = arith.constant 7 : i32
        "tpu.region"() ({
          %run_scoped3A_112 = tpu.sem_alloc : memref<!tpu.dma_semaphore, #tpu.memory_space<semaphore_mem>>
          %dma_start3A = arith.constant 0 : i32
          %dma_start3A_113 = tpu.memref_slice %arg7[%run_scoped3A_111, %dma_start3A] : memref<8x4000xf32, #tpu.memory_space<vmem>> -> memref<1x4000xf32, #tpu.memory_space<vmem>>
          %dma_start3A_114 = tpu.memref_squeeze %dma_start3A_113 : memref<1x4000xf32, #tpu.memory_space<vmem>> -> memref<4000xf32, #tpu.memory_space<vmem>>
          %dma_start3A_115 = tpu.memref_slice %arg4[%add3A_110] : memref<32000000xf32, #tpu.memory_space<hbm>> -> memref<4000xf32, #tpu.memory_space<hbm>>
          %dma_start3A_116 = tpu.memref_slice %arg4[%add3A_110] : memref<32000000xf32, #tpu.memory_space<hbm>> -> memref<4000xf32, #tpu.memory_space<hbm>>
          %dma_start3A_117 = arith.constant 0 : i32
          %dma_start3A_118 = tpu.memref_slice %arg7[%run_scoped3A_111, %dma_start3A_117] : memref<8x4000xf32, #tpu.memory_space<vmem>> -> memref<1x4000xf32, #tpu.memory_space<vmem>>
          %dma_start3A_119 = tpu.memref_squeeze %dma_start3A_118 : memref<1x4000xf32, #tpu.memory_space<vmem>> -> memref<4000xf32, #tpu.memory_space<vmem>>
          tpu.enqueue_dma source(%dma_start3A_119 : memref<4000xf32, #tpu.memory_space<vmem>>) target(%dma_start3A_116 : memref<4000xf32, #tpu.memory_space<hbm>>) target_semaphore(%run_scoped3A_112 : memref<!tpu.dma_semaphore, #tpu.memory_space<semaphore_mem>>)
          %dma_wait3A_120 = arith.constant 0 : i32
          %dma_wait3A_121 = tpu.memref_slice %arg7[%run_scoped3A_111, %dma_wait3A_120] : memref<8x4000xf32, #tpu.memory_space<vmem>> -> memref<1x4000xf32, #tpu.memory_space<vmem>>
          %dma_wait3A_122 = tpu.memref_squeeze %dma_wait3A_121 : memref<1x4000xf32, #tpu.memory_space<vmem>> -> memref<4000xf32, #tpu.memory_space<vmem>>
          %dma_wait3A_123 = tpu.memref_slice %arg4[%add3A_110] : memref<32000000xf32, #tpu.memory_space<hbm>> -> memref<4000xf32, #tpu.memory_space<hbm>>
          %dma_wait3A_124 = tpu.memref_slice %arg4[%add3A_110] : memref<32000000xf32, #tpu.memory_space<hbm>> -> memref<4000xf32, #tpu.memory_space<hbm>>
          %dma_wait3A_125 = arith.constant 0 : i32
          %dma_wait3A_126 = tpu.memref_slice %arg7[%run_scoped3A_111, %dma_wait3A_125] : memref<8x4000xf32, #tpu.memory_space<vmem>> -> memref<1x4000xf32, #tpu.memory_space<vmem>>
          %dma_wait3A_127 = tpu.memref_squeeze %dma_wait3A_126 : memref<1x4000xf32, #tpu.memory_space<vmem>> -> memref<4000xf32, #tpu.memory_space<vmem>>
          tpu.wait_dma2 semaphore(%run_scoped3A_112 : memref<!tpu.dma_semaphore, #tpu.memory_space<semaphore_mem>>) src(%dma_wait3A_127 : memref<4000xf32, #tpu.memory_space<vmem>>) dst(%dma_wait3A_124 : memref<4000xf32, #tpu.memory_space<hbm>>)
          tpu.yield
        }) : () -> ()
      } else {
      }
    }
    %scan3A_24 = arith.constant 16 : i32
    return
  }
}

#map = affine_map<(d0, d1) -> (0, 0, 0)>
#map1 = affine_map<(d0, d1) -> (0)>
module attributes {stable_mosaic.version = 14 : i64} {
  func.func @transpose_kernel(%arg0: i32, %arg1: i32, %arg2: memref<1x8x500000xf32, #tpu.memory_space<hbm>>, %arg3: memref<4000000xf32, #tpu.memory_space<hbm>>, %arg4: memref<8x3200xf32, #tpu.memory_space<vmem>>, %arg5: memref<25600xf32, #tpu.memory_space<vmem>>, %arg6: memref<8x800xf32, #tpu.memory_space<vmem>>, %arg7: memref<6400xf32, #tpu.memory_space<vmem>>, %arg8: memref<!tpu.dma_semaphore, #tpu.memory_space<semaphore_mem>>) attributes {dimension_semantics = [#tpu.dimension_semantics<core_parallel>, #tpu.dimension_semantics<subcore_parallel>], iteration_bounds = array<i64: 2, 16>, scalar_prefetch = 0 : i64, scratch_operands = 5 : i64, tpu.core_type = #tpu.core_type<sc_vector_subcore>, window_params = [{transform_indices = #map}, {transform_indices = #map1}]} {
    %mul3A = arith.constant 2 : i32
    %mul3A_0 = arith.muli %arg1, %mul3A : i32
    %add3A = arith.addi %mul3A_0, %arg0 : i32
    %iota3A = tpu.iota {dimensions = array<i32: 0>} : vector<16xi32>
    %mul3A_1 = arith.constant 8 : i32
    %mul3A_2 = vector.broadcast %mul3A_1 : i32 to vector<16xi32>
    %mul3A_3 = arith.muli %iota3A, %mul3A_2 : vector<16xi32>
    %scan3A = arith.constant 0 : i32
    %scan3A_4 = arith.constant 0 : i32
    %scan3A_5 = arith.constant 5 : i32
    %scan3A_6 = arith.addi %scan3A_4, %scan3A_5 : i32
    %scan3A_7 = arith.constant 1 : i32
    scf.for %scan3A_9 = %scan3A_4 to %scan3A_6 step %scan3A_7  : i32 {
      %mul3A_10 = arith.constant 32 : i32
      %mul3A_11 = arith.muli %scan3A_9, %mul3A_10 : i32
      %add3A_12 = arith.addi %mul3A_11, %add3A : i32
      %lt3A = arith.constant 156 : i32
      %lt3A_13 = arith.cmpi slt, %add3A_12, %lt3A : i32
      %convert_element_type3A = arith.extui %lt3A_13 : i1 to i32
      %cond3A = arith.constant 0 : i32
      %cond3A_14 = arith.cmpi ne, %convert_element_type3A, %cond3A : i32
      scf.if %cond3A_14 {
        %mul3A_19 = arith.constant 3200 : i32
        %mul3A_20 = arith.muli %add3A_12, %mul3A_19 : i32
        %run_scoped3A = arith.constant 0 : i32
        "tpu.region"() ({
          %run_scoped3A_29 = tpu.sem_alloc : memref<!tpu.dma_semaphore, #tpu.memory_space<semaphore_mem>>
          %dma_start3A = arith.constant 0 : i32
          %dma_start3A_30 = arith.constant 0 : i32
          %dma_start3A_31 = tpu.memref_slice %arg2[%run_scoped3A, %dma_start3A, %dma_start3A_30] : memref<1x8x500000xf32, #tpu.memory_space<hbm>> -> memref<1x8x500000xf32, #tpu.memory_space<hbm>>
          %dma_start3A_32 = tpu.memref_squeeze %dma_start3A_31 : memref<1x8x500000xf32, #tpu.memory_space<hbm>> -> memref<8x500000xf32, #tpu.memory_space<hbm>>
          %dma_start3A_33 = arith.constant 0 : i32
          %dma_start3A_34 = tpu.memref_slice %dma_start3A_32[%dma_start3A_33, %mul3A_20] : memref<8x500000xf32, #tpu.memory_space<hbm>> -> memref<8x3200xf32, #tpu.memory_space<hbm>>
          %dma_start3A_35 = arith.constant 0 : i32
          %dma_start3A_36 = arith.constant 0 : i32
          %dma_start3A_37 = tpu.memref_slice %arg2[%run_scoped3A, %dma_start3A_35, %dma_start3A_36] : memref<1x8x500000xf32, #tpu.memory_space<hbm>> -> memref<1x8x500000xf32, #tpu.memory_space<hbm>>
          %dma_start3A_38 = tpu.memref_squeeze %dma_start3A_37 : memref<1x8x500000xf32, #tpu.memory_space<hbm>> -> memref<8x500000xf32, #tpu.memory_space<hbm>>
          %dma_start3A_39 = arith.constant 0 : i32
          %dma_start3A_40 = tpu.memref_slice %dma_start3A_38[%dma_start3A_39, %mul3A_20] : memref<8x500000xf32, #tpu.memory_space<hbm>> -> memref<8x3200xf32, #tpu.memory_space<hbm>>
          tpu.enqueue_dma source(%dma_start3A_40 : memref<8x3200xf32, #tpu.memory_space<hbm>>) target(%arg4 : memref<8x3200xf32, #tpu.memory_space<vmem>>) target_semaphore(%run_scoped3A_29 : memref<!tpu.dma_semaphore, #tpu.memory_space<semaphore_mem>>)
          %dma_wait3A = arith.constant 0 : i32
          %dma_wait3A_41 = arith.constant 0 : i32
          %dma_wait3A_42 = tpu.memref_slice %arg2[%run_scoped3A, %dma_wait3A, %dma_wait3A_41] : memref<1x8x500000xf32, #tpu.memory_space<hbm>> -> memref<1x8x500000xf32, #tpu.memory_space<hbm>>
          %dma_wait3A_43 = tpu.memref_squeeze %dma_wait3A_42 : memref<1x8x500000xf32, #tpu.memory_space<hbm>> -> memref<8x500000xf32, #tpu.memory_space<hbm>>
          %dma_wait3A_44 = arith.constant 0 : i32
          %dma_wait3A_45 = tpu.memref_slice %dma_wait3A_43[%dma_wait3A_44, %mul3A_20] : memref<8x500000xf32, #tpu.memory_space<hbm>> -> memref<8x3200xf32, #tpu.memory_space<hbm>>
          %dma_wait3A_46 = arith.constant 0 : i32
          %dma_wait3A_47 = arith.constant 0 : i32
          %dma_wait3A_48 = tpu.memref_slice %arg2[%run_scoped3A, %dma_wait3A_46, %dma_wait3A_47] : memref<1x8x500000xf32, #tpu.memory_space<hbm>> -> memref<1x8x500000xf32, #tpu.memory_space<hbm>>
          %dma_wait3A_49 = tpu.memref_squeeze %dma_wait3A_48 : memref<1x8x500000xf32, #tpu.memory_space<hbm>> -> memref<8x500000xf32, #tpu.memory_space<hbm>>
          %dma_wait3A_50 = arith.constant 0 : i32
          %dma_wait3A_51 = tpu.memref_slice %dma_wait3A_49[%dma_wait3A_50, %mul3A_20] : memref<8x500000xf32, #tpu.memory_space<hbm>> -> memref<8x3200xf32, #tpu.memory_space<hbm>>
          tpu.wait_dma2 semaphore(%run_scoped3A_29 : memref<!tpu.dma_semaphore, #tpu.memory_space<semaphore_mem>>) src(%dma_wait3A_51 : memref<8x3200xf32, #tpu.memory_space<hbm>>) dst(%arg4 : memref<8x3200xf32, #tpu.memory_space<vmem>>)
          tpu.yield
        }) : () -> ()
        %scan3A_21 = arith.constant 0 : i32
        %scan3A_22 = arith.constant 0 : i32
        %scan3A_23 = arith.constant 200 : i32
        %scan3A_24 = arith.addi %scan3A_22, %scan3A_23 : i32
        %scan3A_25 = arith.constant 1 : i32
        scf.for %scan3A_29 = %scan3A_22 to %scan3A_24 step %scan3A_25  : i32 {
          %mul3A_30 = arith.constant 16 : i32
          %mul3A_31 = arith.muli %scan3A_29, %mul3A_30 : i32
          %get3A = arith.constant 0 : i32
          %get3A_32 = arith.index_cast %get3A : i32 to index
          %get3A_33 = arith.index_cast %mul3A_31 : i32 to index
          %get3A_34 = tpu.vector_load %arg4[%get3A_32, %get3A_33] {strides = array<i32>} : memref<8x3200xf32, #tpu.memory_space<vmem>>, vector<16xf32>,
          %mul3A_35 = arith.constant 8 : i32
          %mul3A_36 = arith.muli %mul3A_31, %mul3A_35 : i32
          %add3A_37 = vector.broadcast %mul3A_36 : i32 to vector<16xi32>
          %add3A_38 = arith.addi %add3A_37, %mul3A_3 : vector<16xi32>
          %add3A_39 = arith.constant 0 : i32
          %add3A_40 = vector.broadcast %add3A_39 : i32 to vector<16xi32>
          %add3A_41 = arith.addi %add3A_38, %add3A_40 : vector<16xi32>
          tpu.vector_store_idx %arg5[%add3A_41], %get3A_34 : memref<25600xf32, #tpu.memory_space<vmem>>[vector<16xi32>], vector<16xf32>,
          %get3A_42 = arith.constant 1 : i32
          %get3A_43 = arith.index_cast %get3A_42 : i32 to index
          %get3A_44 = arith.index_cast %mul3A_31 : i32 to index
          %get3A_45 = tpu.vector_load %arg4[%get3A_43, %get3A_44] {strides = array<i32>} : memref<8x3200xf32, #tpu.memory_space<vmem>>, vector<16xf32>,
          %mul3A_46 = arith.constant 8 : i32
          %mul3A_47 = arith.muli %mul3A_31, %mul3A_46 : i32
          %add3A_48 = vector.broadcast %mul3A_47 : i32 to vector<16xi32>
          %add3A_49 = arith.addi %add3A_48, %mul3A_3 : vector<16xi32>
          %add3A_50 = arith.constant 1 : i32
          %add3A_51 = vector.broadcast %add3A_50 : i32 to vector<16xi32>
          %add3A_52 = arith.addi %add3A_49, %add3A_51 : vector<16xi32>
          tpu.vector_store_idx %arg5[%add3A_52], %get3A_45 : memref<25600xf32, #tpu.memory_space<vmem>>[vector<16xi32>], vector<16xf32>,
          %get3A_53 = arith.constant 2 : i32
          %get3A_54 = arith.index_cast %get3A_53 : i32 to index
          %get3A_55 = arith.index_cast %mul3A_31 : i32 to index
          %get3A_56 = tpu.vector_load %arg4[%get3A_54, %get3A_55] {strides = array<i32>} : memref<8x3200xf32, #tpu.memory_space<vmem>>, vector<16xf32>,
          %mul3A_57 = arith.constant 8 : i32
          %mul3A_58 = arith.muli %mul3A_31, %mul3A_57 : i32
          %add3A_59 = vector.broadcast %mul3A_58 : i32 to vector<16xi32>
          %add3A_60 = arith.addi %add3A_59, %mul3A_3 : vector<16xi32>
          %add3A_61 = arith.constant 2 : i32
          %add3A_62 = vector.broadcast %add3A_61 : i32 to vector<16xi32>
          %add3A_63 = arith.addi %add3A_60, %add3A_62 : vector<16xi32>
          tpu.vector_store_idx %arg5[%add3A_63], %get3A_56 : memref<25600xf32, #tpu.memory_space<vmem>>[vector<16xi32>], vector<16xf32>,
          %get3A_64 = arith.constant 3 : i32
          %get3A_65 = arith.index_cast %get3A_64 : i32 to index
          %get3A_66 = arith.index_cast %mul3A_31 : i32 to index
          %get3A_67 = tpu.vector_load %arg4[%get3A_65, %get3A_66] {strides = array<i32>} : memref<8x3200xf32, #tpu.memory_space<vmem>>, vector<16xf32>,
          %mul3A_68 = arith.constant 8 : i32
          %mul3A_69 = arith.muli %mul3A_31, %mul3A_68 : i32
          %add3A_70 = vector.broadcast %mul3A_69 : i32 to vector<16xi32>
          %add3A_71 = arith.addi %add3A_70, %mul3A_3 : vector<16xi32>
          %add3A_72 = arith.constant 3 : i32
          %add3A_73 = vector.broadcast %add3A_72 : i32 to vector<16xi32>
          %add3A_74 = arith.addi %add3A_71, %add3A_73 : vector<16xi32>
          tpu.vector_store_idx %arg5[%add3A_74], %get3A_67 : memref<25600xf32, #tpu.memory_space<vmem>>[vector<16xi32>], vector<16xf32>,
          %get3A_75 = arith.constant 4 : i32
          %get3A_76 = arith.index_cast %get3A_75 : i32 to index
          %get3A_77 = arith.index_cast %mul3A_31 : i32 to index
          %get3A_78 = tpu.vector_load %arg4[%get3A_76, %get3A_77] {strides = array<i32>} : memref<8x3200xf32, #tpu.memory_space<vmem>>, vector<16xf32>,
          %mul3A_79 = arith.constant 8 : i32
          %mul3A_80 = arith.muli %mul3A_31, %mul3A_79 : i32
          %add3A_81 = vector.broadcast %mul3A_80 : i32 to vector<16xi32>
          %add3A_82 = arith.addi %add3A_81, %mul3A_3 : vector<16xi32>
          %add3A_83 = arith.constant 4 : i32
          %add3A_84 = vector.broadcast %add3A_83 : i32 to vector<16xi32>
          %add3A_85 = arith.addi %add3A_82, %add3A_84 : vector<16xi32>
          tpu.vector_store_idx %arg5[%add3A_85], %get3A_78 : memref<25600xf32, #tpu.memory_space<vmem>>[vector<16xi32>], vector<16xf32>,
          %get3A_86 = arith.constant 5 : i32
          %get3A_87 = arith.index_cast %get3A_86 : i32 to index
          %get3A_88 = arith.index_cast %mul3A_31 : i32 to index
          %get3A_89 = tpu.vector_load %arg4[%get3A_87, %get3A_88] {strides = array<i32>} : memref<8x3200xf32, #tpu.memory_space<vmem>>, vector<16xf32>,
          %mul3A_90 = arith.constant 8 : i32
          %mul3A_91 = arith.muli %mul3A_31, %mul3A_90 : i32
          %add3A_92 = vector.broadcast %mul3A_91 : i32 to vector<16xi32>
          %add3A_93 = arith.addi %add3A_92, %mul3A_3 : vector<16xi32>
          %add3A_94 = arith.constant 5 : i32
          %add3A_95 = vector.broadcast %add3A_94 : i32 to vector<16xi32>
          %add3A_96 = arith.addi %add3A_93, %add3A_95 : vector<16xi32>
          tpu.vector_store_idx %arg5[%add3A_96], %get3A_89 : memref<25600xf32, #tpu.memory_space<vmem>>[vector<16xi32>], vector<16xf32>,
          %get3A_97 = arith.constant 6 : i32
          %get3A_98 = arith.index_cast %get3A_97 : i32 to index
          %get3A_99 = arith.index_cast %mul3A_31 : i32 to index
          %get3A_100 = tpu.vector_load %arg4[%get3A_98, %get3A_99] {strides = array<i32>} : memref<8x3200xf32, #tpu.memory_space<vmem>>, vector<16xf32>,
          %mul3A_101 = arith.constant 8 : i32
          %mul3A_102 = arith.muli %mul3A_31, %mul3A_101 : i32
          %add3A_103 = vector.broadcast %mul3A_102 : i32 to vector<16xi32>
          %add3A_104 = arith.addi %add3A_103, %mul3A_3 : vector<16xi32>
          %add3A_105 = arith.constant 6 : i32
          %add3A_106 = vector.broadcast %add3A_105 : i32 to vector<16xi32>
          %add3A_107 = arith.addi %add3A_104, %add3A_106 : vector<16xi32>
          tpu.vector_store_idx %arg5[%add3A_107], %get3A_100 : memref<25600xf32, #tpu.memory_space<vmem>>[vector<16xi32>], vector<16xf32>,
          %get3A_108 = arith.constant 7 : i32
          %get3A_109 = arith.index_cast %get3A_108 : i32 to index
          %get3A_110 = arith.index_cast %mul3A_31 : i32 to index
          %get3A_111 = tpu.vector_load %arg4[%get3A_109, %get3A_110] {strides = array<i32>} : memref<8x3200xf32, #tpu.memory_space<vmem>>, vector<16xf32>,
          %mul3A_112 = arith.constant 8 : i32
          %mul3A_113 = arith.muli %mul3A_31, %mul3A_112 : i32
          %add3A_114 = vector.broadcast %mul3A_113 : i32 to vector<16xi32>
          %add3A_115 = arith.addi %add3A_114, %mul3A_3 : vector<16xi32>
          %add3A_116 = arith.constant 7 : i32
          %add3A_117 = vector.broadcast %add3A_116 : i32 to vector<16xi32>
          %add3A_118 = arith.addi %add3A_115, %add3A_117 : vector<16xi32>
          tpu.vector_store_idx %arg5[%add3A_118], %get3A_111 : memref<25600xf32, #tpu.memory_space<vmem>>[vector<16xi32>], vector<16xf32>,
        }
        %scan3A_26 = arith.constant 200 : i32
        %mul3A_27 = arith.constant 8 : i32
        %mul3A_28 = arith.muli %mul3A_20, %mul3A_27 : i32
        "tpu.region"() ({
          %run_scoped3A_29 = tpu.sem_alloc : memref<!tpu.dma_semaphore, #tpu.memory_space<semaphore_mem>>
          %dma_start3A = tpu.memref_slice %arg3[%mul3A_28] : memref<4000000xf32, #tpu.memory_space<hbm>> -> memref<25600xf32, #tpu.memory_space<hbm>>
          %dma_start3A_30 = tpu.memref_slice %arg3[%mul3A_28] : memref<4000000xf32, #tpu.memory_space<hbm>> -> memref<25600xf32, #tpu.memory_space<hbm>>
          tpu.enqueue_dma source(%arg5 : memref<25600xf32, #tpu.memory_space<vmem>>) target(%dma_start3A_30 : memref<25600xf32, #tpu.memory_space<hbm>>) target_semaphore(%run_scoped3A_29 : memref<!tpu.dma_semaphore, #tpu.memory_space<semaphore_mem>>)
          %dma_wait3A = tpu.memref_slice %arg3[%mul3A_28] : memref<4000000xf32, #tpu.memory_space<hbm>> -> memref<25600xf32, #tpu.memory_space<hbm>>
          %dma_wait3A_31 = tpu.memref_slice %arg3[%mul3A_28] : memref<4000000xf32, #tpu.memory_space<hbm>> -> memref<25600xf32, #tpu.memory_space<hbm>>
          tpu.wait_dma2 semaphore(%run_scoped3A_29 : memref<!tpu.dma_semaphore, #tpu.memory_space<semaphore_mem>>) src(%arg5 : memref<25600xf32, #tpu.memory_space<vmem>>) dst(%dma_wait3A_31 : memref<25600xf32, #tpu.memory_space<hbm>>)
          tpu.yield
        }) : () -> ()
      } else {
      }
      %eq3A = arith.constant 156 : i32
      %eq3A_15 = arith.cmpi eq, %add3A_12, %eq3A : i32
      %convert_element_type3A_16 = arith.extui %eq3A_15 : i1 to i32
      %cond3A_17 = arith.constant 0 : i32
      %cond3A_18 = arith.cmpi ne, %convert_element_type3A_16, %cond3A_17 : i32
      scf.if %cond3A_18 {
        %run_scoped3A = arith.constant 0 : i32
        "tpu.region"() ({
          %run_scoped3A_25 = tpu.sem_alloc : memref<!tpu.dma_semaphore, #tpu.memory_space<semaphore_mem>>
          %dma_start3A = arith.constant 0 : i32
          %dma_start3A_26 = arith.constant 0 : i32
          %dma_start3A_27 = tpu.memref_slice %arg2[%run_scoped3A, %dma_start3A, %dma_start3A_26] : memref<1x8x500000xf32, #tpu.memory_space<hbm>> -> memref<1x8x500000xf32, #tpu.memory_space<hbm>>
          %dma_start3A_28 = tpu.memref_squeeze %dma_start3A_27 : memref<1x8x500000xf32, #tpu.memory_space<hbm>> -> memref<8x500000xf32, #tpu.memory_space<hbm>>
          %dma_start3A_29 = arith.constant 0 : i32
          %dma_start3A_30 = arith.constant 499200 : i32
          %dma_start3A_31 = tpu.memref_slice %dma_start3A_28[%dma_start3A_29, %dma_start3A_30] : memref<8x500000xf32, #tpu.memory_space<hbm>> -> memref<8x800xf32, #tpu.memory_space<hbm>>
          %dma_start3A_32 = arith.constant 0 : i32
          %dma_start3A_33 = arith.constant 0 : i32
          %dma_start3A_34 = tpu.memref_slice %arg2[%run_scoped3A, %dma_start3A_32, %dma_start3A_33] : memref<1x8x500000xf32, #tpu.memory_space<hbm>> -> memref<1x8x500000xf32, #tpu.memory_space<hbm>>
          %dma_start3A_35 = tpu.memref_squeeze %dma_start3A_34 : memref<1x8x500000xf32, #tpu.memory_space<hbm>> -> memref<8x500000xf32, #tpu.memory_space<hbm>>
          %dma_start3A_36 = arith.constant 0 : i32
          %dma_start3A_37 = arith.constant 499200 : i32
          %dma_start3A_38 = tpu.memref_slice %dma_start3A_35[%dma_start3A_36, %dma_start3A_37] : memref<8x500000xf32, #tpu.memory_space<hbm>> -> memref<8x800xf32, #tpu.memory_space<hbm>>
          tpu.enqueue_dma source(%dma_start3A_38 : memref<8x800xf32, #tpu.memory_space<hbm>>) target(%arg6 : memref<8x800xf32, #tpu.memory_space<vmem>>) target_semaphore(%run_scoped3A_25 : memref<!tpu.dma_semaphore, #tpu.memory_space<semaphore_mem>>)
          %dma_wait3A = arith.constant 0 : i32
          %dma_wait3A_39 = arith.constant 0 : i32
          %dma_wait3A_40 = tpu.memref_slice %arg2[%run_scoped3A, %dma_wait3A, %dma_wait3A_39] : memref<1x8x500000xf32, #tpu.memory_space<hbm>> -> memref<1x8x500000xf32, #tpu.memory_space<hbm>>
          %dma_wait3A_41 = tpu.memref_squeeze %dma_wait3A_40 : memref<1x8x500000xf32, #tpu.memory_space<hbm>> -> memref<8x500000xf32, #tpu.memory_space<hbm>>
          %dma_wait3A_42 = arith.constant 0 : i32
          %dma_wait3A_43 = arith.constant 499200 : i32
          %dma_wait3A_44 = tpu.memref_slice %dma_wait3A_41[%dma_wait3A_42, %dma_wait3A_43] : memref<8x500000xf32, #tpu.memory_space<hbm>> -> memref<8x800xf32, #tpu.memory_space<hbm>>
          %dma_wait3A_45 = arith.constant 0 : i32
          %dma_wait3A_46 = arith.constant 0 : i32
          %dma_wait3A_47 = tpu.memref_slice %arg2[%run_scoped3A, %dma_wait3A_45, %dma_wait3A_46] : memref<1x8x500000xf32, #tpu.memory_space<hbm>> -> memref<1x8x500000xf32, #tpu.memory_space<hbm>>
          %dma_wait3A_48 = tpu.memref_squeeze %dma_wait3A_47 : memref<1x8x500000xf32, #tpu.memory_space<hbm>> -> memref<8x500000xf32, #tpu.memory_space<hbm>>
          %dma_wait3A_49 = arith.constant 0 : i32
          %dma_wait3A_50 = arith.constant 499200 : i32
          %dma_wait3A_51 = tpu.memref_slice %dma_wait3A_48[%dma_wait3A_49, %dma_wait3A_50] : memref<8x500000xf32, #tpu.memory_space<hbm>> -> memref<8x800xf32, #tpu.memory_space<hbm>>
          tpu.wait_dma2 semaphore(%run_scoped3A_25 : memref<!tpu.dma_semaphore, #tpu.memory_space<semaphore_mem>>) src(%dma_wait3A_51 : memref<8x800xf32, #tpu.memory_space<hbm>>) dst(%arg6 : memref<8x800xf32, #tpu.memory_space<vmem>>)
          tpu.yield
        }) : () -> ()
        %scan3A_19 = arith.constant 0 : i32
        %scan3A_20 = arith.constant 0 : i32
        %scan3A_21 = arith.constant 50 : i32
        %scan3A_22 = arith.addi %scan3A_20, %scan3A_21 : i32
        %scan3A_23 = arith.constant 1 : i32
        scf.for %scan3A_25 = %scan3A_20 to %scan3A_22 step %scan3A_23  : i32 {
          %mul3A_26 = arith.constant 16 : i32
          %mul3A_27 = arith.muli %scan3A_25, %mul3A_26 : i32
          %get3A = arith.constant 0 : i32
          %get3A_28 = arith.index_cast %get3A : i32 to index
          %get3A_29 = arith.index_cast %mul3A_27 : i32 to index
          %get3A_30 = tpu.vector_load %arg6[%get3A_28, %get3A_29] {strides = array<i32>} : memref<8x800xf32, #tpu.memory_space<vmem>>, vector<16xf32>,
          %mul3A_31 = arith.constant 8 : i32
          %mul3A_32 = arith.muli %mul3A_27, %mul3A_31 : i32
          %add3A_33 = vector.broadcast %mul3A_32 : i32 to vector<16xi32>
          %add3A_34 = arith.addi %add3A_33, %mul3A_3 : vector<16xi32>
          %add3A_35 = arith.constant 0 : i32
          %add3A_36 = vector.broadcast %add3A_35 : i32 to vector<16xi32>
          %add3A_37 = arith.addi %add3A_34, %add3A_36 : vector<16xi32>
          tpu.vector_store_idx %arg7[%add3A_37], %get3A_30 : memref<6400xf32, #tpu.memory_space<vmem>>[vector<16xi32>], vector<16xf32>,
          %get3A_38 = arith.constant 1 : i32
          %get3A_39 = arith.index_cast %get3A_38 : i32 to index
          %get3A_40 = arith.index_cast %mul3A_27 : i32 to index
          %get3A_41 = tpu.vector_load %arg6[%get3A_39, %get3A_40] {strides = array<i32>} : memref<8x800xf32, #tpu.memory_space<vmem>>, vector<16xf32>,
          %mul3A_42 = arith.constant 8 : i32
          %mul3A_43 = arith.muli %mul3A_27, %mul3A_42 : i32
          %add3A_44 = vector.broadcast %mul3A_43 : i32 to vector<16xi32>
          %add3A_45 = arith.addi %add3A_44, %mul3A_3 : vector<16xi32>
          %add3A_46 = arith.constant 1 : i32
          %add3A_47 = vector.broadcast %add3A_46 : i32 to vector<16xi32>
          %add3A_48 = arith.addi %add3A_45, %add3A_47 : vector<16xi32>
          tpu.vector_store_idx %arg7[%add3A_48], %get3A_41 : memref<6400xf32, #tpu.memory_space<vmem>>[vector<16xi32>], vector<16xf32>,
          %get3A_49 = arith.constant 2 : i32
          %get3A_50 = arith.index_cast %get3A_49 : i32 to index
          %get3A_51 = arith.index_cast %mul3A_27 : i32 to index
          %get3A_52 = tpu.vector_load %arg6[%get3A_50, %get3A_51] {strides = array<i32>} : memref<8x800xf32, #tpu.memory_space<vmem>>, vector<16xf32>,
          %mul3A_53 = arith.constant 8 : i32
          %mul3A_54 = arith.muli %mul3A_27, %mul3A_53 : i32
          %add3A_55 = vector.broadcast %mul3A_54 : i32 to vector<16xi32>
          %add3A_56 = arith.addi %add3A_55, %mul3A_3 : vector<16xi32>
          %add3A_57 = arith.constant 2 : i32
          %add3A_58 = vector.broadcast %add3A_57 : i32 to vector<16xi32>
          %add3A_59 = arith.addi %add3A_56, %add3A_58 : vector<16xi32>
          tpu.vector_store_idx %arg7[%add3A_59], %get3A_52 : memref<6400xf32, #tpu.memory_space<vmem>>[vector<16xi32>], vector<16xf32>,
          %get3A_60 = arith.constant 3 : i32
          %get3A_61 = arith.index_cast %get3A_60 : i32 to index
          %get3A_62 = arith.index_cast %mul3A_27 : i32 to index
          %get3A_63 = tpu.vector_load %arg6[%get3A_61, %get3A_62] {strides = array<i32>} : memref<8x800xf32, #tpu.memory_space<vmem>>, vector<16xf32>,
          %mul3A_64 = arith.constant 8 : i32
          %mul3A_65 = arith.muli %mul3A_27, %mul3A_64 : i32
          %add3A_66 = vector.broadcast %mul3A_65 : i32 to vector<16xi32>
          %add3A_67 = arith.addi %add3A_66, %mul3A_3 : vector<16xi32>
          %add3A_68 = arith.constant 3 : i32
          %add3A_69 = vector.broadcast %add3A_68 : i32 to vector<16xi32>
          %add3A_70 = arith.addi %add3A_67, %add3A_69 : vector<16xi32>
          tpu.vector_store_idx %arg7[%add3A_70], %get3A_63 : memref<6400xf32, #tpu.memory_space<vmem>>[vector<16xi32>], vector<16xf32>,
          %get3A_71 = arith.constant 4 : i32
          %get3A_72 = arith.index_cast %get3A_71 : i32 to index
          %get3A_73 = arith.index_cast %mul3A_27 : i32 to index
          %get3A_74 = tpu.vector_load %arg6[%get3A_72, %get3A_73] {strides = array<i32>} : memref<8x800xf32, #tpu.memory_space<vmem>>, vector<16xf32>,
          %mul3A_75 = arith.constant 8 : i32
          %mul3A_76 = arith.muli %mul3A_27, %mul3A_75 : i32
          %add3A_77 = vector.broadcast %mul3A_76 : i32 to vector<16xi32>
          %add3A_78 = arith.addi %add3A_77, %mul3A_3 : vector<16xi32>
          %add3A_79 = arith.constant 4 : i32
          %add3A_80 = vector.broadcast %add3A_79 : i32 to vector<16xi32>
          %add3A_81 = arith.addi %add3A_78, %add3A_80 : vector<16xi32>
          tpu.vector_store_idx %arg7[%add3A_81], %get3A_74 : memref<6400xf32, #tpu.memory_space<vmem>>[vector<16xi32>], vector<16xf32>,
          %get3A_82 = arith.constant 5 : i32
          %get3A_83 = arith.index_cast %get3A_82 : i32 to index
          %get3A_84 = arith.index_cast %mul3A_27 : i32 to index
          %get3A_85 = tpu.vector_load %arg6[%get3A_83, %get3A_84] {strides = array<i32>} : memref<8x800xf32, #tpu.memory_space<vmem>>, vector<16xf32>,
          %mul3A_86 = arith.constant 8 : i32
          %mul3A_87 = arith.muli %mul3A_27, %mul3A_86 : i32
          %add3A_88 = vector.broadcast %mul3A_87 : i32 to vector<16xi32>
          %add3A_89 = arith.addi %add3A_88, %mul3A_3 : vector<16xi32>
          %add3A_90 = arith.constant 5 : i32
          %add3A_91 = vector.broadcast %add3A_90 : i32 to vector<16xi32>
          %add3A_92 = arith.addi %add3A_89, %add3A_91 : vector<16xi32>
          tpu.vector_store_idx %arg7[%add3A_92], %get3A_85 : memref<6400xf32, #tpu.memory_space<vmem>>[vector<16xi32>], vector<16xf32>,
          %get3A_93 = arith.constant 6 : i32
          %get3A_94 = arith.index_cast %get3A_93 : i32 to index
          %get3A_95 = arith.index_cast %mul3A_27 : i32 to index
          %get3A_96 = tpu.vector_load %arg6[%get3A_94, %get3A_95] {strides = array<i32>} : memref<8x800xf32, #tpu.memory_space<vmem>>, vector<16xf32>,
          %mul3A_97 = arith.constant 8 : i32
          %mul3A_98 = arith.muli %mul3A_27, %mul3A_97 : i32
          %add3A_99 = vector.broadcast %mul3A_98 : i32 to vector<16xi32>
          %add3A_100 = arith.addi %add3A_99, %mul3A_3 : vector<16xi32>
          %add3A_101 = arith.constant 6 : i32
          %add3A_102 = vector.broadcast %add3A_101 : i32 to vector<16xi32>
          %add3A_103 = arith.addi %add3A_100, %add3A_102 : vector<16xi32>
          tpu.vector_store_idx %arg7[%add3A_103], %get3A_96 : memref<6400xf32, #tpu.memory_space<vmem>>[vector<16xi32>], vector<16xf32>,
          %get3A_104 = arith.constant 7 : i32
          %get3A_105 = arith.index_cast %get3A_104 : i32 to index
          %get3A_106 = arith.index_cast %mul3A_27 : i32 to index
          %get3A_107 = tpu.vector_load %arg6[%get3A_105, %get3A_106] {strides = array<i32>} : memref<8x800xf32, #tpu.memory_space<vmem>>, vector<16xf32>,
          %mul3A_108 = arith.constant 8 : i32
          %mul3A_109 = arith.muli %mul3A_27, %mul3A_108 : i32
          %add3A_110 = vector.broadcast %mul3A_109 : i32 to vector<16xi32>
          %add3A_111 = arith.addi %add3A_110, %mul3A_3 : vector<16xi32>
          %add3A_112 = arith.constant 7 : i32
          %add3A_113 = vector.broadcast %add3A_112 : i32 to vector<16xi32>
          %add3A_114 = arith.addi %add3A_111, %add3A_113 : vector<16xi32>
          tpu.vector_store_idx %arg7[%add3A_114], %get3A_107 : memref<6400xf32, #tpu.memory_space<vmem>>[vector<16xi32>], vector<16xf32>,
        }
        %scan3A_24 = arith.constant 50 : i32
        "tpu.region"() ({
          %run_scoped3A_25 = tpu.sem_alloc : memref<!tpu.dma_semaphore, #tpu.memory_space<semaphore_mem>>
          %dma_start3A = arith.constant 3993600 : i32
          %dma_start3A_26 = tpu.memref_slice %arg3[%dma_start3A] : memref<4000000xf32, #tpu.memory_space<hbm>> -> memref<6400xf32, #tpu.memory_space<hbm>>
          %dma_start3A_27 = arith.constant 3993600 : i32
          %dma_start3A_28 = tpu.memref_slice %arg3[%dma_start3A_27] : memref<4000000xf32, #tpu.memory_space<hbm>> -> memref<6400xf32, #tpu.memory_space<hbm>>
          tpu.enqueue_dma source(%arg7 : memref<6400xf32, #tpu.memory_space<vmem>>) target(%dma_start3A_28 : memref<6400xf32, #tpu.memory_space<hbm>>) target_semaphore(%run_scoped3A_25 : memref<!tpu.dma_semaphore, #tpu.memory_space<semaphore_mem>>)
          %dma_wait3A = arith.constant 3993600 : i32
          %dma_wait3A_29 = tpu.memref_slice %arg3[%dma_wait3A] : memref<4000000xf32, #tpu.memory_space<hbm>> -> memref<6400xf32, #tpu.memory_space<hbm>>
          %dma_wait3A_30 = arith.constant 3993600 : i32
          %dma_wait3A_31 = tpu.memref_slice %arg3[%dma_wait3A_30] : memref<4000000xf32, #tpu.memory_space<hbm>> -> memref<6400xf32, #tpu.memory_space<hbm>>
          tpu.wait_dma2 semaphore(%run_scoped3A_25 : memref<!tpu.dma_semaphore, #tpu.memory_space<semaphore_mem>>) src(%arg7 : memref<6400xf32, #tpu.memory_space<vmem>>) dst(%dma_wait3A_31 : memref<6400xf32, #tpu.memory_space<hbm>>)
          tpu.yield
        }) : () -> ()
      } else {
      }
    }
    %scan3A_8 = arith.constant 5 : i32
    return
  }
}

#map = affine_map<(d0, d1) -> (0)>
#map1 = affine_map<(d0, d1) -> (0, 0, 0)>
module attributes {stable_mosaic.version = 14 : i64} {
  func.func @relayout_kernel(%arg0: i32, %arg1: i32, %arg2: memref<32000000xf32, #tpu.memory_space<hbm>>, %arg3: memref<1x8x4000000xf32, #tpu.memory_space<hbm>>, %arg4: memref<8x6400xf32, #tpu.memory_space<vmem>>, %arg5: memref<!tpu.dma_semaphore, #tpu.memory_space<semaphore_mem>>) attributes {dimension_semantics = [#tpu.dimension_semantics<core_parallel>, #tpu.dimension_semantics<subcore_parallel>], iteration_bounds = array<i64: 2, 16>, scalar_prefetch = 0 : i64, scratch_operands = 2 : i64, tpu.core_type = #tpu.core_type<sc_vector_subcore>, window_params = [{transform_indices = #map}, {transform_indices = #map1}]} {
    %mul3A = arith.constant 2 : i32
    %mul3A_0 = arith.muli %arg1, %mul3A : i32
    %add3A = arith.addi %mul3A_0, %arg0 : i32
    %scan3A = arith.constant 0 : i32
    %scan3A_1 = arith.constant 0 : i32
    %scan3A_2 = arith.constant 20 : i32
    %scan3A_3 = arith.addi %scan3A_1, %scan3A_2 : i32
    %scan3A_4 = arith.constant 1 : i32
    scf.for %scan3A_6 = %scan3A_1 to %scan3A_3 step %scan3A_4  : i32 {
      %mul3A_7 = arith.constant 32 : i32
      %mul3A_8 = arith.muli %scan3A_6, %mul3A_7 : i32
      %add3A_9 = arith.addi %mul3A_8, %add3A : i32
      %lt3A = arith.constant 625 : i32
      %lt3A_10 = arith.cmpi slt, %add3A_9, %lt3A : i32
      %convert_element_type3A = arith.extui %lt3A_10 : i1 to i32
      %cond3A = arith.constant 0 : i32
      %cond3A_11 = arith.cmpi ne, %convert_element_type3A, %cond3A : i32
      scf.if %cond3A_11 {
        %mul3A_12 = arith.constant 6400 : i32
        %mul3A_13 = arith.muli %add3A_9, %mul3A_12 : i32
        %add3A_14 = arith.constant 0 : i32
        %add3A_15 = arith.addi %add3A_14, %mul3A_13 : i32
        %run_scoped3A = arith.constant 0 : i32
        "tpu.region"() ({
          %run_scoped3A_38 = tpu.sem_alloc : memref<!tpu.dma_semaphore, #tpu.memory_space<semaphore_mem>>
          %dma_start3A = arith.constant 0 : i32
          %dma_start3A_39 = tpu.memref_slice %arg4[%run_scoped3A, %dma_start3A] : memref<8x6400xf32, #tpu.memory_space<vmem>> -> memref<1x6400xf32, #tpu.memory_space<vmem>>
          %dma_start3A_40 = tpu.memref_squeeze %dma_start3A_39 : memref<1x6400xf32, #tpu.memory_space<vmem>> -> memref<6400xf32, #tpu.memory_space<vmem>>
          %dma_start3A_41 = tpu.memref_slice %arg2[%add3A_15] : memref<32000000xf32, #tpu.memory_space<hbm>> -> memref<6400xf32, #tpu.memory_space<hbm>>
          %dma_start3A_42 = arith.constant 0 : i32
          %dma_start3A_43 = tpu.memref_slice %arg4[%run_scoped3A, %dma_start3A_42] : memref<8x6400xf32, #tpu.memory_space<vmem>> -> memref<1x6400xf32, #tpu.memory_space<vmem>>
          %dma_start3A_44 = tpu.memref_squeeze %dma_start3A_43 : memref<1x6400xf32, #tpu.memory_space<vmem>> -> memref<6400xf32, #tpu.memory_space<vmem>>
          %dma_start3A_45 = tpu.memref_slice %arg2[%add3A_15] : memref<32000000xf32, #tpu.memory_space<hbm>> -> memref<6400xf32, #tpu.memory_space<hbm>>
          tpu.enqueue_dma source(%dma_start3A_45 : memref<6400xf32, #tpu.memory_space<hbm>>) target(%dma_start3A_44 : memref<6400xf32, #tpu.memory_space<vmem>>) target_semaphore(%run_scoped3A_38 : memref<!tpu.dma_semaphore, #tpu.memory_space<semaphore_mem>>)
          %dma_wait3A = arith.constant 0 : i32
          %dma_wait3A_46 = tpu.memref_slice %arg4[%run_scoped3A, %dma_wait3A] : memref<8x6400xf32, #tpu.memory_space<vmem>> -> memref<1x6400xf32, #tpu.memory_space<vmem>>
          %dma_wait3A_47 = tpu.memref_squeeze %dma_wait3A_46 : memref<1x6400xf32, #tpu.memory_space<vmem>> -> memref<6400xf32, #tpu.memory_space<vmem>>
          %dma_wait3A_48 = tpu.memref_slice %arg2[%add3A_15] : memref<32000000xf32, #tpu.memory_space<hbm>> -> memref<6400xf32, #tpu.memory_space<hbm>>
          %dma_wait3A_49 = arith.constant 0 : i32
          %dma_wait3A_50 = tpu.memref_slice %arg4[%run_scoped3A, %dma_wait3A_49] : memref<8x6400xf32, #tpu.memory_space<vmem>> -> memref<1x6400xf32, #tpu.memory_space<vmem>>
          %dma_wait3A_51 = tpu.memref_squeeze %dma_wait3A_50 : memref<1x6400xf32, #tpu.memory_space<vmem>> -> memref<6400xf32, #tpu.memory_space<vmem>>
          %dma_wait3A_52 = tpu.memref_slice %arg2[%add3A_15] : memref<32000000xf32, #tpu.memory_space<hbm>> -> memref<6400xf32, #tpu.memory_space<hbm>>
          tpu.wait_dma2 semaphore(%run_scoped3A_38 : memref<!tpu.dma_semaphore, #tpu.memory_space<semaphore_mem>>) src(%dma_wait3A_52 : memref<6400xf32, #tpu.memory_space<hbm>>) dst(%dma_wait3A_51 : memref<6400xf32, #tpu.memory_space<vmem>>)
          tpu.yield
        }) : () -> ()
        %add3A_16 = arith.constant 4000000 : i32
        %add3A_17 = arith.addi %add3A_16, %mul3A_13 : i32
        %run_scoped3A_18 = arith.constant 1 : i32
        "tpu.region"() ({
          %run_scoped3A_38 = tpu.sem_alloc : memref<!tpu.dma_semaphore, #tpu.memory_space<semaphore_mem>>
          %dma_start3A = arith.constant 0 : i32
          %dma_start3A_39 = tpu.memref_slice %arg4[%run_scoped3A_18, %dma_start3A] : memref<8x6400xf32, #tpu.memory_space<vmem>> -> memref<1x6400xf32, #tpu.memory_space<vmem>>
          %dma_start3A_40 = tpu.memref_squeeze %dma_start3A_39 : memref<1x6400xf32, #tpu.memory_space<vmem>> -> memref<6400xf32, #tpu.memory_space<vmem>>
          %dma_start3A_41 = tpu.memref_slice %arg2[%add3A_17] : memref<32000000xf32, #tpu.memory_space<hbm>> -> memref<6400xf32, #tpu.memory_space<hbm>>
          %dma_start3A_42 = arith.constant 0 : i32
          %dma_start3A_43 = tpu.memref_slice %arg4[%run_scoped3A_18, %dma_start3A_42] : memref<8x6400xf32, #tpu.memory_space<vmem>> -> memref<1x6400xf32, #tpu.memory_space<vmem>>
          %dma_start3A_44 = tpu.memref_squeeze %dma_start3A_43 : memref<1x6400xf32, #tpu.memory_space<vmem>> -> memref<6400xf32, #tpu.memory_space<vmem>>
          %dma_start3A_45 = tpu.memref_slice %arg2[%add3A_17] : memref<32000000xf32, #tpu.memory_space<hbm>> -> memref<6400xf32, #tpu.memory_space<hbm>>
          tpu.enqueue_dma source(%dma_start3A_45 : memref<6400xf32, #tpu.memory_space<hbm>>) target(%dma_start3A_44 : memref<6400xf32, #tpu.memory_space<vmem>>) target_semaphore(%run_scoped3A_38 : memref<!tpu.dma_semaphore, #tpu.memory_space<semaphore_mem>>)
          %dma_wait3A = arith.constant 0 : i32
          %dma_wait3A_46 = tpu.memref_slice %arg4[%run_scoped3A_18, %dma_wait3A] : memref<8x6400xf32, #tpu.memory_space<vmem>> -> memref<1x6400xf32, #tpu.memory_space<vmem>>
          %dma_wait3A_47 = tpu.memref_squeeze %dma_wait3A_46 : memref<1x6400xf32, #tpu.memory_space<vmem>> -> memref<6400xf32, #tpu.memory_space<vmem>>
          %dma_wait3A_48 = tpu.memref_slice %arg2[%add3A_17] : memref<32000000xf32, #tpu.memory_space<hbm>> -> memref<6400xf32, #tpu.memory_space<hbm>>
          %dma_wait3A_49 = arith.constant 0 : i32
          %dma_wait3A_50 = tpu.memref_slice %arg4[%run_scoped3A_18, %dma_wait3A_49] : memref<8x6400xf32, #tpu.memory_space<vmem>> -> memref<1x6400xf32, #tpu.memory_space<vmem>>
          %dma_wait3A_51 = tpu.memref_squeeze %dma_wait3A_50 : memref<1x6400xf32, #tpu.memory_space<vmem>> -> memref<6400xf32, #tpu.memory_space<vmem>>
          %dma_wait3A_52 = tpu.memref_slice %arg2[%add3A_17] : memref<32000000xf32, #tpu.memory_space<hbm>> -> memref<6400xf32, #tpu.memory_space<hbm>>
          tpu.wait_dma2 semaphore(%run_scoped3A_38 : memref<!tpu.dma_semaphore, #tpu.memory_space<semaphore_mem>>) src(%dma_wait3A_52 : memref<6400xf32, #tpu.memory_space<hbm>>) dst(%dma_wait3A_51 : memref<6400xf32, #tpu.memory_space<vmem>>)
          tpu.yield
        }) : () -> ()
        %add3A_19 = arith.constant 8000000 : i32
        %add3A_20 = arith.addi %add3A_19, %mul3A_13 : i32
        %run_scoped3A_21 = arith.constant 2 : i32
        "tpu.region"() ({
          %run_scoped3A_38 = tpu.sem_alloc : memref<!tpu.dma_semaphore, #tpu.memory_space<semaphore_mem>>
          %dma_start3A = arith.constant 0 : i32
          %dma_start3A_39 = tpu.memref_slice %arg4[%run_scoped3A_21, %dma_start3A] : memref<8x6400xf32, #tpu.memory_space<vmem>> -> memref<1x6400xf32, #tpu.memory_space<vmem>>
          %dma_start3A_40 = tpu.memref_squeeze %dma_start3A_39 : memref<1x6400xf32, #tpu.memory_space<vmem>> -> memref<6400xf32, #tpu.memory_space<vmem>>
          %dma_start3A_41 = tpu.memref_slice %arg2[%add3A_20] : memref<32000000xf32, #tpu.memory_space<hbm>> -> memref<6400xf32, #tpu.memory_space<hbm>>
          %dma_start3A_42 = arith.constant 0 : i32
          %dma_start3A_43 = tpu.memref_slice %arg4[%run_scoped3A_21, %dma_start3A_42] : memref<8x6400xf32, #tpu.memory_space<vmem>> -> memref<1x6400xf32, #tpu.memory_space<vmem>>
          %dma_start3A_44 = tpu.memref_squeeze %dma_start3A_43 : memref<1x6400xf32, #tpu.memory_space<vmem>> -> memref<6400xf32, #tpu.memory_space<vmem>>
          %dma_start3A_45 = tpu.memref_slice %arg2[%add3A_20] : memref<32000000xf32, #tpu.memory_space<hbm>> -> memref<6400xf32, #tpu.memory_space<hbm>>
          tpu.enqueue_dma source(%dma_start3A_45 : memref<6400xf32, #tpu.memory_space<hbm>>) target(%dma_start3A_44 : memref<6400xf32, #tpu.memory_space<vmem>>) target_semaphore(%run_scoped3A_38 : memref<!tpu.dma_semaphore, #tpu.memory_space<semaphore_mem>>)
          %dma_wait3A = arith.constant 0 : i32
          %dma_wait3A_46 = tpu.memref_slice %arg4[%run_scoped3A_21, %dma_wait3A] : memref<8x6400xf32, #tpu.memory_space<vmem>> -> memref<1x6400xf32, #tpu.memory_space<vmem>>
          %dma_wait3A_47 = tpu.memref_squeeze %dma_wait3A_46 : memref<1x6400xf32, #tpu.memory_space<vmem>> -> memref<6400xf32, #tpu.memory_space<vmem>>
          %dma_wait3A_48 = tpu.memref_slice %arg2[%add3A_20] : memref<32000000xf32, #tpu.memory_space<hbm>> -> memref<6400xf32, #tpu.memory_space<hbm>>
          %dma_wait3A_49 = arith.constant 0 : i32
          %dma_wait3A_50 = tpu.memref_slice %arg4[%run_scoped3A_21, %dma_wait3A_49] : memref<8x6400xf32, #tpu.memory_space<vmem>> -> memref<1x6400xf32, #tpu.memory_space<vmem>>
          %dma_wait3A_51 = tpu.memref_squeeze %dma_wait3A_50 : memref<1x6400xf32, #tpu.memory_space<vmem>> -> memref<6400xf32, #tpu.memory_space<vmem>>
          %dma_wait3A_52 = tpu.memref_slice %arg2[%add3A_20] : memref<32000000xf32, #tpu.memory_space<hbm>> -> memref<6400xf32, #tpu.memory_space<hbm>>
          tpu.wait_dma2 semaphore(%run_scoped3A_38 : memref<!tpu.dma_semaphore, #tpu.memory_space<semaphore_mem>>) src(%dma_wait3A_52 : memref<6400xf32, #tpu.memory_space<hbm>>) dst(%dma_wait3A_51 : memref<6400xf32, #tpu.memory_space<vmem>>)
          tpu.yield
        }) : () -> ()
        %add3A_22 = arith.constant 12000000 : i32
        %add3A_23 = arith.addi %add3A_22, %mul3A_13 : i32
        %run_scoped3A_24 = arith.constant 3 : i32
        "tpu.region"() ({
          %run_scoped3A_38 = tpu.sem_alloc : memref<!tpu.dma_semaphore, #tpu.memory_space<semaphore_mem>>
          %dma_start3A = arith.constant 0 : i32
          %dma_start3A_39 = tpu.memref_slice %arg4[%run_scoped3A_24, %dma_start3A] : memref<8x6400xf32, #tpu.memory_space<vmem>> -> memref<1x6400xf32, #tpu.memory_space<vmem>>
          %dma_start3A_40 = tpu.memref_squeeze %dma_start3A_39 : memref<1x6400xf32, #tpu.memory_space<vmem>> -> memref<6400xf32, #tpu.memory_space<vmem>>
          %dma_start3A_41 = tpu.memref_slice %arg2[%add3A_23] : memref<32000000xf32, #tpu.memory_space<hbm>> -> memref<6400xf32, #tpu.memory_space<hbm>>
          %dma_start3A_42 = arith.constant 0 : i32
          %dma_start3A_43 = tpu.memref_slice %arg4[%run_scoped3A_24, %dma_start3A_42] : memref<8x6400xf32, #tpu.memory_space<vmem>> -> memref<1x6400xf32, #tpu.memory_space<vmem>>
          %dma_start3A_44 = tpu.memref_squeeze %dma_start3A_43 : memref<1x6400xf32, #tpu.memory_space<vmem>> -> memref<6400xf32, #tpu.memory_space<vmem>>
          %dma_start3A_45 = tpu.memref_slice %arg2[%add3A_23] : memref<32000000xf32, #tpu.memory_space<hbm>> -> memref<6400xf32, #tpu.memory_space<hbm>>
          tpu.enqueue_dma source(%dma_start3A_45 : memref<6400xf32, #tpu.memory_space<hbm>>) target(%dma_start3A_44 : memref<6400xf32, #tpu.memory_space<vmem>>) target_semaphore(%run_scoped3A_38 : memref<!tpu.dma_semaphore, #tpu.memory_space<semaphore_mem>>)
          %dma_wait3A = arith.constant 0 : i32
          %dma_wait3A_46 = tpu.memref_slice %arg4[%run_scoped3A_24, %dma_wait3A] : memref<8x6400xf32, #tpu.memory_space<vmem>> -> memref<1x6400xf32, #tpu.memory_space<vmem>>
          %dma_wait3A_47 = tpu.memref_squeeze %dma_wait3A_46 : memref<1x6400xf32, #tpu.memory_space<vmem>> -> memref<6400xf32, #tpu.memory_space<vmem>>
          %dma_wait3A_48 = tpu.memref_slice %arg2[%add3A_23] : memref<32000000xf32, #tpu.memory_space<hbm>> -> memref<6400xf32, #tpu.memory_space<hbm>>
          %dma_wait3A_49 = arith.constant 0 : i32
          %dma_wait3A_50 = tpu.memref_slice %arg4[%run_scoped3A_24, %dma_wait3A_49] : memref<8x6400xf32, #tpu.memory_space<vmem>> -> memref<1x6400xf32, #tpu.memory_space<vmem>>
          %dma_wait3A_51 = tpu.memref_squeeze %dma_wait3A_50 : memref<1x6400xf32, #tpu.memory_space<vmem>> -> memref<6400xf32, #tpu.memory_space<vmem>>
          %dma_wait3A_52 = tpu.memref_slice %arg2[%add3A_23] : memref<32000000xf32, #tpu.memory_space<hbm>> -> memref<6400xf32, #tpu.memory_space<hbm>>
          tpu.wait_dma2 semaphore(%run_scoped3A_38 : memref<!tpu.dma_semaphore, #tpu.memory_space<semaphore_mem>>) src(%dma_wait3A_52 : memref<6400xf32, #tpu.memory_space<hbm>>) dst(%dma_wait3A_51 : memref<6400xf32, #tpu.memory_space<vmem>>)
          tpu.yield
        }) : () -> ()
        %add3A_25 = arith.constant 16000000 : i32
        %add3A_26 = arith.addi %add3A_25, %mul3A_13 : i32
        %run_scoped3A_27 = arith.constant 4 : i32
        "tpu.region"() ({
          %run_scoped3A_38 = tpu.sem_alloc : memref<!tpu.dma_semaphore, #tpu.memory_space<semaphore_mem>>
          %dma_start3A = arith.constant 0 : i32
          %dma_start3A_39 = tpu.memref_slice %arg4[%run_scoped3A_27, %dma_start3A] : memref<8x6400xf32, #tpu.memory_space<vmem>> -> memref<1x6400xf32, #tpu.memory_space<vmem>>
          %dma_start3A_40 = tpu.memref_squeeze %dma_start3A_39 : memref<1x6400xf32, #tpu.memory_space<vmem>> -> memref<6400xf32, #tpu.memory_space<vmem>>
          %dma_start3A_41 = tpu.memref_slice %arg2[%add3A_26] : memref<32000000xf32, #tpu.memory_space<hbm>> -> memref<6400xf32, #tpu.memory_space<hbm>>
          %dma_start3A_42 = arith.constant 0 : i32
          %dma_start3A_43 = tpu.memref_slice %arg4[%run_scoped3A_27, %dma_start3A_42] : memref<8x6400xf32, #tpu.memory_space<vmem>> -> memref<1x6400xf32, #tpu.memory_space<vmem>>
          %dma_start3A_44 = tpu.memref_squeeze %dma_start3A_43 : memref<1x6400xf32, #tpu.memory_space<vmem>> -> memref<6400xf32, #tpu.memory_space<vmem>>
          %dma_start3A_45 = tpu.memref_slice %arg2[%add3A_26] : memref<32000000xf32, #tpu.memory_space<hbm>> -> memref<6400xf32, #tpu.memory_space<hbm>>
          tpu.enqueue_dma source(%dma_start3A_45 : memref<6400xf32, #tpu.memory_space<hbm>>) target(%dma_start3A_44 : memref<6400xf32, #tpu.memory_space<vmem>>) target_semaphore(%run_scoped3A_38 : memref<!tpu.dma_semaphore, #tpu.memory_space<semaphore_mem>>)
          %dma_wait3A = arith.constant 0 : i32
          %dma_wait3A_46 = tpu.memref_slice %arg4[%run_scoped3A_27, %dma_wait3A] : memref<8x6400xf32, #tpu.memory_space<vmem>> -> memref<1x6400xf32, #tpu.memory_space<vmem>>
          %dma_wait3A_47 = tpu.memref_squeeze %dma_wait3A_46 : memref<1x6400xf32, #tpu.memory_space<vmem>> -> memref<6400xf32, #tpu.memory_space<vmem>>
          %dma_wait3A_48 = tpu.memref_slice %arg2[%add3A_26] : memref<32000000xf32, #tpu.memory_space<hbm>> -> memref<6400xf32, #tpu.memory_space<hbm>>
          %dma_wait3A_49 = arith.constant 0 : i32
          %dma_wait3A_50 = tpu.memref_slice %arg4[%run_scoped3A_27, %dma_wait3A_49] : memref<8x6400xf32, #tpu.memory_space<vmem>> -> memref<1x6400xf32, #tpu.memory_space<vmem>>
          %dma_wait3A_51 = tpu.memref_squeeze %dma_wait3A_50 : memref<1x6400xf32, #tpu.memory_space<vmem>> -> memref<6400xf32, #tpu.memory_space<vmem>>
          %dma_wait3A_52 = tpu.memref_slice %arg2[%add3A_26] : memref<32000000xf32, #tpu.memory_space<hbm>> -> memref<6400xf32, #tpu.memory_space<hbm>>
          tpu.wait_dma2 semaphore(%run_scoped3A_38 : memref<!tpu.dma_semaphore, #tpu.memory_space<semaphore_mem>>) src(%dma_wait3A_52 : memref<6400xf32, #tpu.memory_space<hbm>>) dst(%dma_wait3A_51 : memref<6400xf32, #tpu.memory_space<vmem>>)
          tpu.yield
        }) : () -> ()
        %add3A_28 = arith.constant 20000000 : i32
        %add3A_29 = arith.addi %add3A_28, %mul3A_13 : i32
        %run_scoped3A_30 = arith.constant 5 : i32
        "tpu.region"() ({
          %run_scoped3A_38 = tpu.sem_alloc : memref<!tpu.dma_semaphore, #tpu.memory_space<semaphore_mem>>
          %dma_start3A = arith.constant 0 : i32
          %dma_start3A_39 = tpu.memref_slice %arg4[%run_scoped3A_30, %dma_start3A] : memref<8x6400xf32, #tpu.memory_space<vmem>> -> memref<1x6400xf32, #tpu.memory_space<vmem>>
          %dma_start3A_40 = tpu.memref_squeeze %dma_start3A_39 : memref<1x6400xf32, #tpu.memory_space<vmem>> -> memref<6400xf32, #tpu.memory_space<vmem>>
          %dma_start3A_41 = tpu.memref_slice %arg2[%add3A_29] : memref<32000000xf32, #tpu.memory_space<hbm>> -> memref<6400xf32, #tpu.memory_space<hbm>>
          %dma_start3A_42 = arith.constant 0 : i32
          %dma_start3A_43 = tpu.memref_slice %arg4[%run_scoped3A_30, %dma_start3A_42] : memref<8x6400xf32, #tpu.memory_space<vmem>> -> memref<1x6400xf32, #tpu.memory_space<vmem>>
          %dma_start3A_44 = tpu.memref_squeeze %dma_start3A_43 : memref<1x6400xf32, #tpu.memory_space<vmem>> -> memref<6400xf32, #tpu.memory_space<vmem>>
          %dma_start3A_45 = tpu.memref_slice %arg2[%add3A_29] : memref<32000000xf32, #tpu.memory_space<hbm>> -> memref<6400xf32, #tpu.memory_space<hbm>>
          tpu.enqueue_dma source(%dma_start3A_45 : memref<6400xf32, #tpu.memory_space<hbm>>) target(%dma_start3A_44 : memref<6400xf32, #tpu.memory_space<vmem>>) target_semaphore(%run_scoped3A_38 : memref<!tpu.dma_semaphore, #tpu.memory_space<semaphore_mem>>)
          %dma_wait3A = arith.constant 0 : i32
          %dma_wait3A_46 = tpu.memref_slice %arg4[%run_scoped3A_30, %dma_wait3A] : memref<8x6400xf32, #tpu.memory_space<vmem>> -> memref<1x6400xf32, #tpu.memory_space<vmem>>
          %dma_wait3A_47 = tpu.memref_squeeze %dma_wait3A_46 : memref<1x6400xf32, #tpu.memory_space<vmem>> -> memref<6400xf32, #tpu.memory_space<vmem>>
          %dma_wait3A_48 = tpu.memref_slice %arg2[%add3A_29] : memref<32000000xf32, #tpu.memory_space<hbm>> -> memref<6400xf32, #tpu.memory_space<hbm>>
          %dma_wait3A_49 = arith.constant 0 : i32
          %dma_wait3A_50 = tpu.memref_slice %arg4[%run_scoped3A_30, %dma_wait3A_49] : memref<8x6400xf32, #tpu.memory_space<vmem>> -> memref<1x6400xf32, #tpu.memory_space<vmem>>
          %dma_wait3A_51 = tpu.memref_squeeze %dma_wait3A_50 : memref<1x6400xf32, #tpu.memory_space<vmem>> -> memref<6400xf32, #tpu.memory_space<vmem>>
          %dma_wait3A_52 = tpu.memref_slice %arg2[%add3A_29] : memref<32000000xf32, #tpu.memory_space<hbm>> -> memref<6400xf32, #tpu.memory_space<hbm>>
          tpu.wait_dma2 semaphore(%run_scoped3A_38 : memref<!tpu.dma_semaphore, #tpu.memory_space<semaphore_mem>>) src(%dma_wait3A_52 : memref<6400xf32, #tpu.memory_space<hbm>>) dst(%dma_wait3A_51 : memref<6400xf32, #tpu.memory_space<vmem>>)
          tpu.yield
        }) : () -> ()
        %add3A_31 = arith.constant 24000000 : i32
        %add3A_32 = arith.addi %add3A_31, %mul3A_13 : i32
        %run_scoped3A_33 = arith.constant 6 : i32
        "tpu.region"() ({
          %run_scoped3A_38 = tpu.sem_alloc : memref<!tpu.dma_semaphore, #tpu.memory_space<semaphore_mem>>
          %dma_start3A = arith.constant 0 : i32
          %dma_start3A_39 = tpu.memref_slice %arg4[%run_scoped3A_33, %dma_start3A] : memref<8x6400xf32, #tpu.memory_space<vmem>> -> memref<1x6400xf32, #tpu.memory_space<vmem>>
          %dma_start3A_40 = tpu.memref_squeeze %dma_start3A_39 : memref<1x6400xf32, #tpu.memory_space<vmem>> -> memref<6400xf32, #tpu.memory_space<vmem>>
          %dma_start3A_41 = tpu.memref_slice %arg2[%add3A_32] : memref<32000000xf32, #tpu.memory_space<hbm>> -> memref<6400xf32, #tpu.memory_space<hbm>>
          %dma_start3A_42 = arith.constant 0 : i32
          %dma_start3A_43 = tpu.memref_slice %arg4[%run_scoped3A_33, %dma_start3A_42] : memref<8x6400xf32, #tpu.memory_space<vmem>> -> memref<1x6400xf32, #tpu.memory_space<vmem>>
          %dma_start3A_44 = tpu.memref_squeeze %dma_start3A_43 : memref<1x6400xf32, #tpu.memory_space<vmem>> -> memref<6400xf32, #tpu.memory_space<vmem>>
          %dma_start3A_45 = tpu.memref_slice %arg2[%add3A_32] : memref<32000000xf32, #tpu.memory_space<hbm>> -> memref<6400xf32, #tpu.memory_space<hbm>>
          tpu.enqueue_dma source(%dma_start3A_45 : memref<6400xf32, #tpu.memory_space<hbm>>) target(%dma_start3A_44 : memref<6400xf32, #tpu.memory_space<vmem>>) target_semaphore(%run_scoped3A_38 : memref<!tpu.dma_semaphore, #tpu.memory_space<semaphore_mem>>)
          %dma_wait3A = arith.constant 0 : i32
          %dma_wait3A_46 = tpu.memref_slice %arg4[%run_scoped3A_33, %dma_wait3A] : memref<8x6400xf32, #tpu.memory_space<vmem>> -> memref<1x6400xf32, #tpu.memory_space<vmem>>
          %dma_wait3A_47 = tpu.memref_squeeze %dma_wait3A_46 : memref<1x6400xf32, #tpu.memory_space<vmem>> -> memref<6400xf32, #tpu.memory_space<vmem>>
          %dma_wait3A_48 = tpu.memref_slice %arg2[%add3A_32] : memref<32000000xf32, #tpu.memory_space<hbm>> -> memref<6400xf32, #tpu.memory_space<hbm>>
          %dma_wait3A_49 = arith.constant 0 : i32
          %dma_wait3A_50 = tpu.memref_slice %arg4[%run_scoped3A_33, %dma_wait3A_49] : memref<8x6400xf32, #tpu.memory_space<vmem>> -> memref<1x6400xf32, #tpu.memory_space<vmem>>
          %dma_wait3A_51 = tpu.memref_squeeze %dma_wait3A_50 : memref<1x6400xf32, #tpu.memory_space<vmem>> -> memref<6400xf32, #tpu.memory_space<vmem>>
          %dma_wait3A_52 = tpu.memref_slice %arg2[%add3A_32] : memref<32000000xf32, #tpu.memory_space<hbm>> -> memref<6400xf32, #tpu.memory_space<hbm>>
          tpu.wait_dma2 semaphore(%run_scoped3A_38 : memref<!tpu.dma_semaphore, #tpu.memory_space<semaphore_mem>>) src(%dma_wait3A_52 : memref<6400xf32, #tpu.memory_space<hbm>>) dst(%dma_wait3A_51 : memref<6400xf32, #tpu.memory_space<vmem>>)
          tpu.yield
        }) : () -> ()
        %add3A_34 = arith.constant 28000000 : i32
        %add3A_35 = arith.addi %add3A_34, %mul3A_13 : i32
        %run_scoped3A_36 = arith.constant 7 : i32
        "tpu.region"() ({
          %run_scoped3A_38 = tpu.sem_alloc : memref<!tpu.dma_semaphore, #tpu.memory_space<semaphore_mem>>
          %dma_start3A = arith.constant 0 : i32
          %dma_start3A_39 = tpu.memref_slice %arg4[%run_scoped3A_36, %dma_start3A] : memref<8x6400xf32, #tpu.memory_space<vmem>> -> memref<1x6400xf32, #tpu.memory_space<vmem>>
          %dma_start3A_40 = tpu.memref_squeeze %dma_start3A_39 : memref<1x6400xf32, #tpu.memory_space<vmem>> -> memref<6400xf32, #tpu.memory_space<vmem>>
          %dma_start3A_41 = tpu.memref_slice %arg2[%add3A_35] : memref<32000000xf32, #tpu.memory_space<hbm>> -> memref<6400xf32, #tpu.memory_space<hbm>>
          %dma_start3A_42 = arith.constant 0 : i32
          %dma_start3A_43 = tpu.memref_slice %arg4[%run_scoped3A_36, %dma_start3A_42] : memref<8x6400xf32, #tpu.memory_space<vmem>> -> memref<1x6400xf32, #tpu.memory_space<vmem>>
          %dma_start3A_44 = tpu.memref_squeeze %dma_start3A_43 : memref<1x6400xf32, #tpu.memory_space<vmem>> -> memref<6400xf32, #tpu.memory_space<vmem>>
          %dma_start3A_45 = tpu.memref_slice %arg2[%add3A_35] : memref<32000000xf32, #tpu.memory_space<hbm>> -> memref<6400xf32, #tpu.memory_space<hbm>>
          tpu.enqueue_dma source(%dma_start3A_45 : memref<6400xf32, #tpu.memory_space<hbm>>) target(%dma_start3A_44 : memref<6400xf32, #tpu.memory_space<vmem>>) target_semaphore(%run_scoped3A_38 : memref<!tpu.dma_semaphore, #tpu.memory_space<semaphore_mem>>)
          %dma_wait3A = arith.constant 0 : i32
          %dma_wait3A_46 = tpu.memref_slice %arg4[%run_scoped3A_36, %dma_wait3A] : memref<8x6400xf32, #tpu.memory_space<vmem>> -> memref<1x6400xf32, #tpu.memory_space<vmem>>
          %dma_wait3A_47 = tpu.memref_squeeze %dma_wait3A_46 : memref<1x6400xf32, #tpu.memory_space<vmem>> -> memref<6400xf32, #tpu.memory_space<vmem>>
          %dma_wait3A_48 = tpu.memref_slice %arg2[%add3A_35] : memref<32000000xf32, #tpu.memory_space<hbm>> -> memref<6400xf32, #tpu.memory_space<hbm>>
          %dma_wait3A_49 = arith.constant 0 : i32
          %dma_wait3A_50 = tpu.memref_slice %arg4[%run_scoped3A_36, %dma_wait3A_49] : memref<8x6400xf32, #tpu.memory_space<vmem>> -> memref<1x6400xf32, #tpu.memory_space<vmem>>
          %dma_wait3A_51 = tpu.memref_squeeze %dma_wait3A_50 : memref<1x6400xf32, #tpu.memory_space<vmem>> -> memref<6400xf32, #tpu.memory_space<vmem>>
          %dma_wait3A_52 = tpu.memref_slice %arg2[%add3A_35] : memref<32000000xf32, #tpu.memory_space<hbm>> -> memref<6400xf32, #tpu.memory_space<hbm>>
          tpu.wait_dma2 semaphore(%run_scoped3A_38 : memref<!tpu.dma_semaphore, #tpu.memory_space<semaphore_mem>>) src(%dma_wait3A_52 : memref<6400xf32, #tpu.memory_space<hbm>>) dst(%dma_wait3A_51 : memref<6400xf32, #tpu.memory_space<vmem>>)
          tpu.yield
        }) : () -> ()
        %run_scoped3A_37 = arith.constant 0 : i32
        "tpu.region"() ({
          %run_scoped3A_38 = tpu.sem_alloc : memref<!tpu.dma_semaphore, #tpu.memory_space<semaphore_mem>>
          %dma_start3A = arith.constant 0 : i32
          %dma_start3A_39 = arith.constant 0 : i32
          %dma_start3A_40 = tpu.memref_slice %arg3[%run_scoped3A_37, %dma_start3A, %dma_start3A_39] : memref<1x8x4000000xf32, #tpu.memory_space<hbm>> -> memref<1x8x4000000xf32, #tpu.memory_space<hbm>>
          %dma_start3A_41 = tpu.memref_squeeze %dma_start3A_40 : memref<1x8x4000000xf32, #tpu.memory_space<hbm>> -> memref<8x4000000xf32, #tpu.memory_space<hbm>>
          %dma_start3A_42 = arith.constant 0 : i32
          %dma_start3A_43 = tpu.memref_slice %dma_start3A_41[%dma_start3A_42, %mul3A_13] : memref<8x4000000xf32, #tpu.memory_space<hbm>> -> memref<8x6400xf32, #tpu.memory_space<hbm>>
          %dma_start3A_44 = arith.constant 0 : i32
          %dma_start3A_45 = arith.constant 0 : i32
          %dma_start3A_46 = tpu.memref_slice %arg3[%run_scoped3A_37, %dma_start3A_44, %dma_start3A_45] : memref<1x8x4000000xf32, #tpu.memory_space<hbm>> -> memref<1x8x4000000xf32, #tpu.memory_space<hbm>>
          %dma_start3A_47 = tpu.memref_squeeze %dma_start3A_46 : memref<1x8x4000000xf32, #tpu.memory_space<hbm>> -> memref<8x4000000xf32, #tpu.memory_space<hbm>>
          %dma_start3A_48 = arith.constant 0 : i32
          %dma_start3A_49 = tpu.memref_slice %dma_start3A_47[%dma_start3A_48, %mul3A_13] : memref<8x4000000xf32, #tpu.memory_space<hbm>> -> memref<8x6400xf32, #tpu.memory_space<hbm>>
          tpu.enqueue_dma source(%arg4 : memref<8x6400xf32, #tpu.memory_space<vmem>>) target(%dma_start3A_49 : memref<8x6400xf32, #tpu.memory_space<hbm>>) target_semaphore(%run_scoped3A_38 : memref<!tpu.dma_semaphore, #tpu.memory_space<semaphore_mem>>)
          %dma_wait3A = arith.constant 0 : i32
          %dma_wait3A_50 = arith.constant 0 : i32
          %dma_wait3A_51 = tpu.memref_slice %arg3[%run_scoped3A_37, %dma_wait3A, %dma_wait3A_50] : memref<1x8x4000000xf32, #tpu.memory_space<hbm>> -> memref<1x8x4000000xf32, #tpu.memory_space<hbm>>
          %dma_wait3A_52 = tpu.memref_squeeze %dma_wait3A_51 : memref<1x8x4000000xf32, #tpu.memory_space<hbm>> -> memref<8x4000000xf32, #tpu.memory_space<hbm>>
          %dma_wait3A_53 = arith.constant 0 : i32
          %dma_wait3A_54 = tpu.memref_slice %dma_wait3A_52[%dma_wait3A_53, %mul3A_13] : memref<8x4000000xf32, #tpu.memory_space<hbm>> -> memref<8x6400xf32, #tpu.memory_space<hbm>>
          %dma_wait3A_55 = arith.constant 0 : i32
          %dma_wait3A_56 = arith.constant 0 : i32
          %dma_wait3A_57 = tpu.memref_slice %arg3[%run_scoped3A_37, %dma_wait3A_55, %dma_wait3A_56] : memref<1x8x4000000xf32, #tpu.memory_space<hbm>> -> memref<1x8x4000000xf32, #tpu.memory_space<hbm>>
          %dma_wait3A_58 = tpu.memref_squeeze %dma_wait3A_57 : memref<1x8x4000000xf32, #tpu.memory_space<hbm>> -> memref<8x4000000xf32, #tpu.memory_space<hbm>>
          %dma_wait3A_59 = arith.constant 0 : i32
          %dma_wait3A_60 = tpu.memref_slice %dma_wait3A_58[%dma_wait3A_59, %mul3A_13] : memref<8x4000000xf32, #tpu.memory_space<hbm>> -> memref<8x6400xf32, #tpu.memory_space<hbm>>
          tpu.wait_dma2 semaphore(%run_scoped3A_38 : memref<!tpu.dma_semaphore, #tpu.memory_space<semaphore_mem>>) src(%arg4 : memref<8x6400xf32, #tpu.memory_space<vmem>>) dst(%dma_wait3A_60 : memref<8x6400xf32, #tpu.memory_space<hbm>>)
          tpu.yield
        }) : () -> ()
      } else {
      }
    }
    %scan3A_5 = arith.constant 20 : i32
    return
  }
}

</mosaic_0001>

<sc_bundles>
// kernel: kernel.11.cloned.1.call-start
scs
__scs_entry_jumppad:
0x0: {  	(pc) =	sbr.rel $0x88, $3  }
0x1: {  	(tag) =	ssettag $0x0;
	lr =	simm.s32 $0x1  }
0x2: {  	[smem:$0x3F9F] =	sst lr;
	_ =	strace $0xD0000000  }
0x3: {  	_ = 	snop  }
0x4: {  	_ = 	snop  }
0x5: {  	_ = 	snop  }
0x6: {  	_ = 	snop  }
0x7: {  	_ = 	snop  }
__scs_overlays_trampoline_lowered:
0x8: {  	[smem:$0x3FAE] =	sst s0  }
0x9: {  	[smem:$0x3FAF] =	sst s1  }
0xa: {  	[smem:$0x3FB0] =	sst s2  }
0xb: {  	[smem:$0x3FB1] =	sst s3  }
0xc: {  	[smem:$0x3FB2] =	sst s4  }
0xd: {  	[smem:$0x3FB3] =	sst s5  }
0xe: {  	[smem:$0x3FB4] =	sst s6  }
0xf: {  	[smem:$0x3FB5] =	sst s7  }
0x10: {  	[smem:$0x3FB6] =	sst s8  }
0x11: {  	[smem:$0x3FB7] =	sst s9;
	s0 =	simm.s32 @!p0 $0x0  }
0x12: {  	s1 =	sld [smem:$0x3F9D];
	s0 =	simm.s32 @p0 $0x1  }
0x13: {  	[smem:$0x3FB8] =	sst s0;
	s0 =	simm.s32 @!p1 $0x0  }
0x14: {  	s2 =	sld [smem:$0x3F9C];
	s0 =	simm.s32 @p1 $0x1  }
0x15: {  	[smem:$0x3FB9] =	sst s0;
	s0 =	simm.s32 @!p2 $0x0  }
0x16: {  	s3 =	sld [smem:$0x3FDB];
	s0 =	simm.s32 @p2 $0x1  }
0x17: {  	s4 =	simm.s32 $0x1BF5;
	[smem:$0x3FBB] =	sst s0  }
0x18: {  	s0 =	sld [smem:$0x3F9E];
	_ =	swait.ge [sflag:s4], $0x0  }
0x19: {  	s7 =	sld [smem:$0x3F9F]  }
0x1a: {  	s8 =	sadd.s32 $0xFFFFE003, lr  }
0x1b: {  	s9 =	sadd.s32 $0xFFFFFEF7, lr;
	s5 =	simm.s32 $0xFFFFFFFF;
	p2 =	slt.u32 s8, $0xFFFFF086  }
0x1c: {  	p1 =	slt.u32 s9, $0xF7A;
	s5 =	simm.s32 @!p2 $0x0  }
0x1d: {  	s5 =	simm.s32 @p1 $0x1;
	p0 =	seq.s32 s7, s2  }
0x1e: {  	s7 =	smul.u32 @!p0 $0xF7A, s2;
	p2 =	seq.s32 @!p0 s5, $0x0  }
0x1f: {  	s9 =	smul.u32 $0xF7A, s1;
	s8 =	simm.s32 @!p0 $0x1BF5;
	p2 =	por !p2, p0  }
0x20: {  	[sflag:s8] =	ssyncset.s32 @!p0 $0xFFFFF086;
	s6 =	sadd.s32 @!p0 s3, s7;
	s7 =	simm.s32 @!p0 $0x108  }
0x21: {  	s3 =	sadd.s32 s3, s9;
	s6 =	sadd.s32 @!p0 $0x88, s6;
	s7 =	simm.s32 @p2 $0x1082  }
0x22: {  	[simem:s7], [sflag:s8] =	dma.local @!p0 [hbm:s6], $0xF7A  }
0x23: {  	s9 =	sor.u32 $0xD0000000, s2;
	s6 =	simm.s32 $0x108;
	_ =	swait.ge @!p0 [sflag:s8], $0x0  }
0x24: {  	s3 =	sadd.s32 $0x88, s3;
	s6 =	simm.s32 @!p1 $0x1082;
	[sflag:s4] =	ssyncset.s32 $0xFFFFF086  }
0x25: {  	[simem:s6], [sflag:s4] =	dma.local [hbm:s3], $0xF7A  }
0x26: {  	[smem:$0x3F9F] =	sst s1;
	(tag) =	ssettag s2;
	_ =	strace s9  }
0x27: {  	s1 =	sld [smem:$0x3FAF]  }
0x28: {  	s2 =	sld [smem:$0x3FB0]  }
0x29: {  	s4 =	sld [smem:$0x3FB2]  }
0x2a: {  	p0 =	seq.s32 s5, $0x0;
	s5 =	sld [smem:$0x3FB3]  }
0x2b: {  	s6 =	sld [smem:$0x3FB4]  }
0x2c: {  	s7 =	sld [smem:$0x3FB5]  }
0x2d: {  	s3 =	simm.s32 $0x108;
	s8 =	sld [smem:$0x3FB6]  }
0x2e: {  	s3 =	simm.s32 @!p0 $0x1082;
	s9 =	sld [smem:$0x3FB7]  }
0x2f: {  	lr =	sadd.s32 s0, s3;
	s0 =	sld [smem:$0x3FAE]  }
0x30: {  	s3 =	sld [smem:$0x3FB1]  }
0x31: {  	[smem:$0x3FBA] =	sst s10  }
0x32: {  	s10 =	sld [smem:$0x3FB8];
	_ =	sdelay $0x3  }
0x33: {  	p0 =	seq.s32 s10, $0x1;
	s10 =	sld [smem:$0x3FBA];
	_ =	sdelay $0x3  }
0x34: {  	[smem:$0x3FBA] =	sst s10  }
0x35: {  	s10 =	sld [smem:$0x3FB9];
	_ =	sdelay $0x3  }
0x36: {  	p1 =	seq.s32 s10, $0x1;
	s10 =	sld [smem:$0x3FBA];
	_ =	sdelay $0x3  }
0x37: {  	[smem:$0x3FBA] =	sst s10  }
0x38: {  	s10 =	sld [smem:$0x3FBB]  }
0x39: {  	_ = 	snop;
	(pc) =	sbr.ind lr, $3  }
0x3a: {  	_ = 	snop  }
0x3b: {  	_ = 	snop  }
0x3c: {  	p2 =	seq.s32 s10, $0x1;
	s10 =	sld [smem:$0x3FBA]  }
0x3d: {  	_ =	shalt  }
0x3e: {  	_ =	shalt  }
0x3f: {  	_ =	shalt  }
0x40: {  	_ =	shalt  }
0x41: {  	_ =	shalt  }
0x42: {  	_ =	shalt  }
0x43: {  	_ =	shalt  }
0x44: {  	_ =	shalt  }
0x45: {  	_ =	shalt  }
0x46: {  	_ =	shalt  }
0x47: {  	_ =	shalt  }
0x48: {  	_ =	shalt  }
0x49: {  	_ =	shalt  }
0x4a: {  	_ =	shalt  }
0x4b: {  	_ =	shalt  }
0x4c: {  	_ =	shalt  }
0x4d: {  	_ =	shalt  }
0x4e: {  	_ =	shalt  }
0x4f: {  	_ =	shalt  }
0x50: {  	_ =	shalt  }
0x51: {  	_ =	shalt  }
0x52: {  	_ =	shalt  }
0x53: {  	_ =	shalt  }
0x54: {  	_ =	shalt  }
0x55: {  	_ =	shalt  }
0x56: {  	_ =	shalt  }
0x57: {  	_ =	shalt  }
0x58: {  	_ =	shalt  }
0x59: {  	_ =	shalt  }
0x5a: {  	_ =	shalt  }
0x5b: {  	_ =	shalt  }
0x5c: {  	_ =	shalt  }
0x5d: {  	_ =	shalt  }
0x5e: {  	_ =	shalt  }
0x5f: {  	_ =	shalt  }
0x60: {  	_ =	shalt  }
0x61: {  	_ =	shalt  }
0x62: {  	_ =	shalt  }
0x63: {  	_ =	shalt  }
0x64: {  	_ =	shalt  }
0x65: {  	_ =	shalt  }
0x66: {  	_ =	shalt  }
0x67: {  	_ =	shalt  }
0x68: {  	_ =	shalt  }
0x69: {  	_ =	shalt  }
0x6a: {  	_ =	shalt  }
0x6b: {  	_ =	shalt  }
0x6c: {  	_ =	shalt  }
0x6d: {  	_ =	shalt  }
0x6e: {  	_ =	shalt  }
0x6f: {  	_ =	shalt  }
0x70: {  	_ =	shalt  }
0x71: {  	_ =	shalt  }
0x72: {  	_ =	shalt  }
0x73: {  	_ =	shalt  }
0x74: {  	_ =	shalt  }
0x75: {  	_ =	shalt  }
0x76: {  	_ =	shalt  }
0x77: {  	_ =	shalt  }
0x78: {  	_ =	shalt  }
0x79: {  	_ =	shalt  }
0x7a: {  	_ =	shalt  }
0x7b: {  	_ =	shalt  }
0x7c: {  	_ =	shalt  }
0x7d: {  	_ =	shalt  }
0x7e: {  	_ =	shalt  }
0x7f: {  	_ =	shalt  }
0x80: {  	_ =	shalt  }
0x81: {  	_ =	shalt  }
0x82: {  	_ =	shalt  }
0x83: {  	_ =	shalt  }
0x84: {  	_ =	shalt  }
0x85: {  	_ =	shalt  }
0x86: {  	_ =	shalt  }
0x87: {  	_ =	shalt  }
.Lfunc_end0:
.L_simem_size_0:
called_computation.2_lowered:
.L_overlay_start_0:
0x88: {  	s2 =	sld [smem:$0x3FD9]  }
0x89: {  	s3 =	sld [smem:$0x3FFE];
	_ =	sdelay $0x1  }
0x8a: {  	s1 =	srdreg.scid  }
0x8b: {  	s0 =	sand.u32 $0x1, s1  }
0x8c: {  	s17 =	sshll.u32 s0, $0xA;
	s2 =	sadd.s32 s3, s2  }
0x8d: {  	s2 =	sadd.s32 s2, s17  }
0x8e: {  	[smem:$0x3FC6] =	sst s2  }
0x8f: {  	_ = 	snop  }
0x90: {  	s2 =	sld [smem:$0x3FD0];
	(tm) =	ssettm $0x1  }
0x91: {  	s18 =	sld [smem:$0x3FFB];
	_ =	sdelay $0x3  }
0x92: {  	_ =	strace s18  }
0x93: {  	s3 =	sld [smem:$0x3FFC];
	_ =	sdelay $0x3  }
0x94: {  	_ =	strace s3  }
0x95: {  	s3 =	sld [smem:$0x3FFD];
	_ =	sdelay $0x3  }
0x96: {  	_ =	strace s3  }
0x97: {  	_ =	strace $0x8FFFFFFF  }
0x98: {  	s19 =	sld [smem:$0x3FDB];
	_ =	sdelay $0x1  }
0x99: {  	s4 =	simm.s32 $_scs_section_size  }
0x9a: {  	s5 =	simm.s32 $_size__tile_overlayer_lowered;
	s6 =	simm.s32 $_tile_overlayer_lowered  }
0x9b: {  	s22 =	simm.s32 $0x1BFF;
	s21 =	sshll.u32 s6, $0x1;
	s3 =	sadd.s32 s4, s19  }
0x9c: {  	s7 =	simm.s32 $0x0;
	s20 =	sshll.u32 s5, $0x1;
	s5 =	sadd.s32 s21, s3  }
0x9d: {  	[timem:s7], [sflag:s22] =	dma.local [hbm:s5], s20  }
0x9e: {  	_ =	swait.ge [sflag:s22], s20  }
0x9f: {  	s4 =	ssub.s32 $0x0, s20;
	[sflag:s22] =	ssyncset.done $0x0  }
0xa0: {  	[sflag:s22] =	ssyncadd.s32 s4;
	_ =	sdelay $0x1  }
0xa1: {  	s23 =	simm.s32 $0x1B8B  }
0xa2: {  	_ =	swait.ge [sflag:s23], $0x1  }
0xa3: {  	[sflag:s23] =	ssyncset.done $0x0  }
0xa4: {  	s25 =	simm.s32 $0x1B8E;
	s24 =	sld [smem:$0x3FFE];
	[sflag:s23] =	ssyncadd.s32 $0xFFFFFFFF  }
0xa5: {  	s26 =	simm.s32 $execute0_lowered;
	[smem:$0x3FD2] =	sst s25  }
0xa6: {  	s5 =	sshll.u32 s26, $0x1;
	_ =	strace $0x8000004C;
	[dreg:$0x1] =	wrdreg $0xFFFFFFFF  }
0xa7: {  	s28 =	simm.s32 $_size_execute0_lowered;
	s3 =	sadd.s32 s3, s5;
	[dreg:$0x0] =	wrdreg $0x0  }
0xa8: {  	s5 =	sshll.u32 s28, $0x1;
	[dreg:$0x2] =	wrdreg s3  }
0xa9: {  	[dreg:$0x3] =	wrdreg s5  }
0xaa: {  	[dreg:$0x4] =	wrdreg $0xC0  }
0xab: {  	_ =	task [dreg:s7], $0x5FFFF  }
0xac: {  	[dreg:$0x1] =	wrdreg $0xFFFFFFFF  }
0xad: {  	[dreg:$0x0] =	wrdreg $0x60  }
0xae: {  	[dreg:$0x2] =	wrdreg s24  }
0xaf: {  	[dreg:$0x3] =	wrdreg s2  }
0xb0: {  	[dreg:$0x4] =	wrdreg $0x9  }
0xb1: {  	_ =	task.clear_ibuf [dreg:s7], $0x5FFFF;
	_ =	strace $0x9000004C  }
0xb2: {  	s29 =	simm.s32 $0x9;
	_ =	strace $0x8000004E  }
0xb3: {  	_ =	swait.ge [sflag:s29], $0x1  }
0xb4: {  	[sflag:s29] =	ssyncadd.s32 $0xFFFFFFFF  }
0xb5: {  	_ =	strace $0x9000004E  }
0xb6: {  	_ =	sfence  }
0xb7: {  	s30 =	sld [smem:$0x0];
	_ =	sdelay $0x2  }
0xb8: {  	s31 =	sshll.u32 s1, $0xD;
	s1 =	sshrl.u32 s1, $0x2  }
0xb9: {  	s3 =	sand.u32 $0x4000, s31;
	s1 =	sadd.s32 s1, s30  }
0xba: {  	s0 =	sor.u32 s3, s0;
	s1 =	sshll.u32 s1, $0x11  }
0xbb: {  	s0 =	sor.u32 s1, s0  }
0xbc: {  	s0 =	sadd.s32 $0x8F2B, s0  }
0xbd: {  	[sflag:s0] =	ssyncadd.remote.s32 $0x1  }
0xbe: {  	_ =	sfence.sel $0xFFFF  }
0xbf: {  	[dreg:$0x0] =	wrdreg $0xFFFFFFFF;
	(pc) =	sbr.abs _section_cstart, $3  }
0xc0: {  	[dreg:$0x1] =	wrdreg $0xFFFFFFFF  }
0xc1: {  	_ =	task.clear_ibuf [dreg:s7], $0x2FFFF;
	_ =	strace $0x9FFFFFFF  }
0xc2: {  	(tm) =	ssettm $0x7FFFFFFF  }
0xc3: {  	_ =	shalt  }
tec
execute0_lowered:
.L_overlay_start_1:
0x0: {  	(tag) =	ssettag $0x1  }
0x1: {  	s5 =	rddreg [dreg:$0x0]  }
0x2: {  	s0 =	srdreg.scid;
	s1 =	rddreg [dreg:$0x1];
	s3 =	simm.s32 $0x0  }
.Ltmp0:
0x3: {  	s4 =	stileid.u32;
	s2 =	sand.u32 $0x1, s0;
	(pc) =	sbr.rel .LBB2_1-.Ltmp0, $4  }
0x4: {  	s8 =	simm.s32 $0x2;
	s9 =	simm.s32 $0x1;
	s6 =	ssub.s32 $0x2, s2  }
0x5: {  	s10 =	simm.s32 $0x0;
	s0 =	rddreg [dreg:$0x2];
	s7 =	sshrl.u32 s6, $0x1  }
0x6: {  	[smem:$0x7FF] =	sst s3;
	s5 =	sadd.s32 $0xC00, s5;
	s7 =	ssub.s32 s6, s7  }
0x7: {  	_ =	strace $0x8000004D;
	s6 =	sshll.u32 s4, $0x1;
	s7 =	smax.u32 s7, $0x1  }
.LBB2_21:
0x8: {  	s10 =	sadd.s32 $0x1, s10  }
0x9: {  	p0 =	sne.s32 s10, s7  }
.Ltmp1:
0xa: {  	_ = 	snop;
	(pc) =	sbr.rel @!p0 .LBB2_22-.Ltmp1, $1  }
0xb: {  	_ =	sdelay $0x3  }
.LBB2_1:
.Ltmp2:
0xc: {  	(pc) =	sbr.rel .LBB2_2-.Ltmp2, $2  }
0xd: {  	_ =	sdelay $0x2  }
0xe: {  	s11 =	simm.s32 $0x0  }
.LBB2_20:
0xf: {  	s11 =	sadd.s32 $0x1, s11  }
0x10: {  	p0 =	sne.s32 s11, $0x14  }
.Ltmp3:
0x11: {  	_ = 	snop;
	(pc) =	sbr.rel @!p0 .LBB2_21-.Ltmp3, $1  }
0x12: {  	_ =	sdelay $0x3  }
.LBB2_2:
0x13: {  	s12 =	sshll.u32 s11, $0x5  }
0x14: {  	s12 =	sor.u32 s12, s6  }
0x15: {  	s12 =	sor.u32 s2, s12  }
0x16: {  	p0 =	sgt.u32 s12, $0x270  }
.Ltmp4:
0x17: {  	_ = 	snop;
	(pc) =	sbr.rel @p0 .LBB2_20-.Ltmp4, $1  }
0x18: {  	_ =	sdelay $0x3  }
0x19: {  	s12 =	smul.u32 $0x1900, s12;
	_ =	sdelay $0x1  }
0x1a: {  	s13 =	sshrl.u32 s12, $0x3  }
0x1b: {  	s14 =	simm.s32 $0x0;
	s13 =	sadd.s32 s5, s13  }
0x1c: {  	s15 =	simm.s32 $0x10;
	s16 =	simm.s32 $0x400;
	s17 =	sadd.s32 $0x0, s13  }
.LBB2_4:
0x1d: {  	[tilespmem:s14], [sflag:$0x2] =	stream.linear.gather [hbm4b:s17+s3], $0x80, $0x38;
	[tilespmem:$0xC800] =	vst v63  }
0x1e: {  	s17 =	smov.u32 s15;
	s14 =	smov.u32 s16;
	p0 =	sne.s32 s15, $0x310  }
.Ltmp5:
0x1f: {  	s15 =	sadd.s32 $0x10, s15;
	(pc) =	sbr.rel @p0 .LBB2_4-.Ltmp5, $2  }
0x20: {  	_ =	sdelay $0x2  }
0x21: {  	s16 =	sadd.s32 $0x400, s16;
	s17 =	sadd.s32 s17, s13  }
0x22: {  	[tilespmem:s14], [sflag:$0x2] =	stream.linear.gather [hbm4b:s17+s3], $0x80, $0x38;
	[tilespmem:$0xC800] =	vst v63  }
0x23: {  	s14 =	sadd.s32 $0x7A120, s13;
	_ =	swait.ge [sflag:s8], $0x1900  }
0x24: {  	s15 =	simm.s32 $0x80;
	s16 =	simm.s32 $0x10;
	[sflag:s8] =	ssyncset.done $0x0  }
0x25: {  	s17 =	simm.s32 $0x480;
	s18 =	sadd.s32 $0x0, s14;
	[sflag:s8] =	ssyncadd.s32 $0xFFFFE700  }
.LBB2_6:
0x26: {  	[tilespmem:s15], [sflag:$0x2] =	stream.linear.gather [hbm4b:s18+s3], $0x80, $0x38;
	[tilespmem:$0xC800] =	vst v63  }
0x27: {  	s18 =	smov.u32 s16;
	s15 =	smov.u32 s17;
	p0 =	sne.s32 s16, $0x310  }
.Ltmp6:
0x28: {  	s16 =	sadd.s32 $0x10, s16;
	(pc) =	sbr.rel @p0 .LBB2_6-.Ltmp6, $2  }
0x29: {  	_ =	sdelay $0x2  }
0x2a: {  	s17 =	sadd.s32 $0x400, s17;
	s18 =	sadd.s32 s18, s14  }
0x2b: {  	[tilespmem:s15], [sflag:$0x2] =	stream.linear.gather [hbm4b:s18+s3], $0x80, $0x38;
	[tilespmem:$0xC800] =	vst v63  }
0x2c: {  	s14 =	sadd.s32 $0xF4240, s13;
	_ =	swait.ge [sflag:s8], $0x1900  }
0x2d: {  	s15 =	simm.s32 $0x100;
	s16 =	simm.s32 $0x10;
	[sflag:s8] =	ssyncset.done $0x0  }
0x2e: {  	s17 =	simm.s32 $0x500;
	s18 =	sadd.s32 $0x0, s14;
	[sflag:s8] =	ssyncadd.s32 $0xFFFFE700  }
.LBB2_8:
0x2f: {  	[tilespmem:s15], [sflag:$0x2] =	stream.linear.gather [hbm4b:s18+s3], $0x80, $0x38;
	[tilespmem:$0xC800] =	vst v63  }
0x30: {  	s18 =	smov.u32 s16;
	s15 =	smov.u32 s17;
	p0 =	sne.s32 s16, $0x310  }
.Ltmp7:
0x31: {  	s16 =	sadd.s32 $0x10, s16;
	(pc) =	sbr.rel @p0 .LBB2_8-.Ltmp7, $2  }
0x32: {  	_ =	sdelay $0x2  }
0x33: {  	s17 =	sadd.s32 $0x400, s17;
	s18 =	sadd.s32 s18, s14  }
0x34: {  	[tilespmem:s15], [sflag:$0x2] =	stream.linear.gather [hbm4b:s18+s3], $0x80, $0x38;
	[tilespmem:$0xC800] =	vst v63  }
0x35: {  	s14 =	sadd.s32 $0x16E360, s13;
	_ =	swait.ge [sflag:s8], $0x1900  }
0x36: {  	s15 =	simm.s32 $0x180;
	s16 =	simm.s32 $0x10;
	[sflag:s8] =	ssyncset.done $0x0  }
0x37: {  	s17 =	simm.s32 $0x580;
	s18 =	sadd.s32 $0x0, s14;
	[sflag:s8] =	ssyncadd.s32 $0xFFFFE700  }
.LBB2_10:
0x38: {  	[tilespmem:s15], [sflag:$0x2] =	stream.linear.gather [hbm4b:s18+s3], $0x80, $0x38;
	[tilespmem:$0xC800] =	vst v63  }
0x39: {  	s18 =	smov.u32 s16;
	s15 =	smov.u32 s17;
	p0 =	sne.s32 s16, $0x310  }
.Ltmp8:
0x3a: {  	s16 =	sadd.s32 $0x10, s16;
	(pc) =	sbr.rel @p0 .LBB2_10-.Ltmp8, $2  }
0x3b: {  	_ =	sdelay $0x2  }
0x3c: {  	s17 =	sadd.s32 $0x400, s17;
	s18 =	sadd.s32 s18, s14  }
0x3d: {  	[tilespmem:s15], [sflag:$0x2] =	stream.linear.gather [hbm4b:s18+s3], $0x80, $0x38;
	[tilespmem:$0xC800] =	vst v63  }
0x3e: {  	s14 =	sadd.s32 $0x1E8480, s13;
	_ =	swait.ge [sflag:s8], $0x1900  }
0x3f: {  	s15 =	simm.s32 $0x200;
	s16 =	simm.s32 $0x10;
	[sflag:s8] =	ssyncset.done $0x0  }
0x40: {  	s17 =	simm.s32 $0x600;
	s18 =	sadd.s32 $0x0, s14;
	[sflag:s8] =	ssyncadd.s32 $0xFFFFE700  }
.LBB2_12:
0x41: {  	[tilespmem:s15], [sflag:$0x2] =	stream.linear.gather [hbm4b:s18+s3], $0x80, $0x38;
	[tilespmem:$0xC800] =	vst v63  }
0x42: {  	s18 =	smov.u32 s16;
	s15 =	smov.u32 s17;
	p0 =	sne.s32 s16, $0x310  }
.Ltmp9:
0x43: {  	s16 =	sadd.s32 $0x10, s16;
	(pc) =	sbr.rel @p0 .LBB2_12-.Ltmp9, $2  }
0x44: {  	_ =	sdelay $0x2  }
0x45: {  	s17 =	sadd.s32 $0x400, s17;
	s18 =	sadd.s32 s18, s14  }
0x46: {  	[tilespmem:s15], [sflag:$0x2] =	stream.linear.gather [hbm4b:s18+s3], $0x80, $0x38;
	[tilespmem:$0xC800] =	vst v63  }
0x47: {  	s14 =	sadd.s32 $0x2625A0, s13;
	_ =	swait.ge [sflag:s8], $0x1900  }
0x48: {  	s15 =	simm.s32 $0x280;
	s16 =	simm.s32 $0x10;
	[sflag:s8] =	ssyncset.done $0x0  }
0x49: {  	s17 =	simm.s32 $0x680;
	s18 =	sadd.s32 $0x0, s14;
	[sflag:s8] =	ssyncadd.s32 $0xFFFFE700  }
.LBB2_14:
0x4a: {  	[tilespmem:s15], [sflag:$0x2] =	stream.linear.gather [hbm4b:s18+s3], $0x80, $0x38;
	[tilespmem:$0xC800] =	vst v63  }
0x4b: {  	s18 =	smov.u32 s16;
	s15 =	smov.u32 s17;
	p0 =	sne.s32 s16, $0x310  }
.Ltmp10:
0x4c: {  	s16 =	sadd.s32 $0x10, s16;
	(pc) =	sbr.rel @p0 .LBB2_14-.Ltmp10, $2  }
0x4d: {  	_ =	sdelay $0x2  }
0x4e: {  	s17 =	sadd.s32 $0x400, s17;
	s18 =	sadd.s32 s18, s14  }
0x4f: {  	[tilespmem:s15], [sflag:$0x2] =	stream.linear.gather [hbm4b:s18+s3], $0x80, $0x38;
	[tilespmem:$0xC800] =	vst v63  }
0x50: {  	s14 =	sadd.s32 $0x2DC6C0, s13;
	_ =	swait.ge [sflag:s8], $0x1900  }
0x51: {  	s15 =	simm.s32 $0x300;
	s16 =	simm.s32 $0x10;
	[sflag:s8] =	ssyncset.done $0x0  }
0x52: {  	s17 =	simm.s32 $0x700;
	s18 =	sadd.s32 $0x0, s14;
	[sflag:s8] =	ssyncadd.s32 $0xFFFFE700  }
.LBB2_16:
0x53: {  	[tilespmem:s15], [sflag:$0x2] =	stream.linear.gather [hbm4b:s18+s3], $0x80, $0x38;
	[tilespmem:$0xC800] =	vst v63  }
0x54: {  	s18 =	smov.u32 s16;
	s15 =	smov.u32 s17;
	p0 =	sne.s32 s16, $0x310  }
.Ltmp11:
0x55: {  	s16 =	sadd.s32 $0x10, s16;
	(pc) =	sbr.rel @p0 .LBB2_16-.Ltmp11, $2  }
0x56: {  	_ =	sdelay $0x2  }
0x57: {  	s17 =	sadd.s32 $0x400, s17;
	s18 =	sadd.s32 s18, s14  }
0x58: {  	[tilespmem:s15], [sflag:$0x2] =	stream.linear.gather [hbm4b:s18+s3], $0x80, $0x38;
	[tilespmem:$0xC800] =	vst v63  }
0x59: {  	s13 =	sadd.s32 $0x3567E0, s13;
	_ =	swait.ge [sflag:s8], $0x1900  }
0x5a: {  	s14 =	simm.s32 $0x380;
	s15 =	simm.s32 $0x10;
	[sflag:s8] =	ssyncset.done $0x0  }
0x5b: {  	s16 =	simm.s32 $0x780;
	s17 =	sadd.s32 $0x0, s13;
	[sflag:s8] =	ssyncadd.s32 $0xFFFFE700  }
.LBB2_18:
0x5c: {  	[tilespmem:s14], [sflag:$0x2] =	stream.linear.gather [hbm4b:s17+s3], $0x80, $0x38;
	[tilespmem:$0xC800] =	vst v63  }
0x5d: {  	s17 =	smov.u32 s15;
	s14 =	smov.u32 s16;
	p0 =	sne.s32 s15, $0x310  }
.Ltmp12:
0x5e: {  	s15 =	sadd.s32 $0x10, s15;
	(pc) =	sbr.rel @p0 .LBB2_18-.Ltmp12, $2  }
0x5f: {  	_ =	sdelay $0x2  }
0x60: {  	s16 =	sadd.s32 $0x400, s16;
	s17 =	sadd.s32 s17, s13  }
0x61: {  	[tilespmem:s14], [sflag:$0x2] =	stream.linear.gather [hbm4b:s17+s3], $0x80, $0x38;
	[tilespmem:$0xC800] =	vst v63  }
0x62: {  	_ =	swait.ge [sflag:s8], $0x1900  }
0x63: {  	[sflag:s8] =	ssyncset.done $0x0  }
.Ltmp13:
0x64: {  	s12 =	sadd.s32 s1, s12;
	[sflag:s8] =	ssyncadd.s32 $0xFFFFE700;
	(pc) =	sbr.rel .LBB2_20-.Ltmp13, $4  }
0x65: {  	[hbm4b:s12+s3] =	stream.linear.scatter [tilespmem:s3], [sflag:$0x1], $0xC800, $0x38;
	[tilespmem:$0xC800] =	vst v63  }
0x66: {  	_ =	swait.ge [sflag:s9], $0xC800  }
0x67: {  	[sflag:s9] =	ssyncset.done $0x0  }
0x68: {  	[sflag:s9] =	ssyncadd.s32 $0xFFFF3800  }
.LBB2_22:
0x69: {  	_ =	sfence.sel $0x180000  }
0x6a: {  	[bflag:$0x0] =	sbarrier.arrive $0xFFFF  }
0x6b: {  	p0 =	sne.s32 s4, $0x0;
	_ =	strace $0x9000004D  }
0x6c: {  	s0 =	sadd.s32 @!p0 $0x100000, s0;
	[bflag:$0x2] =	sbarrier.arrive $0xFFFF  }
0x6d: {  	[sflag:s0] =	ssyncadd.tile.s32 @!p0 $0x1;
	_ =	shalt  }
.Lfunc_end2:
_tile_overlayer_lowered:
.L_overlay_start_2:
0x6e: {  	(tag) =	ssettag $0x2  }
0x6f: {  	s0 =	rddreg [dreg:$0x0];
	s2 =	stileid.u32  }
0x70: {  	s1 =	rddreg [dreg:$0x1];
	p0 =	sne.s32 s2, $0x0  }
0x71: {  	s3 =	rddreg [dreg:$0x2];
	[bflag:$0x3] =	sbarrier.arrive $0xFFFF;
	s2 =	simm.s32 @!p0 $0x1C01  }
0x72: {  	[timem:s3], [sflag:s2] =	dma.local @!p0 [hbm:s0], s1  }
0x73: {  	s0 =	simm.s32 @!p0 $0x1  }
0x74: {  	_ =	swait.ge @!p0 [sflag:s0], s1  }
0x75: {  	s1 =	ssub.s32 @!p0 $0x0, s1;
	[sflag:s0] =	ssyncset.done @!p0 $0x0  }
0x76: {  	[sflag:s0] =	ssyncadd.s32 @!p0 s1  }
0x77: {  	[bflag:$0x3] =	sbarrier.arrive $0xFFFF  }
0x78: {  	_ =	shalt  }

// kernel: kernel.5.cloned.1.call-start
scs
__scs_entry_jumppad:
0x0: {  	(pc) =	sbr.rel $0x88, $3  }
0x1: {  	(tag) =	ssettag $0x0;
	lr =	simm.s32 $0x1  }
0x2: {  	[smem:$0x3F9F] =	sst lr;
	_ =	strace $0xD0000000  }
0x3: {  	_ = 	snop  }
0x4: {  	_ = 	snop  }
0x5: {  	_ = 	snop  }
0x6: {  	_ = 	snop  }
0x7: {  	_ = 	snop  }
__scs_overlays_trampoline_lowered:
0x8: {  	[smem:$0x3FAE] =	sst s0  }
0x9: {  	[smem:$0x3FAF] =	sst s1  }
0xa: {  	[smem:$0x3FB0] =	sst s2  }
0xb: {  	[smem:$0x3FB1] =	sst s3  }
0xc: {  	[smem:$0x3FB2] =	sst s4  }
0xd: {  	[smem:$0x3FB3] =	sst s5  }
0xe: {  	[smem:$0x3FB4] =	sst s6  }
0xf: {  	[smem:$0x3FB5] =	sst s7  }
0x10: {  	[smem:$0x3FB6] =	sst s8  }
0x11: {  	[smem:$0x3FB7] =	sst s9;
	s0 =	simm.s32 @!p0 $0x0  }
0x12: {  	s1 =	sld [smem:$0x3F9D];
	s0 =	simm.s32 @p0 $0x1  }
0x13: {  	[smem:$0x3FB8] =	sst s0;
	s0 =	simm.s32 @!p1 $0x0  }
0x14: {  	s2 =	sld [smem:$0x3F9C];
	s0 =	simm.s32 @p1 $0x1  }
0x15: {  	[smem:$0x3FB9] =	sst s0;
	s0 =	simm.s32 @!p2 $0x0  }
0x16: {  	s3 =	sld [smem:$0x3FDB];
	s0 =	simm.s32 @p2 $0x1  }
0x17: {  	s4 =	simm.s32 $0x1BF5;
	[smem:$0x3FBB] =	sst s0  }
0x18: {  	s0 =	sld [smem:$0x3F9E];
	_ =	swait.ge [sflag:s4], $0x0  }
0x19: {  	s7 =	sld [smem:$0x3F9F]  }
0x1a: {  	s8 =	sadd.s32 $0xFFFFE003, lr  }
0x1b: {  	s9 =	sadd.s32 $0xFFFFFEF7, lr;
	s5 =	simm.s32 $0xFFFFFFFF;
	p2 =	slt.u32 s8, $0xFFFFF086  }
0x1c: {  	p1 =	slt.u32 s9, $0xF7A;
	s5 =	simm.s32 @!p2 $0x0  }
0x1d: {  	s5 =	simm.s32 @p1 $0x1;
	p0 =	seq.s32 s7, s2  }
0x1e: {  	s7 =	smul.u32 @!p0 $0xF7A, s2;
	p2 =	seq.s32 @!p0 s5, $0x0  }
0x1f: {  	s9 =	smul.u32 $0xF7A, s1;
	s8 =	simm.s32 @!p0 $0x1BF5;
	p2 =	por !p2, p0  }
0x20: {  	[sflag:s8] =	ssyncset.s32 @!p0 $0xFFFFF086;
	s6 =	sadd.s32 @!p0 s3, s7;
	s7 =	simm.s32 @!p0 $0x108  }
0x21: {  	s3 =	sadd.s32 s3, s9;
	s6 =	sadd.s32 @!p0 $0x88, s6;
	s7 =	simm.s32 @p2 $0x1082  }
0x22: {  	[simem:s7], [sflag:s8] =	dma.local @!p0 [hbm:s6], $0xF7A  }
0x23: {  	s9 =	sor.u32 $0xD0000000, s2;
	s6 =	simm.s32 $0x108;
	_ =	swait.ge @!p0 [sflag:s8], $0x0  }
0x24: {  	s3 =	sadd.s32 $0x88, s3;
	s6 =	simm.s32 @!p1 $0x1082;
	[sflag:s4] =	ssyncset.s32 $0xFFFFF086  }
0x25: {  	[simem:s6], [sflag:s4] =	dma.local [hbm:s3], $0xF7A  }
0x26: {  	[smem:$0x3F9F] =	sst s1;
	(tag) =	ssettag s2;
	_ =	strace s9  }
0x27: {  	s1 =	sld [smem:$0x3FAF]  }
0x28: {  	s2 =	sld [smem:$0x3FB0]  }
0x29: {  	s4 =	sld [smem:$0x3FB2]  }
0x2a: {  	p0 =	seq.s32 s5, $0x0;
	s5 =	sld [smem:$0x3FB3]  }
0x2b: {  	s6 =	sld [smem:$0x3FB4]  }
0x2c: {  	s7 =	sld [smem:$0x3FB5]  }
0x2d: {  	s3 =	simm.s32 $0x108;
	s8 =	sld [smem:$0x3FB6]  }
0x2e: {  	s3 =	simm.s32 @!p0 $0x1082;
	s9 =	sld [smem:$0x3FB7]  }
0x2f: {  	lr =	sadd.s32 s0, s3;
	s0 =	sld [smem:$0x3FAE]  }
0x30: {  	s3 =	sld [smem:$0x3FB1]  }
0x31: {  	[smem:$0x3FBA] =	sst s10  }
0x32: {  	s10 =	sld [smem:$0x3FB8];
	_ =	sdelay $0x3  }
0x33: {  	p0 =	seq.s32 s10, $0x1;
	s10 =	sld [smem:$0x3FBA];
	_ =	sdelay $0x3  }
0x34: {  	[smem:$0x3FBA] =	sst s10  }
0x35: {  	s10 =	sld [smem:$0x3FB9];
	_ =	sdelay $0x3  }
0x36: {  	p1 =	seq.s32 s10, $0x1;
	s10 =	sld [smem:$0x3FBA];
	_ =	sdelay $0x3  }
0x37: {  	[smem:$0x3FBA] =	sst s10  }
0x38: {  	s10 =	sld [smem:$0x3FBB]  }
0x39: {  	_ = 	snop;
	(pc) =	sbr.ind lr, $3  }
0x3a: {  	_ = 	snop  }
0x3b: {  	_ = 	snop  }
0x3c: {  	p2 =	seq.s32 s10, $0x1;
	s10 =	sld [smem:$0x3FBA]  }
0x3d: {  	_ =	shalt  }
0x3e: {  	_ =	shalt  }
0x3f: {  	_ =	shalt  }
0x40: {  	_ =	shalt  }
0x41: {  	_ =	shalt  }
0x42: {  	_ =	shalt  }
0x43: {  	_ =	shalt  }
0x44: {  	_ =	shalt  }
0x45: {  	_ =	shalt  }
0x46: {  	_ =	shalt  }
0x47: {  	_ =	shalt  }
0x48: {  	_ =	shalt  }
0x49: {  	_ =	shalt  }
0x4a: {  	_ =	shalt  }
0x4b: {  	_ =	shalt  }
0x4c: {  	_ =	shalt  }
0x4d: {  	_ =	shalt  }
0x4e: {  	_ =	shalt  }
0x4f: {  	_ =	shalt  }
0x50: {  	_ =	shalt  }
0x51: {  	_ =	shalt  }
0x52: {  	_ =	shalt  }
0x53: {  	_ =	shalt  }
0x54: {  	_ =	shalt  }
0x55: {  	_ =	shalt  }
0x56: {  	_ =	shalt  }
0x57: {  	_ =	shalt  }
0x58: {  	_ =	shalt  }
0x59: {  	_ =	shalt  }
0x5a: {  	_ =	shalt  }
0x5b: {  	_ =	shalt  }
0x5c: {  	_ =	shalt  }
0x5d: {  	_ =	shalt  }
0x5e: {  	_ =	shalt  }
0x5f: {  	_ =	shalt  }
0x60: {  	_ =	shalt  }
0x61: {  	_ =	shalt  }
0x62: {  	_ =	shalt  }
0x63: {  	_ =	shalt  }
0x64: {  	_ =	shalt  }
0x65: {  	_ =	shalt  }
0x66: {  	_ =	shalt  }
0x67: {  	_ =	shalt  }
0x68: {  	_ =	shalt  }
0x69: {  	_ =	shalt  }
0x6a: {  	_ =	shalt  }
0x6b: {  	_ =	shalt  }
0x6c: {  	_ =	shalt  }
0x6d: {  	_ =	shalt  }
0x6e: {  	_ =	shalt  }
0x6f: {  	_ =	shalt  }
0x70: {  	_ =	shalt  }
0x71: {  	_ =	shalt  }
0x72: {  	_ =	shalt  }
0x73: {  	_ =	shalt  }
0x74: {  	_ =	shalt  }
0x75: {  	_ =	shalt  }
0x76: {  	_ =	shalt  }
0x77: {  	_ =	shalt  }
0x78: {  	_ =	shalt  }
0x79: {  	_ =	shalt  }
0x7a: {  	_ =	shalt  }
0x7b: {  	_ =	shalt  }
0x7c: {  	_ =	shalt  }
0x7d: {  	_ =	shalt  }
0x7e: {  	_ =	shalt  }
0x7f: {  	_ =	shalt  }
0x80: {  	_ =	shalt  }
0x81: {  	_ =	shalt  }
0x82: {  	_ =	shalt  }
0x83: {  	_ =	shalt  }
0x84: {  	_ =	shalt  }
0x85: {  	_ =	shalt  }
0x86: {  	_ =	shalt  }
0x87: {  	_ =	shalt  }
.Lfunc_end0:
.L_simem_size_0:
called_computation_lowered:
.L_overlay_start_0:
0x88: {  	s2 =	sld [smem:$0x3FD9]  }
0x89: {  	s3 =	sld [smem:$0x3FFE];
	_ =	sdelay $0x1  }
0x8a: {  	s1 =	srdreg.scid  }
0x8b: {  	s0 =	sand.u32 $0x1, s1  }
0x8c: {  	s18 =	sshll.u32 s0, $0xA;
	s2 =	sadd.s32 s3, s2  }
0x8d: {  	s2 =	sadd.s32 s2, s18  }
0x8e: {  	[smem:$0x3FC6] =	sst s2  }
0x8f: {  	_ = 	snop  }
0x90: {  	s2 =	sld [smem:$0x3FC9]  }
0x91: {  	s19 =	sld [smem:$0x3FD0];
	(tm) =	ssettm $0x1  }
0x92: {  	s4 =	sld [smem:$0x3FFB];
	_ =	sdelay $0x3  }
0x93: {  	_ =	strace s4  }
0x94: {  	s4 =	sld [smem:$0x3FFC];
	_ =	sdelay $0x3  }
0x95: {  	_ =	strace s4  }
0x96: {  	s4 =	sld [smem:$0x3FFD];
	_ =	sdelay $0x3  }
0x97: {  	_ =	strace s4  }
0x98: {  	_ =	strace $0x8FFFFFFF  }
0x99: {  	s20 =	sld [smem:$0x3FDB];
	_ =	sdelay $0x1  }
0x9a: {  	s5 =	simm.s32 $_scs_section_size  }
0x9b: {  	s6 =	simm.s32 $_size__tile_overlayer_lowered;
	s7 =	simm.s32 $_tile_overlayer_lowered  }
0x9c: {  	s23 =	simm.s32 $0x1BFF;
	s22 =	sshll.u32 s7, $0x1;
	s4 =	sadd.s32 s5, s20  }
0x9d: {  	s8 =	simm.s32 $0x0;
	s21 =	sshll.u32 s6, $0x1;
	s6 =	sadd.s32 s22, s4  }
0x9e: {  	[timem:s8], [sflag:s23] =	dma.local [hbm:s6], s21  }
0x9f: {  	_ =	swait.ge [sflag:s23], s21  }
0xa0: {  	s5 =	ssub.s32 $0x0, s21;
	[sflag:s23] =	ssyncset.done $0x0  }
0xa1: {  	[sflag:s23] =	ssyncadd.s32 s5;
	_ =	sdelay $0x1  }
0xa2: {  	s24 =	simm.s32 $0x1B8B  }
0xa3: {  	_ =	swait.ge [sflag:s24], $0x1  }
0xa4: {  	[sflag:s24] =	ssyncset.done $0x0  }
0xa5: {  	s25 =	simm.s32 $0x1B8E;
	[sflag:s24] =	ssyncadd.s32 $0xFFFFFFFF  }
0xa6: {  	s26 =	simm.s32 $execute0_lowered;
	[smem:$0x3FD2] =	sst s25  }
0xa7: {  	s5 =	sshll.u32 s26, $0x1;
	_ =	strace $0x80000046;
	[dreg:$0x1] =	wrdreg $0xFFFFFFFF  }
0xa8: {  	s28 =	simm.s32 $_size_execute0_lowered;
	s4 =	sadd.s32 s4, s5;
	[dreg:$0x0] =	wrdreg $0x0  }
0xa9: {  	s5 =	sshll.u32 s28, $0x1;
	[dreg:$0x2] =	wrdreg s4  }
0xaa: {  	[dreg:$0x3] =	wrdreg s5  }
0xab: {  	[dreg:$0x4] =	wrdreg $0xC0  }
0xac: {  	_ =	task [dreg:s8], $0x5FFFF  }
0xad: {  	[dreg:$0x1] =	wrdreg $0xFFFFFFFF  }
0xae: {  	[dreg:$0x0] =	wrdreg $0x60  }
0xaf: {  	[dreg:$0x2] =	wrdreg s2  }
0xb0: {  	[dreg:$0x3] =	wrdreg s19  }
0xb1: {  	[dreg:$0x4] =	wrdreg $0x9  }
0xb2: {  	_ =	task.clear_ibuf [dreg:s8], $0x5FFFF;
	_ =	strace $0x90000046  }
0xb3: {  	s29 =	simm.s32 $0x9;
	_ =	strace $0x80000048  }
0xb4: {  	_ =	swait.ge [sflag:s29], $0x1  }
0xb5: {  	[sflag:s29] =	ssyncadd.s32 $0xFFFFFFFF  }
0xb6: {  	_ =	strace $0x90000048  }
0xb7: {  	_ =	sfence  }
0xb8: {  	s30 =	sld [smem:$0x0];
	_ =	sdelay $0x2  }
0xb9: {  	s31 =	sshll.u32 s1, $0xD;
	s1 =	sshrl.u32 s1, $0x2  }
0xba: {  	s3 =	sand.u32 $0x4000, s31;
	s1 =	sadd.s32 s1, s30  }
0xbb: {  	s0 =	sor.u32 s3, s0;
	s1 =	sshll.u32 s1, $0x11  }
0xbc: {  	s0 =	sor.u32 s1, s0  }
0xbd: {  	s0 =	sadd.s32 $0x8F2B, s0  }
0xbe: {  	[sflag:s0] =	ssyncadd.remote.s32 $0x1  }
0xbf: {  	_ =	sfence.sel $0xFFFF  }
0xc0: {  	[dreg:$0x0] =	wrdreg $0xFFFFFFFF;
	(pc) =	sbr.abs _section_cstart, $3  }
0xc1: {  	[dreg:$0x1] =	wrdreg $0xFFFFFFFF  }
0xc2: {  	_ =	task.clear_ibuf [dreg:s8], $0x2FFFF;
	_ =	strace $0x9FFFFFFF  }
0xc3: {  	(tm) =	ssettm $0x7FFFFFFF  }
tec
execute0_lowered:
.L_overlay_start_1:
0x0: {  	(tag) =	ssettag $0x1  }
0x1: {  	s1 =	rddreg [dreg:$0x0];
	s0 =	srdreg.scid  }
0x2: {  	s2 =	rddreg [dreg:$0x1];
	s5 =	simm.s32 $0x0;
	s4 =	stileid.u32  }
0x3: {  	v0 =	vlaneseq.u32;
	s10 =	simm.s32 $0x2;
	s11 =	simm.s32 $0x6400;
	s12 =	simm.s32 $0xC800  }
.Ltmp0:
0x4: {  	s13 =	simm.s32 $0xE400;
	s3 =	sand.u32 $0x1, s0;
	v0 =	vmul.u32 $0x8, v0;
	(pc) =	sbr.rel .LBB2_1-.Ltmp0, $4  }
0x5: {  	s14 =	simm.s32 $0x1;
	s0 =	rddreg [dreg:$0x2];
	s6 =	ssub.s32 $0x2, s3  }
0x6: {  	s15 =	simm.s32 $0x0;
	[smem:$0x7FF] =	sst s5;
	s7 =	sshrl.u32 s6, $0x1;
	v1 =	vor.u32 $0x1, v0  }
0x7: {  	s8 =	sadd.s32 $0x79E00, s2;
	_ =	strace $0x80000047;
	v2 =	vor.u32 $0x2, v0;
	v3 =	vor.u32 $0x3, v0;
	v4 =	vor.u32 $0x4, v0;
	s9 =	ssub.s32 s6, s7  }
0x8: {  	v5 =	vor.u32 $0x5, v0;
	v6 =	vor.u32 $0x6, v0;
	v7 =	vor.u32 $0x7, v0;
	s6 =	sshll.u32 s4, $0x1;
	s7 =	sadd.s32 $0x79E00, s1;
	s9 =	smax.u32 s9, $0x1  }
.LBB2_11:
0x9: {  	s15 =	sadd.s32 $0x1, s15  }
0xa: {  	p0 =	sne.s32 s15, s9  }
.Ltmp1:
0xb: {  	_ = 	snop;
	(pc) =	sbr.rel @!p0 .LBB2_12-.Ltmp1, $1  }
0xc: {  	_ =	sdelay $0x3  }
.LBB2_1:
.Ltmp2:
0xd: {  	(pc) =	sbr.rel .LBB2_2-.Ltmp2, $2  }
0xe: {  	_ =	sdelay $0x2  }
0xf: {  	s16 =	simm.s32 $0x0  }
.LBB2_10:
0x10: {  	s16 =	sadd.s32 $0x1, s16  }
0x11: {  	p0 =	sne.s32 s16, $0x5  }
.Ltmp3:
0x12: {  	_ = 	snop;
	(pc) =	sbr.rel @!p0 .LBB2_11-.Ltmp3, $1  }
0x13: {  	_ =	sdelay $0x3  }
.LBB2_2:
0x14: {  	s17 =	sshll.u32 s16, $0x5  }
0x15: {  	s17 =	sor.u32 s6, s17  }
0x16: {  	p0 =	sgt.u32 s17, $0x9B  }
.Ltmp4:
0x17: {  	_ = 	snop;
	(pc) =	sbr.rel @p0 .LBB2_6-.Ltmp4, $2  }
0x18: {  	_ =	sdelay $0x2  }
0x19: {  	s17 =	sor.u32 s3, s17  }
0x1a: {  	s18 =	smul.u32 $0xC80, s17;
	_ =	sdelay $0x1  }
0x1b: {  	s19 =	simm.s32 $0x0;
	s20 =	sadd.s32 s1, s18  }
0x1c: {  	[tilespmem:s19], [sflag:$0x2] =	stream.linear.gather [hbm4b:s20+s19], $0x6400, $0x38;
	[tilespmem:$0xFD00] =	vst v63  }
0x1d: {  	_ =	swait.ge [sflag:s10], $0x6400  }
0x1e: {  	s29 =	sand.u32 $0x70, s19;
	s21 =	sand.u32 $0x7C00, s19;
	[sflag:s10] =	ssyncset.done $0x0  }
0x1f: {  	s20 =	sor.u32 s29, s21;
	[sflag:s10] =	ssyncadd.s32 $0xFFFF9C00  }
0x20: {  	v9 =	vor.u32 s19, v0;
	v8 =	vld [tilespmem:s20+$0x0];
	_ =	sdelay $0x4  }
0x21: {  	[tilespmem:v9+s11+$0x0] =	vst.idx.msk $0xffff, v8  }
0x22: {  	v9 =	vor.u32 s19, v1;
	v8 =	vld [tilespmem:s20+$0x80];
	_ =	sdelay $0x4  }
0x23: {  	[tilespmem:v9+s11+$0x0] =	vst.idx.msk $0xffff, v8  }
0x24: {  	v9 =	vor.u32 s19, v2;
	v8 =	vld [tilespmem:s20+$0x100];
	_ =	sdelay $0x4  }
0x25: {  	[tilespmem:v9+s11+$0x0] =	vst.idx.msk $0xffff, v8  }
0x26: {  	v9 =	vor.u32 s19, v3;
	v8 =	vld [tilespmem:s20+$0x180];
	_ =	sdelay $0x4  }
0x27: {  	[tilespmem:v9+s11+$0x0] =	vst.idx.msk $0xffff, v8  }
0x28: {  	v9 =	vor.u32 s19, v4;
	v8 =	vld [tilespmem:s20+$0x200];
	_ =	sdelay $0x4  }
0x29: {  	[tilespmem:v9+s11+$0x0] =	vst.idx.msk $0xffff, v8  }
0x2a: {  	v9 =	vor.u32 s19, v5;
	v8 =	vld [tilespmem:s20+$0x280];
	_ =	sdelay $0x4  }
0x2b: {  	[tilespmem:v9+s11+$0x0] =	vst.idx.msk $0xffff, v8  }
0x2c: {  	v9 =	vor.u32 s19, v6;
	v8 =	vld [tilespmem:s20+$0x300];
	_ =	sdelay $0x1  }
0x2d: {  	s30 =	sand.u32 $0x7, s19  }
0x2e: {  	s20 =	sshll.u32 s30, $0x4  }
0x2f: {  	s20 =	sadd.s32 $0x0, s20  }
0x30: {  	s22 =	sor.u32 $0x380, s20;
	[tilespmem:v9+s11+$0x0] =	vst.idx.msk $0xffff, v8  }
0x31: {  	v9 =	vor.u32 s19, v7;
	v8 =	vld [tilespmem:s22+$0x0];
	_ =	sdelay $0x2  }
0x32: {  	s31 =	simm.s32 $0x10;
	s20 =	simm.s32 $0x80  }
0x33: {  	s21 =	simm.s32 $0x20;
	s23 =	sand.u32 $0x7C00, s20;
	s22 =	sand.u32 $0x70, s31  }
.LBB2_4:
0x34: {  	p0 =	sne.s32 s21, $0xC70;
	s22 =	sor.u32 s22, s23;
	[tilespmem:v9+s11+$0x0] =	vst.idx.msk $0xffff, v8  }
0x35: {  	v9 =	vor.u32 s20, v0;
	v8 =	vld [tilespmem:s22+$0x0];
	_ =	sdelay $0x4  }
0x36: {  	[tilespmem:v9+s11+$0x0] =	vst.idx.msk $0xffff, v8  }
0x37: {  	v9 =	vor.u32 s20, v1;
	v8 =	vld [tilespmem:s22+$0x80];
	_ =	sdelay $0x4  }
0x38: {  	[tilespmem:v9+s11+$0x0] =	vst.idx.msk $0xffff, v8  }
0x39: {  	v9 =	vor.u32 s20, v2;
	v8 =	vld [tilespmem:s22+$0x100];
	_ =	sdelay $0x4  }
0x3a: {  	[tilespmem:v9+s11+$0x0] =	vst.idx.msk $0xffff, v8  }
0x3b: {  	v9 =	vor.u32 s20, v3;
	v8 =	vld [tilespmem:s22+$0x180];
	_ =	sdelay $0x4  }
0x3c: {  	[tilespmem:v9+s11+$0x0] =	vst.idx.msk $0xffff, v8  }
0x3d: {  	v9 =	vor.u32 s20, v4;
	v8 =	vld [tilespmem:s22+$0x200];
	_ =	sdelay $0x4  }
0x3e: {  	[tilespmem:v9+s11+$0x0] =	vst.idx.msk $0xffff, v8  }
0x3f: {  	v9 =	vor.u32 s20, v5;
	v8 =	vld [tilespmem:s22+$0x280];
	_ =	sdelay $0x4  }
0x40: {  	[tilespmem:v9+s11+$0x0] =	vst.idx.msk $0xffff, v8  }
0x41: {  	v9 =	vor.u32 s20, v6;
	v8 =	vld [tilespmem:s22+$0x300]  }
0x42: {  	s19 =	sadd.s32 $0x1, s19  }
0x43: {  	s22 =	sand.u32 $0x7, s19  }
0x44: {  	s22 =	sshll.u32 s22, $0x4  }
0x45: {  	s22 =	sadd.s32 s22, s20  }
0x46: {  	s22 =	sor.u32 $0x380, s22;
	[tilespmem:v9+s11+$0x0] =	vst.idx.msk $0xffff, v8  }
.Ltmp5:
0x47: {  	v9 =	vor.u32 s20, v7;
	v8 =	vld [tilespmem:s22+$0x0];
	(pc) =	sbr.rel @p0 .LBB2_4-.Ltmp5, $3  }
0x48: {  	_ =	sdelay $0x1  }
0x49: {  	s20 =	sadd.s32 $0x80, s20  }
0x4a: {  	s22 =	sand.u32 $0x70, s21;
	s23 =	sand.u32 $0x7C00, s20;
	s21 =	sadd.s32 $0x10, s21  }
0x4b: {  	_ =	sdelay $0x3  }
0x4c: {  	s21 =	sor.u32 s22, s23;
	[tilespmem:v9+s11+$0x0] =	vst.idx.msk $0xffff, v8  }
0x4d: {  	v56 =	vor.u32 s20, v0;
	v8 =	vld [tilespmem:s21+$0x0];
	_ =	sdelay $0x4  }
0x4e: {  	[tilespmem:v56+s11+$0x0] =	vst.idx.msk $0xffff, v8  }
0x4f: {  	v57 =	vor.u32 s20, v1;
	v8 =	vld [tilespmem:s21+$0x80];
	_ =	sdelay $0x4  }
0x50: {  	[tilespmem:v57+s11+$0x0] =	vst.idx.msk $0xffff, v8  }
0x51: {  	v58 =	vor.u32 s20, v2;
	v8 =	vld [tilespmem:s21+$0x100];
	_ =	sdelay $0x4  }
0x52: {  	[tilespmem:v58+s11+$0x0] =	vst.idx.msk $0xffff, v8  }
0x53: {  	v59 =	vor.u32 s20, v3;
	v8 =	vld [tilespmem:s21+$0x180];
	_ =	sdelay $0x4  }
0x54: {  	[tilespmem:v59+s11+$0x0] =	vst.idx.msk $0xffff, v8  }
0x55: {  	v60 =	vor.u32 s20, v4;
	v8 =	vld [tilespmem:s21+$0x200];
	_ =	sdelay $0x4  }
0x56: {  	[tilespmem:v60+s11+$0x0] =	vst.idx.msk $0xffff, v8  }
0x57: {  	v61 =	vor.u32 s20, v5;
	v8 =	vld [tilespmem:s21+$0x280];
	_ =	sdelay $0x4  }
0x58: {  	[tilespmem:v61+s11+$0x0] =	vst.idx.msk $0xffff, v8  }
0x59: {  	v62 =	vor.u32 s20, v6;
	v8 =	vld [tilespmem:s21+$0x300]  }
0x5a: {  	s19 =	sadd.s32 $0x1, s19  }
0x5b: {  	s19 =	sand.u32 $0x7, s19  }
0x5c: {  	s19 =	sshll.u32 s19, $0x4  }
0x5d: {  	s19 =	sadd.s32 s19, s20  }
0x5e: {  	s19 =	sor.u32 $0x380, s19;
	[tilespmem:v62+s11+$0x0] =	vst.idx.msk $0xffff, v8  }
0x5f: {  	v63 =	vor.u32 s20, v7;
	v8 =	vld [tilespmem:s19+$0x0];
	_ =	sdelay $0x4  }
0x60: {  	s18 =	sadd.s32 s2, s18;
	[tilespmem:v63+s11+$0x0] =	vst.idx.msk $0xffff, v8  }
0x61: {  	[hbm4b:s18+s5] =	stream.linear.scatter [tilespmem:s11], [sflag:$0x2], $0x6400, $0x38;
	[tilespmem:$0xFD00] =	vst v63  }
0x62: {  	_ =	swait.ge [sflag:s10], $0x6400  }
0x63: {  	[sflag:s10] =	ssyncset.done $0x0  }
0x64: {  	[sflag:s10] =	ssyncadd.s32 $0xFFFF9C00  }
.LBB2_6:
0x65: {  	p0 =	sne.s32 s17, $0x9C  }
.Ltmp6:
0x66: {  	_ = 	snop;
	(pc) =	sbr.rel @p0 .LBB2_10-.Ltmp6, $1  }
0x67: {  	_ =	sdelay $0x3  }
0x68: {  	s19 =	simm.s32 $0x0  }
0x69: {  	[tilespmem:s12], [sflag:$0x2] =	stream.linear.gather [hbm4b:s7+s19], $0x1C00, $0x38;
	[tilespmem:$0xFD00] =	vst v63  }
0x6a: {  	_ =	swait.ge [sflag:s10], $0x1C00  }
0x6b: {  	s17 =	sand.u32 $0x70, s19;
	s18 =	sand.u32 $0x1C00, s19;
	[sflag:s10] =	ssyncset.done $0x0  }
0x6c: {  	s17 =	sor.u32 s17, s18;
	[sflag:s10] =	ssyncadd.s32 $0xFFFFE400  }
0x6d: {  	v9 =	vor.u32 s19, v0;
	v8 =	vld [tilespmem:s17+$0xC800];
	_ =	sdelay $0x4  }
0x6e: {  	[tilespmem:v9+s13+$0x0] =	vst.idx.msk $0xffff, v8  }
0x6f: {  	v9 =	vor.u32 s19, v1;
	v8 =	vld [tilespmem:s17+$0xC880];
	_ =	sdelay $0x4  }
0x70: {  	[tilespmem:v9+s13+$0x0] =	vst.idx.msk $0xffff, v8  }
0x71: {  	v9 =	vor.u32 s19, v2;
	v8 =	vld [tilespmem:s17+$0xC900];
	_ =	sdelay $0x4  }
0x72: {  	[tilespmem:v9+s13+$0x0] =	vst.idx.msk $0xffff, v8  }
0x73: {  	v9 =	vor.u32 s19, v3;
	v8 =	vld [tilespmem:s17+$0xC980];
	_ =	sdelay $0x4  }
0x74: {  	[tilespmem:v9+s13+$0x0] =	vst.idx.msk $0xffff, v8  }
0x75: {  	v9 =	vor.u32 s19, v4;
	v8 =	vld [tilespmem:s17+$0xCA00];
	_ =	sdelay $0x4  }
0x76: {  	[tilespmem:v9+s13+$0x0] =	vst.idx.msk $0xffff, v8  }
0x77: {  	v9 =	vor.u32 s19, v5;
	v8 =	vld [tilespmem:s17+$0xCA80];
	_ =	sdelay $0x4  }
0x78: {  	[tilespmem:v9+s13+$0x0] =	vst.idx.msk $0xffff, v8  }
0x79: {  	v9 =	vor.u32 s19, v6;
	v8 =	vld [tilespmem:s17+$0xCB00];
	_ =	sdelay $0x3  }
0x7a: {  	s31 =	sor.u32 s19, s19  }
0x7b: {  	s20 =	sor.u32 $0x380, s31;
	[tilespmem:v9+s13+$0x0] =	vst.idx.msk $0xffff, v8  }
0x7c: {  	v9 =	vor.u32 s19, v7;
	v8 =	vld [tilespmem:s20+$0xC800];
	_ =	sdelay $0x2  }
0x7d: {  	s18 =	simm.s32 $0x10;
	s17 =	simm.s32 $0x80  }
0x7e: {  	s21 =	sand.u32 $0x1C00, s17;
	s19 =	simm.s32 $0x20;
	s20 =	sand.u32 $0x70, s18  }
.LBB2_8:
0x7f: {  	p0 =	sne.s32 s19, $0x310;
	s20 =	sor.u32 s20, s21;
	[tilespmem:v9+s13+$0x0] =	vst.idx.msk $0xffff, v8  }
0x80: {  	v9 =	vor.u32 s17, v0;
	v8 =	vld [tilespmem:s20+$0xC800];
	_ =	sdelay $0x4  }
0x81: {  	[tilespmem:v9+s13+$0x0] =	vst.idx.msk $0xffff, v8  }
0x82: {  	v9 =	vor.u32 s17, v1;
	v8 =	vld [tilespmem:s20+$0xC880];
	_ =	sdelay $0x4  }
0x83: {  	[tilespmem:v9+s13+$0x0] =	vst.idx.msk $0xffff, v8  }
0x84: {  	v9 =	vor.u32 s17, v2;
	v8 =	vld [tilespmem:s20+$0xC900];
	_ =	sdelay $0x4  }
0x85: {  	[tilespmem:v9+s13+$0x0] =	vst.idx.msk $0xffff, v8  }
0x86: {  	v9 =	vor.u32 s17, v3;
	v8 =	vld [tilespmem:s20+$0xC980];
	_ =	sdelay $0x4  }
0x87: {  	[tilespmem:v9+s13+$0x0] =	vst.idx.msk $0xffff, v8  }
0x88: {  	v9 =	vor.u32 s17, v4;
	v8 =	vld [tilespmem:s20+$0xCA00];
	_ =	sdelay $0x4  }
0x89: {  	[tilespmem:v9+s13+$0x0] =	vst.idx.msk $0xffff, v8  }
0x8a: {  	v9 =	vor.u32 s17, v5;
	v8 =	vld [tilespmem:s20+$0xCA80];
	_ =	sdelay $0x4  }
0x8b: {  	[tilespmem:v9+s13+$0x0] =	vst.idx.msk $0xffff, v8  }
0x8c: {  	v9 =	vor.u32 s17, v6;
	v8 =	vld [tilespmem:s20+$0xCB00];
	_ =	sdelay $0x3  }
0x8d: {  	s20 =	sor.u32 s17, s18;
	s18 =	smov.u32 s19  }
0x8e: {  	s20 =	sor.u32 $0x380, s20;
	[tilespmem:v9+s13+$0x0] =	vst.idx.msk $0xffff, v8  }
.Ltmp7:
0x8f: {  	v9 =	vor.u32 s17, v7;
	v8 =	vld [tilespmem:s20+$0xC800];
	(pc) =	sbr.rel @p0 .LBB2_8-.Ltmp7, $3  }
0x90: {  	_ =	sdelay $0x1  }
0x91: {  	s17 =	sadd.s32 $0x80, s17  }
0x92: {  	s19 =	sadd.s32 $0x10, s19;
	s20 =	sand.u32 $0x70, s18;
	s21 =	sand.u32 $0x1C00, s17  }
0x93: {  	_ =	sdelay $0x3  }
0x94: {  	s19 =	sor.u32 s20, s21;
	[tilespmem:v9+s13+$0x0] =	vst.idx.msk $0xffff, v8  }
0x95: {  	v56 =	vor.u32 s17, v0;
	v8 =	vld [tilespmem:s19+$0xC800];
	_ =	sdelay $0x4  }
0x96: {  	[tilespmem:v56+s13+$0x0] =	vst.idx.msk $0xffff, v8  }
0x97: {  	v57 =	vor.u32 s17, v1;
	v8 =	vld [tilespmem:s19+$0xC880];
	_ =	sdelay $0x4  }
0x98: {  	[tilespmem:v57+s13+$0x0] =	vst.idx.msk $0xffff, v8  }
0x99: {  	v58 =	vor.u32 s17, v2;
	v8 =	vld [tilespmem:s19+$0xC900];
	_ =	sdelay $0x4  }
0x9a: {  	[tilespmem:v58+s13+$0x0] =	vst.idx.msk $0xffff, v8  }
0x9b: {  	v59 =	vor.u32 s17, v3;
	v8 =	vld [tilespmem:s19+$0xC980];
	_ =	sdelay $0x4  }
0x9c: {  	[tilespmem:v59+s13+$0x0] =	vst.idx.msk $0xffff, v8  }
0x9d: {  	v60 =	vor.u32 s17, v4;
	v8 =	vld [tilespmem:s19+$0xCA00];
	_ =	sdelay $0x4  }
0x9e: {  	[tilespmem:v60+s13+$0x0] =	vst.idx.msk $0xffff, v8  }
0x9f: {  	v61 =	vor.u32 s17, v5;
	v8 =	vld [tilespmem:s19+$0xCA80];
	_ =	sdelay $0x4  }
0xa0: {  	[tilespmem:v61+s13+$0x0] =	vst.idx.msk $0xffff, v8  }
0xa1: {  	v62 =	vor.u32 s17, v6;
	v8 =	vld [tilespmem:s19+$0xCB00];
	_ =	sdelay $0x3  }
0xa2: {  	s18 =	sor.u32 s17, s18  }
0xa3: {  	s18 =	sor.u32 $0x380, s18;
	[tilespmem:v62+s13+$0x0] =	vst.idx.msk $0xffff, v8  }
0xa4: {  	v63 =	vor.u32 s17, v7;
	v8 =	vld [tilespmem:s18+$0xC800];
	_ =	sdelay $0x4  }
.Ltmp8:
0xa5: {  	[tilespmem:v63+s13+$0x0] =	vst.idx.msk $0xffff, v8;
	(pc) =	sbr.rel .LBB2_10-.Ltmp8, $4  }
0xa6: {  	[hbm4b:s8+s5] =	stream.linear.scatter [tilespmem:s13], [sflag:$0x1], $0x1900, $0x38;
	[tilespmem:$0xFD00] =	vst v63  }
0xa7: {  	_ =	swait.ge [sflag:s14], $0x1900  }
0xa8: {  	[sflag:s14] =	ssyncset.done $0x0  }
0xa9: {  	[sflag:s14] =	ssyncadd.s32 $0xFFFFE700  }
.LBB2_12:
0xaa: {  	_ =	sfence.sel $0x180000  }
0xab: {  	[bflag:$0x0] =	sbarrier.arrive $0xFFFF  }
0xac: {  	p0 =	sne.s32 s4, $0x0;
	_ =	strace $0x90000047  }
0xad: {  	s0 =	sadd.s32 @!p0 $0x100000, s0;
	[bflag:$0x2] =	sbarrier.arrive $0xFFFF  }
0xae: {  	[sflag:s0] =	ssyncadd.tile.s32 @!p0 $0x1;
	_ =	shalt  }
.Lfunc_end2:
_tile_overlayer_lowered:
.L_overlay_start_2:
0xaf: {  	(tag) =	ssettag $0x2  }
0xb0: {  	s0 =	rddreg [dreg:$0x0];
	s2 =	stileid.u32  }
0xb1: {  	s1 =	rddreg [dreg:$0x1];
	p0 =	sne.s32 s2, $0x0  }
0xb2: {  	s3 =	rddreg [dreg:$0x2];
	[bflag:$0x3] =	sbarrier.arrive $0xFFFF;
	s2 =	simm.s32 @!p0 $0x1C01  }
0xb3: {  	[timem:s3], [sflag:s2] =	dma.local @!p0 [hbm:s0], s1  }
0xb4: {  	s0 =	simm.s32 @!p0 $0x1  }
0xb5: {  	_ =	swait.ge @!p0 [sflag:s0], s1  }
0xb6: {  	s1 =	ssub.s32 @!p0 $0x0, s1;
	[sflag:s0] =	ssyncset.done @!p0 $0x0  }
0xb7: {  	[sflag:s0] =	ssyncadd.s32 @!p0 s1  }
0xb8: {  	[bflag:$0x3] =	sbarrier.arrive $0xFFFF  }
0xb9: {  	_ =	shalt  }

// kernel: kernel.8.cloned.1.call-start
scs
__scs_entry_jumppad:
0x0: {  	(pc) =	sbr.rel $0x88, $3  }
0x1: {  	(tag) =	ssettag $0x0;
	lr =	simm.s32 $0x1  }
0x2: {  	[smem:$0x3F9F] =	sst lr;
	_ =	strace $0xD0000000  }
0x3: {  	_ = 	snop  }
0x4: {  	_ = 	snop  }
0x5: {  	_ = 	snop  }
0x6: {  	_ = 	snop  }
0x7: {  	_ = 	snop  }
__scs_overlays_trampoline_lowered:
0x8: {  	[smem:$0x3FAE] =	sst s0  }
0x9: {  	[smem:$0x3FAF] =	sst s1  }
0xa: {  	[smem:$0x3FB0] =	sst s2  }
0xb: {  	[smem:$0x3FB1] =	sst s3  }
0xc: {  	[smem:$0x3FB2] =	sst s4  }
0xd: {  	[smem:$0x3FB3] =	sst s5  }
0xe: {  	[smem:$0x3FB4] =	sst s6  }
0xf: {  	[smem:$0x3FB5] =	sst s7  }
0x10: {  	[smem:$0x3FB6] =	sst s8  }
0x11: {  	[smem:$0x3FB7] =	sst s9;
	s0 =	simm.s32 @!p0 $0x0  }
0x12: {  	s1 =	sld [smem:$0x3F9D];
	s0 =	simm.s32 @p0 $0x1  }
0x13: {  	[smem:$0x3FB8] =	sst s0;
	s0 =	simm.s32 @!p1 $0x0  }
0x14: {  	s2 =	sld [smem:$0x3F9C];
	s0 =	simm.s32 @p1 $0x1  }
0x15: {  	[smem:$0x3FB9] =	sst s0;
	s0 =	simm.s32 @!p2 $0x0  }
0x16: {  	s3 =	sld [smem:$0x3FDB];
	s0 =	simm.s32 @p2 $0x1  }
0x17: {  	s4 =	simm.s32 $0x1BF5;
	[smem:$0x3FBB] =	sst s0  }
0x18: {  	s0 =	sld [smem:$0x3F9E];
	_ =	swait.ge [sflag:s4], $0x0  }
0x19: {  	s7 =	sld [smem:$0x3F9F]  }
0x1a: {  	s8 =	sadd.s32 $0xFFFFE003, lr  }
0x1b: {  	s9 =	sadd.s32 $0xFFFFFEF7, lr;
	s5 =	simm.s32 $0xFFFFFFFF;
	p2 =	slt.u32 s8, $0xFFFFF086  }
0x1c: {  	p1 =	slt.u32 s9, $0xF7A;
	s5 =	simm.s32 @!p2 $0x0  }
0x1d: {  	s5 =	simm.s32 @p1 $0x1;
	p0 =	seq.s32 s7, s2  }
0x1e: {  	s7 =	smul.u32 @!p0 $0xF7A, s2;
	p2 =	seq.s32 @!p0 s5, $0x0  }
0x1f: {  	s9 =	smul.u32 $0xF7A, s1;
	s8 =	simm.s32 @!p0 $0x1BF5;
	p2 =	por !p2, p0  }
0x20: {  	[sflag:s8] =	ssyncset.s32 @!p0 $0xFFFFF086;
	s6 =	sadd.s32 @!p0 s3, s7;
	s7 =	simm.s32 @!p0 $0x108  }
0x21: {  	s3 =	sadd.s32 s3, s9;
	s6 =	sadd.s32 @!p0 $0x88, s6;
	s7 =	simm.s32 @p2 $0x1082  }
0x22: {  	[simem:s7], [sflag:s8] =	dma.local @!p0 [hbm:s6], $0xF7A  }
0x23: {  	s9 =	sor.u32 $0xD0000000, s2;
	s6 =	simm.s32 $0x108;
	_ =	swait.ge @!p0 [sflag:s8], $0x0  }
0x24: {  	s3 =	sadd.s32 $0x88, s3;
	s6 =	simm.s32 @!p1 $0x1082;
	[sflag:s4] =	ssyncset.s32 $0xFFFFF086  }
0x25: {  	[simem:s6], [sflag:s4] =	dma.local [hbm:s3], $0xF7A  }
0x26: {  	[smem:$0x3F9F] =	sst s1;
	(tag) =	ssettag s2;
	_ =	strace s9  }
0x27: {  	s1 =	sld [smem:$0x3FAF]  }
0x28: {  	s2 =	sld [smem:$0x3FB0]  }
0x29: {  	s4 =	sld [smem:$0x3FB2]  }
0x2a: {  	p0 =	seq.s32 s5, $0x0;
	s5 =	sld [smem:$0x3FB3]  }
0x2b: {  	s6 =	sld [smem:$0x3FB4]  }
0x2c: {  	s7 =	sld [smem:$0x3FB5]  }
0x2d: {  	s3 =	simm.s32 $0x108;
	s8 =	sld [smem:$0x3FB6]  }
0x2e: {  	s3 =	simm.s32 @!p0 $0x1082;
	s9 =	sld [smem:$0x3FB7]  }
0x2f: {  	lr =	sadd.s32 s0, s3;
	s0 =	sld [smem:$0x3FAE]  }
0x30: {  	s3 =	sld [smem:$0x3FB1]  }
0x31: {  	[smem:$0x3FBA] =	sst s10  }
0x32: {  	s10 =	sld [smem:$0x3FB8];
	_ =	sdelay $0x3  }
0x33: {  	p0 =	seq.s32 s10, $0x1;
	s10 =	sld [smem:$0x3FBA];
	_ =	sdelay $0x3  }
0x34: {  	[smem:$0x3FBA] =	sst s10  }
0x35: {  	s10 =	sld [smem:$0x3FB9];
	_ =	sdelay $0x3  }
0x36: {  	p1 =	seq.s32 s10, $0x1;
	s10 =	sld [smem:$0x3FBA];
	_ =	sdelay $0x3  }
0x37: {  	[smem:$0x3FBA] =	sst s10  }
0x38: {  	s10 =	sld [smem:$0x3FBB]  }
0x39: {  	_ = 	snop;
	(pc) =	sbr.ind lr, $3  }
0x3a: {  	_ = 	snop  }
0x3b: {  	_ = 	snop  }
0x3c: {  	p2 =	seq.s32 s10, $0x1;
	s10 =	sld [smem:$0x3FBA]  }
0x3d: {  	_ =	shalt  }
0x3e: {  	_ =	shalt  }
0x3f: {  	_ =	shalt  }
0x40: {  	_ =	shalt  }
0x41: {  	_ =	shalt  }
0x42: {  	_ =	shalt  }
0x43: {  	_ =	shalt  }
0x44: {  	_ =	shalt  }
0x45: {  	_ =	shalt  }
0x46: {  	_ =	shalt  }
0x47: {  	_ =	shalt  }
0x48: {  	_ =	shalt  }
0x49: {  	_ =	shalt  }
0x4a: {  	_ =	shalt  }
0x4b: {  	_ =	shalt  }
0x4c: {  	_ =	shalt  }
0x4d: {  	_ =	shalt  }
0x4e: {  	_ =	shalt  }
0x4f: {  	_ =	shalt  }
0x50: {  	_ =	shalt  }
0x51: {  	_ =	shalt  }
0x52: {  	_ =	shalt  }
0x53: {  	_ =	shalt  }
0x54: {  	_ =	shalt  }
0x55: {  	_ =	shalt  }
0x56: {  	_ =	shalt  }
0x57: {  	_ =	shalt  }
0x58: {  	_ =	shalt  }
0x59: {  	_ =	shalt  }
0x5a: {  	_ =	shalt  }
0x5b: {  	_ =	shalt  }
0x5c: {  	_ =	shalt  }
0x5d: {  	_ =	shalt  }
0x5e: {  	_ =	shalt  }
0x5f: {  	_ =	shalt  }
0x60: {  	_ =	shalt  }
0x61: {  	_ =	shalt  }
0x62: {  	_ =	shalt  }
0x63: {  	_ =	shalt  }
0x64: {  	_ =	shalt  }
0x65: {  	_ =	shalt  }
0x66: {  	_ =	shalt  }
0x67: {  	_ =	shalt  }
0x68: {  	_ =	shalt  }
0x69: {  	_ =	shalt  }
0x6a: {  	_ =	shalt  }
0x6b: {  	_ =	shalt  }
0x6c: {  	_ =	shalt  }
0x6d: {  	_ =	shalt  }
0x6e: {  	_ =	shalt  }
0x6f: {  	_ =	shalt  }
0x70: {  	_ =	shalt  }
0x71: {  	_ =	shalt  }
0x72: {  	_ =	shalt  }
0x73: {  	_ =	shalt  }
0x74: {  	_ =	shalt  }
0x75: {  	_ =	shalt  }
0x76: {  	_ =	shalt  }
0x77: {  	_ =	shalt  }
0x78: {  	_ =	shalt  }
0x79: {  	_ =	shalt  }
0x7a: {  	_ =	shalt  }
0x7b: {  	_ =	shalt  }
0x7c: {  	_ =	shalt  }
0x7d: {  	_ =	shalt  }
0x7e: {  	_ =	shalt  }
0x7f: {  	_ =	shalt  }
0x80: {  	_ =	shalt  }
0x81: {  	_ =	shalt  }
0x82: {  	_ =	shalt  }
0x83: {  	_ =	shalt  }
0x84: {  	_ =	shalt  }
0x85: {  	_ =	shalt  }
0x86: {  	_ =	shalt  }
0x87: {  	_ =	shalt  }
.Lfunc_end0:
.L_simem_size_0:
called_computation.1_lowered:
.L_overlay_start_0:
0x88: {  	s2 =	sld [smem:$0x3FD9]  }
0x89: {  	s3 =	sld [smem:$0x3FFE];
	_ =	sdelay $0x1  }
0x8a: {  	s1 =	srdreg.scid  }
0x8b: {  	s0 =	sand.u32 $0x1, s1  }
0x8c: {  	s17 =	sshll.u32 s0, $0xA;
	s2 =	sadd.s32 s3, s2  }
0x8d: {  	s2 =	sadd.s32 s2, s17  }
0x8e: {  	[smem:$0x3FC6] =	sst s2  }
0x8f: {  	_ = 	snop  }
0x90: {  	s2 =	sld [smem:$0x3FC8]  }
0x91: {  	s18 =	sld [smem:$0x3FD0];
	(tm) =	ssettm $0x1  }
0x92: {  	s4 =	sld [smem:$0x3FFB];
	_ =	sdelay $0x3  }
0x93: {  	_ =	strace s4  }
0x94: {  	s4 =	sld [smem:$0x3FFC];
	_ =	sdelay $0x3  }
0x95: {  	_ =	strace s4  }
0x96: {  	s4 =	sld [smem:$0x3FFD];
	_ =	sdelay $0x3  }
0x97: {  	_ =	strace s4  }
0x98: {  	_ =	strace $0x8FFFFFFF  }
0x99: {  	s19 =	sld [smem:$0x3FDB];
	_ =	sdelay $0x1  }
0x9a: {  	s5 =	simm.s32 $_scs_section_size  }
0x9b: {  	s6 =	simm.s32 $_size__tile_overlayer_lowered;
	s7 =	simm.s32 $_tile_overlayer_lowered  }
0x9c: {  	s22 =	simm.s32 $0x1BFF;
	s21 =	sshll.u32 s7, $0x1;
	s4 =	sadd.s32 s5, s19  }
0x9d: {  	s8 =	simm.s32 $0x0;
	s20 =	sshll.u32 s6, $0x1;
	s6 =	sadd.s32 s21, s4  }
0x9e: {  	[timem:s8], [sflag:s22] =	dma.local [hbm:s6], s20  }
0x9f: {  	_ =	swait.ge [sflag:s22], s20  }
0xa0: {  	s5 =	ssub.s32 $0x0, s20;
	[sflag:s22] =	ssyncset.done $0x0  }
0xa1: {  	[sflag:s22] =	ssyncadd.s32 s5;
	_ =	sdelay $0x1  }
0xa2: {  	s23 =	simm.s32 $0x1B8B  }
0xa3: {  	_ =	swait.ge [sflag:s23], $0x1  }
0xa4: {  	[sflag:s23] =	ssyncset.done $0x0  }
0xa5: {  	s25 =	simm.s32 $0x1B8E;
	s24 =	sld [smem:$0x3FFE];
	[sflag:s23] =	ssyncadd.s32 $0xFFFFFFFF  }
0xa6: {  	s26 =	simm.s32 $execute0_lowered;
	[smem:$0x3FD2] =	sst s25  }
0xa7: {  	s6 =	sshll.u32 s26, $0x1;
	_ =	strace $0x80000049;
	[dreg:$0x1] =	wrdreg $0xFFFFFFFF  }
0xa8: {  	s28 =	simm.s32 $_size_execute0_lowered;
	s4 =	sadd.s32 s4, s6;
	[dreg:$0x0] =	wrdreg $0x0  }
0xa9: {  	s6 =	sshll.u32 s28, $0x1;
	[dreg:$0x2] =	wrdreg s4  }
0xaa: {  	[dreg:$0x3] =	wrdreg s6  }
0xab: {  	[dreg:$0x4] =	wrdreg $0xC0  }
0xac: {  	_ =	task [dreg:s8], $0x5FFFF  }
0xad: {  	[dreg:$0x1] =	wrdreg $0xFFFFFFFF  }
0xae: {  	[dreg:$0x0] =	wrdreg $0x60  }
0xaf: {  	[dreg:$0x2] =	wrdreg s18  }
0xb0: {  	[dreg:$0x3] =	wrdreg s2  }
0xb1: {  	[dreg:$0x4] =	wrdreg s24  }
0xb2: {  	[dreg:$0x5] =	wrdreg $0x9  }
0xb3: {  	_ =	task.clear_ibuf [dreg:s8], $0x6FFFF;
	_ =	strace $0x90000049  }
0xb4: {  	s29 =	simm.s32 $0x9;
	_ =	strace $0x8000004B  }
0xb5: {  	_ =	swait.ge [sflag:s29], $0x1  }
0xb6: {  	[sflag:s29] =	ssyncadd.s32 $0xFFFFFFFF  }
0xb7: {  	_ =	strace $0x9000004B  }
0xb8: {  	_ =	sfence  }
0xb9: {  	s30 =	sld [smem:$0x0];
	_ =	sdelay $0x2  }
0xba: {  	s31 =	sshll.u32 s1, $0xD;
	s1 =	sshrl.u32 s1, $0x2  }
0xbb: {  	s3 =	sand.u32 $0x4000, s31;
	s1 =	sadd.s32 s1, s30  }
0xbc: {  	s0 =	sor.u32 s3, s0;
	s1 =	sshll.u32 s1, $0x11  }
0xbd: {  	s0 =	sor.u32 s1, s0  }
0xbe: {  	s0 =	sadd.s32 $0x8F2B, s0  }
0xbf: {  	[sflag:s0] =	ssyncadd.remote.s32 $0x1  }
0xc0: {  	_ =	sfence.sel $0xFFFF  }
0xc1: {  	[dreg:$0x0] =	wrdreg $0xFFFFFFFF;
	(pc) =	sbr.abs _section_cstart, $3  }
0xc2: {  	[dreg:$0x1] =	wrdreg $0xFFFFFFFF  }
0xc3: {  	_ =	task.clear_ibuf [dreg:s8], $0x2FFFF;
	_ =	strace $0x9FFFFFFF  }
0xc4: {  	(tm) =	ssettm $0x7FFFFFFF  }
0xc5: {  	_ =	shalt  }
tec
execute0_lowered:
.L_overlay_start_1:
0x0: {  	(tag) =	ssettag $0x1  }
0x1: {  	s1 =	rddreg [dreg:$0x0]  }
0x2: {  	s3 =	rddreg [dreg:$0x1];
	s2 =	srdreg.scid  }
0x3: {  	s0 =	stileid.u32;
	s6 =	rddreg [dreg:$0x2];
	s4 =	simm.s32 $0x0  }
0x4: {  	s10 =	simm.s32 $0x3;
	s11 =	simm.s32 $0xFA0;
	s12 =	simm.s32 $0x1F40  }
0x5: {  	s13 =	simm.s32 $0x1;
	s14 =	simm.s32 $0x11940;
	s15 =	simm.s32 $0x4  }
0x6: {  	s16 =	simm.s32 $0x128E0;
	s17 =	simm.s32 $0x13880;
	s18 =	simm.s32 $0x14820  }
0x7: {  	s19 =	simm.s32 $0x157C0;
	s20 =	simm.s32 $0x16760;
	s21 =	simm.s32 $0x17700  }
0x8: {  	s22 =	simm.s32 $0x186A0;
	s23 =	simm.s32 $0x2;
	s24 =	simm.s32 $0x9C40  }
.Ltmp0:
0x9: {  	s2 =	sand.u32 $0x1, s2;
	s5 =	sshll.u32 s0, $0x1;
	(pc) =	sbr.rel .LBB2_1-.Ltmp0, $4  }
0xa: {  	s25 =	simm.s32 $0x0;
	s5 =	sor.u32 s2, s5;
	s2 =	ssub.s32 $0x2, s2  }
0xb: {  	[smem:$0x7FF] =	sst s4;
	s7 =	smul.u32 $0x1F4, s5;
	s8 =	sshrl.u32 s2, $0x1  }
0xc: {  	v0 =	vlaneseq.u32;
	s6 =	sadd.s32 $0xC00, s6;
	_ =	strace $0x8000004A;
	s2 =	ssub.s32 s2, s8  }
0xd: {  	v0 =	vmul.u32 $0x8, v0;
	s8 =	sor.u32 $0x40, s5;
	s7 =	sadd.s32 s3, s7;
	s9 =	smax.u32 s2, $0x1  }
.LBB2_9:
0xe: {  	s25 =	sadd.s32 $0x1, s25  }
0xf: {  	p0 =	sne.s32 s25, s9  }
.Ltmp1:
0x10: {  	_ = 	snop;
	(pc) =	sbr.rel @!p0 .LBB2_10-.Ltmp1, $1  }
0x11: {  	_ =	sdelay $0x3  }
.LBB2_1:
0x12: {  	[tilespmem:s4], [sflag:$0x3] =	stream.linear.gather [hbm4b:s7+s4], $0xFA0, $0x38;
	[tilespmem:$0x19640] =	vst v63  }
.Ltmp2:
0x13: {  	_ = 	snop;
	(pc) =	sbr.rel .LBB2_2-.Ltmp2, $4  }
0x14: {  	_ =	swait.ge [sflag:s10], $0xFA0  }
0x15: {  	[sflag:s10] =	ssyncset.done $0x0  }
0x16: {  	s26 =	simm.s32 $0x0;
	[sflag:s10] =	ssyncadd.s32 $0xFFFFF060  }
0x17: {  	[tilespmem:s12], [sflag:$0x1] =	stream.indirect.gather [hbm4b:s1+s11], $0x8, s4, s11, $0xb8;
	[tilespmem:$0x19640] =	vst v63  }
.LBB2_8:
0x18: {  	s26 =	sadd.s32 $0x1, s26  }
0x19: {  	p0 =	sne.s32 s26, $0x10  }
.Ltmp3:
0x1a: {  	_ = 	snop;
	(pc) =	sbr.rel @!p0 .LBB2_9-.Ltmp3, $1  }
0x1b: {  	_ =	sdelay $0x3  }
.LBB2_2:
0x1c: {  	s29 =	sshll.u32 s26, $0x6  }
0x1d: {  	s30 =	sor.u32 s5, s29  }
0x1e: {  	s28 =	sor.u32 $0x20, s30  }
0x1f: {  	p0 =	sgt.u32 s28, $0x3E7  }
0x20: {  	s2 =	smul.u32 @!p0 $0x1F4, s28;
	_ =	sdelay $0x1  }
0x21: {  	s31 =	simm.s32 @!p0 $0x0;
	s0 =	simm.s32 @!p0 $0xFA0;
	s2 =	sadd.s32 @!p0 s3, s2  }
0x22: {  	[tilespmem:s0], [sflag:$0x4] =	stream.linear.gather @!p0 [hbm4b:s2+s31], $0xFA0, $0x38;
	[tilespmem:$0x19640] =	vst v63  }
0x23: {  	s2 =	simm.s32 @!p0 $0x4;
	s31 =	simm.s32 $0x0  }
0x24: {  	_ =	swait.ge @!p0 [sflag:s2], $0xFA0;
	v1 =	vmov s31  }
0x25: {  	[sflag:s2] =	ssyncset.done @!p0 $0x0;
	v1 =	vshll.u32 v1, $0x3  }
0x26: {  	[sflag:s2] =	ssyncadd.s32 @!p0 $0xFFFFF060;
	s2 =	simm.s32 @!p0 $0x9C40;
	v1 =	vor.u32 v0, v1  }
0x27: {  	[tilespmem:s2], [sflag:$0x2] =	stream.indirect.gather @!p0 [hbm4b:s1+s0], $0x8, s0, s0, $0xb8;
	[tilespmem:$0x19640] =	vst v63  }
0x28: {  	_ =	swait.ge [sflag:s13], $0x7D00  }
0x29: {  	[sflag:s13] =	ssyncset.done $0x0  }
0x2a: {  	[sflag:s13] =	ssyncadd.s32 $0xFFFF8300  }
0x2b: {  	v2 =	vld.idx.msk [tilespmem:v1+s12+$0x0], $0xffff  }
0x2c: {  	v3 =	vor.u32 $0x1, v1;
	_ =	sdelay $0x2  }
0x2d: {  	s31 =	simm.s32 $0x11940  }
0x2e: {  	[tilespmem:s31+$0x0] =	vst v2  }
0x2f: {  	v2 =	vld.idx.msk [tilespmem:v3+s12+$0x0], $0xffff  }
0x30: {  	v3 =	vor.u32 $0x2, v1;
	_ =	sdelay $0x3  }
0x31: {  	[tilespmem:s31+$0xFA0] =	vst v2  }
0x32: {  	v2 =	vld.idx.msk [tilespmem:v3+s12+$0x0], $0xffff  }
0x33: {  	v3 =	vor.u32 $0x3, v1;
	_ =	sdelay $0x3  }
0x34: {  	[tilespmem:s31+$0x1F40] =	vst v2  }
0x35: {  	v2 =	vld.idx.msk [tilespmem:v3+s12+$0x0], $0xffff  }
0x36: {  	v3 =	vor.u32 $0x4, v1;
	_ =	sdelay $0x3  }
0x37: {  	[tilespmem:s31+$0x2EE0] =	vst v2  }
0x38: {  	v2 =	vld.idx.msk [tilespmem:v3+s12+$0x0], $0xffff  }
0x39: {  	v3 =	vor.u32 $0x5, v1;
	_ =	sdelay $0x3  }
0x3a: {  	[tilespmem:s31+$0x3E80] =	vst v2  }
0x3b: {  	v2 =	vld.idx.msk [tilespmem:v3+s12+$0x0], $0xffff  }
0x3c: {  	v3 =	vor.u32 $0x6, v1;
	_ =	sdelay $0x3  }
0x3d: {  	[tilespmem:s31+$0x4E20] =	vst v2  }
0x3e: {  	v2 =	vld.idx.msk [tilespmem:v3+s12+$0x0], $0xffff  }
0x3f: {  	v1 =	vor.u32 $0x7, v1;
	_ =	sdelay $0x3  }
0x40: {  	s2 =	simm.s32 $0x10;
	[tilespmem:s31+$0x5DC0] =	vst v2  }
0x41: {  	v2 =	vmov s2;
	s2 =	simm.s32 $0x20;
	v1 =	vld.idx.msk [tilespmem:v1+s12+$0x0], $0xffff  }
.LBB2_3:
0x42: {  	p1 =	sne.s32 s2, $0xF90;
	v2 =	vshll.u32 v2, $0x3  }
0x43: {  	v2 =	vor.u32 v0, v2;
	_ =	sdelay $0x3  }
0x44: {  	[tilespmem:s31+$0x6D60] =	vst v1  }
0x45: {  	v1 =	vld.idx.msk [tilespmem:v2+s12+$0x0], $0xffff;
	_ =	sdelay $0x1  }
0x46: {  	v3 =	vor.u32 $0x1, v2;
	_ =	sdelay $0x2  }
0x47: {  	s31 =	sadd.s32 $0x10, s31  }
0x48: {  	[tilespmem:s31+$0x0] =	vst v1  }
0x49: {  	v1 =	vld.idx.msk [tilespmem:v3+s12+$0x0], $0xffff;
	_ =	sdelay $0x1  }
0x4a: {  	v3 =	vor.u32 $0x2, v2;
	_ =	sdelay $0x3  }
0x4b: {  	[tilespmem:s31+$0xFA0] =	vst v1  }
0x4c: {  	v1 =	vld.idx.msk [tilespmem:v3+s12+$0x0], $0xffff;
	_ =	sdelay $0x1  }
0x4d: {  	v3 =	vor.u32 $0x3, v2;
	_ =	sdelay $0x3  }
0x4e: {  	[tilespmem:s31+$0x1F40] =	vst v1  }
0x4f: {  	v1 =	vld.idx.msk [tilespmem:v3+s12+$0x0], $0xffff;
	_ =	sdelay $0x1  }
0x50: {  	v3 =	vor.u32 $0x4, v2;
	_ =	sdelay $0x3  }
0x51: {  	[tilespmem:s31+$0x2EE0] =	vst v1  }
0x52: {  	v1 =	vld.idx.msk [tilespmem:v3+s12+$0x0], $0xffff;
	_ =	sdelay $0x1  }
0x53: {  	v3 =	vor.u32 $0x5, v2;
	_ =	sdelay $0x3  }
0x54: {  	[tilespmem:s31+$0x3E80] =	vst v1  }
0x55: {  	v1 =	vld.idx.msk [tilespmem:v3+s12+$0x0], $0xffff;
	_ =	sdelay $0x1  }
0x56: {  	v3 =	vor.u32 $0x6, v2;
	_ =	sdelay $0x3  }
0x57: {  	[tilespmem:s31+$0x4E20] =	vst v1  }
0x58: {  	v1 =	vld.idx.msk [tilespmem:v3+s12+$0x0], $0xffff;
	_ =	sdelay $0x1  }
0x59: {  	v3 =	vor.u32 $0x7, v2  }
.Ltmp4:
0x5a: {  	(pc) =	sbr.rel @p1 .LBB2_3-.Ltmp4, $3  }
0x5b: {  	_ =	sdelay $0x1  }
0x5c: {  	[tilespmem:s31+$0x5DC0] =	vst v1  }
0x5d: {  	v2 =	vmov s2;
	s2 =	sadd.s32 $0x10, s2;
	v1 =	vld.idx.msk [tilespmem:v3+s12+$0x0], $0xffff  }
0x5e: {  	v2 =	vshll.u32 v2, $0x3  }
0x5f: {  	v2 =	vor.u32 v0, v2;
	_ =	sdelay $0x3  }
0x60: {  	[tilespmem:s31+$0x6D60] =	vst v1  }
0x61: {  	v1 =	vld.idx.msk [tilespmem:v2+s12+$0x0], $0xffff  }
0x62: {  	v3 =	vor.u32 $0x1, v2;
	_ =	sdelay $0x2  }
0x63: {  	s0 =	sadd.s32 $0x10, s31  }
0x64: {  	[tilespmem:s0+$0x0] =	vst v1  }
0x65: {  	v1 =	vld.idx.msk [tilespmem:v3+s12+$0x0], $0xffff  }
0x66: {  	v3 =	vor.u32 $0x2, v2;
	_ =	sdelay $0x3  }
0x67: {  	[tilespmem:s0+$0xFA0] =	vst v1  }
0x68: {  	v1 =	vld.idx.msk [tilespmem:v3+s12+$0x0], $0xffff  }
0x69: {  	v3 =	vor.u32 $0x3, v2;
	_ =	sdelay $0x3  }
0x6a: {  	[tilespmem:s0+$0x1F40] =	vst v1  }
0x6b: {  	v1 =	vld.idx.msk [tilespmem:v3+s12+$0x0], $0xffff  }
0x6c: {  	v3 =	vor.u32 $0x4, v2;
	_ =	sdelay $0x3  }
0x6d: {  	[tilespmem:s0+$0x2EE0] =	vst v1  }
0x6e: {  	v1 =	vld.idx.msk [tilespmem:v3+s12+$0x0], $0xffff  }
0x6f: {  	v3 =	vor.u32 $0x5, v2;
	_ =	sdelay $0x3  }
0x70: {  	[tilespmem:s0+$0x3E80] =	vst v1  }
0x71: {  	v1 =	vld.idx.msk [tilespmem:v3+s12+$0x0], $0xffff  }
0x72: {  	v3 =	vor.u32 $0x6, v2;
	_ =	sdelay $0x3  }
0x73: {  	[tilespmem:s0+$0x4E20] =	vst v1  }
0x74: {  	v1 =	vld.idx.msk [tilespmem:v3+s12+$0x0], $0xffff  }
0x75: {  	v2 =	vor.u32 $0x7, v2;
	_ =	sdelay $0x3  }
0x76: {  	[tilespmem:s0+$0x5DC0] =	vst v1  }
0x77: {  	v1 =	vld.idx.msk [tilespmem:v2+s12+$0x0], $0xffff;
	_ =	sdelay $0x1  }
0x78: {  	s2 =	smul.u32 $0xFA0, s30;
	_ =	sdelay $0x1  }
0x79: {  	s2 =	sshrl.u32 s2, $0x3  }
0x7a: {  	[tilespmem:s0+$0x6D60] =	vst v1;
	s0 =	sadd.s32 s6, s2  }
0x7b: {  	[hbm4b:s0+s4] =	stream.linear.scatter [tilespmem:s14], [sflag:$0x4], $0xFA0, $0x38;
	[tilespmem:$0x19640] =	vst v63  }
0x7c: {  	_ =	swait.ge [sflag:s15], $0xFA0  }
0x7d: {  	[sflag:s15] =	ssyncset.done $0x0  }
0x7e: {  	s2 =	sadd.s32 $0x7A120, s0;
	[sflag:s15] =	ssyncadd.s32 $0xFFFFF060  }
0x7f: {  	[hbm4b:s2+s4] =	stream.linear.scatter [tilespmem:s16], [sflag:$0x4], $0xFA0, $0x38;
	[tilespmem:$0x19640] =	vst v63  }
0x80: {  	_ =	swait.ge [sflag:s15], $0xFA0  }
0x81: {  	[sflag:s15] =	ssyncset.done $0x0  }
0x82: {  	s31 =	sadd.s32 $0xF4240, s0;
	[sflag:s15] =	ssyncadd.s32 $0xFFFFF060  }
0x83: {  	[hbm4b:s31+s4] =	stream.linear.scatter [tilespmem:s17], [sflag:$0x4], $0xFA0, $0x38;
	[tilespmem:$0x19640] =	vst v63  }
0x84: {  	_ =	swait.ge [sflag:s15], $0xFA0  }
0x85: {  	[sflag:s15] =	ssyncset.done $0x0  }
0x86: {  	s30 =	sadd.s32 $0x16E360, s0;
	[sflag:s15] =	ssyncadd.s32 $0xFFFFF060  }
0x87: {  	[hbm4b:s30+s4] =	stream.linear.scatter [tilespmem:s18], [sflag:$0x4], $0xFA0, $0x38;
	[tilespmem:$0x19640] =	vst v63  }
0x88: {  	_ =	swait.ge [sflag:s15], $0xFA0  }
0x89: {  	[sflag:s15] =	ssyncset.done $0x0  }
0x8a: {  	s31 =	sadd.s32 $0x1E8480, s0;
	[sflag:s15] =	ssyncadd.s32 $0xFFFFF060  }
0x8b: {  	[hbm4b:s31+s4] =	stream.linear.scatter [tilespmem:s19], [sflag:$0x4], $0xFA0, $0x38;
	[tilespmem:$0x19640] =	vst v63  }
0x8c: {  	_ =	swait.ge [sflag:s15], $0xFA0  }
0x8d: {  	[sflag:s15] =	ssyncset.done $0x0  }
0x8e: {  	s30 =	sadd.s32 $0x2625A0, s0;
	[sflag:s15] =	ssyncadd.s32 $0xFFFFF060  }
0x8f: {  	[hbm4b:s30+s4] =	stream.linear.scatter [tilespmem:s20], [sflag:$0x4], $0xFA0, $0x38;
	[tilespmem:$0x19640] =	vst v63  }
0x90: {  	_ =	swait.ge [sflag:s15], $0xFA0  }
0x91: {  	[sflag:s15] =	ssyncset.done $0x0  }
0x92: {  	s31 =	sadd.s32 $0x2DC6C0, s0;
	[sflag:s15] =	ssyncadd.s32 $0xFFFFF060  }
0x93: {  	[hbm4b:s31+s4] =	stream.linear.scatter [tilespmem:s21], [sflag:$0x4], $0xFA0, $0x38;
	[tilespmem:$0x19640] =	vst v63  }
0x94: {  	_ =	swait.ge [sflag:s15], $0xFA0  }
0x95: {  	[sflag:s15] =	ssyncset.done $0x0  }
0x96: {  	s0 =	sadd.s32 $0x3567E0, s0;
	[sflag:s15] =	ssyncadd.s32 $0xFFFFF060  }
0x97: {  	[hbm4b:s0+s4] =	stream.linear.scatter [tilespmem:s22], [sflag:$0x4], $0xFA0, $0x38;
	[tilespmem:$0x19640] =	vst v63  }
0x98: {  	s0 =	sadd.s32 s8, s29  }
0x99: {  	p1 =	sgt.u32 s0, $0x3E7  }
0x9a: {  	_ =	swait.ge [sflag:s15], $0xFA0;
	s0 =	smul.u32 @!p1 $0x1F4, s0  }
0x9b: {  	[sflag:s15] =	ssyncset.done $0x0  }
0x9c: {  	s2 =	simm.s32 @!p1 $0x0;
	[sflag:s15] =	ssyncadd.s32 $0xFFFFF060;
	s0 =	sadd.s32 @!p1 s3, s0  }
0x9d: {  	[tilespmem:s2], [sflag:$0x4] =	stream.linear.gather @!p1 [hbm4b:s0+s2], $0xFA0, $0x38;
	[tilespmem:$0x19640] =	vst v63  }
.Ltmp5:
0x9e: {  	s0 =	simm.s32 @!p1 $0x4;
	(pc) =	sbr.rel @p0 .LBB2_8-.Ltmp5, $4  }
0x9f: {  	_ =	swait.ge @!p1 [sflag:s0], $0xFA0  }
0xa0: {  	[sflag:s0] =	ssyncset.done @!p1 $0x0  }
0xa1: {  	s29 =	simm.s32 @!p1 $0x1F40;
	[sflag:s0] =	ssyncadd.s32 @!p1 $0xFFFFF060;
	s0 =	simm.s32 @!p1 $0xFA0  }
0xa2: {  	[tilespmem:s29], [sflag:$0x1] =	stream.indirect.gather @!p1 [hbm4b:s1+s0], $0x8, s2, s0, $0xb8;
	[tilespmem:$0x19640] =	vst v63  }
0xa3: {  	s0 =	simm.s32 $0x0  }
0xa4: {  	v1 =	vmov s0  }
0xa5: {  	v1 =	vshll.u32 v1, $0x3  }
0xa6: {  	v1 =	vor.u32 v0, v1;
	_ =	sdelay $0x1  }
0xa7: {  	_ =	swait.ge [sflag:s23], $0x7D00  }
0xa8: {  	[sflag:s23] =	ssyncset.done $0x0  }
0xa9: {  	[sflag:s23] =	ssyncadd.s32 $0xFFFF8300  }
0xaa: {  	v2 =	vld.idx.msk [tilespmem:v1+s24+$0x0], $0xffff  }
0xab: {  	v3 =	vor.u32 $0x1, v1;
	_ =	sdelay $0x2  }
0xac: {  	s29 =	simm.s32 $0x11940  }
0xad: {  	[tilespmem:s29+$0x0] =	vst v2  }
0xae: {  	v2 =	vld.idx.msk [tilespmem:v3+s24+$0x0], $0xffff  }
0xaf: {  	v3 =	vor.u32 $0x2, v1;
	_ =	sdelay $0x3  }
0xb0: {  	[tilespmem:s29+$0xFA0] =	vst v2  }
0xb1: {  	v2 =	vld.idx.msk [tilespmem:v3+s24+$0x0], $0xffff  }
0xb2: {  	v3 =	vor.u32 $0x3, v1;
	_ =	sdelay $0x3  }
0xb3: {  	[tilespmem:s29+$0x1F40] =	vst v2  }
0xb4: {  	v2 =	vld.idx.msk [tilespmem:v3+s24+$0x0], $0xffff  }
0xb5: {  	v3 =	vor.u32 $0x4, v1;
	_ =	sdelay $0x3  }
0xb6: {  	[tilespmem:s29+$0x2EE0] =	vst v2  }
0xb7: {  	v2 =	vld.idx.msk [tilespmem:v3+s24+$0x0], $0xffff  }
0xb8: {  	v3 =	vor.u32 $0x5, v1;
	_ =	sdelay $0x3  }
0xb9: {  	[tilespmem:s29+$0x3E80] =	vst v2  }
0xba: {  	v2 =	vld.idx.msk [tilespmem:v3+s24+$0x0], $0xffff  }
0xbb: {  	v3 =	vor.u32 $0x6, v1;
	_ =	sdelay $0x3  }
0xbc: {  	[tilespmem:s29+$0x4E20] =	vst v2  }
0xbd: {  	v2 =	vld.idx.msk [tilespmem:v3+s24+$0x0], $0xffff  }
0xbe: {  	v1 =	vor.u32 $0x7, v1;
	_ =	sdelay $0x3  }
0xbf: {  	s31 =	simm.s32 $0x10;
	[tilespmem:s29+$0x5DC0] =	vst v2  }
0xc0: {  	s2 =	simm.s32 $0x20;
	v2 =	vmov s31;
	v1 =	vld.idx.msk [tilespmem:v1+s24+$0x0], $0xffff  }
.LBB2_6:
0xc1: {  	p0 =	sne.s32 s2, $0xF90;
	v2 =	vshll.u32 v2, $0x3  }
0xc2: {  	v2 =	vor.u32 v0, v2;
	_ =	sdelay $0x3  }
0xc3: {  	[tilespmem:s29+$0x6D60] =	vst v1  }
0xc4: {  	v1 =	vld.idx.msk [tilespmem:v2+s24+$0x0], $0xffff;
	_ =	sdelay $0x1  }
0xc5: {  	v3 =	vor.u32 $0x1, v2;
	_ =	sdelay $0x2  }
0xc6: {  	s29 =	sadd.s32 $0x10, s29  }
0xc7: {  	[tilespmem:s29+$0x0] =	vst v1  }
0xc8: {  	v1 =	vld.idx.msk [tilespmem:v3+s24+$0x0], $0xffff;
	_ =	sdelay $0x1  }
0xc9: {  	v3 =	vor.u32 $0x2, v2;
	_ =	sdelay $0x3  }
0xca: {  	[tilespmem:s29+$0xFA0] =	vst v1  }
0xcb: {  	v1 =	vld.idx.msk [tilespmem:v3+s24+$0x0], $0xffff;
	_ =	sdelay $0x1  }
0xcc: {  	v3 =	vor.u32 $0x3, v2;
	_ =	sdelay $0x3  }
0xcd: {  	[tilespmem:s29+$0x1F40] =	vst v1  }
0xce: {  	v1 =	vld.idx.msk [tilespmem:v3+s24+$0x0], $0xffff;
	_ =	sdelay $0x1  }
0xcf: {  	v3 =	vor.u32 $0x4, v2;
	_ =	sdelay $0x3  }
0xd0: {  	[tilespmem:s29+$0x2EE0] =	vst v1  }
0xd1: {  	v1 =	vld.idx.msk [tilespmem:v3+s24+$0x0], $0xffff;
	_ =	sdelay $0x1  }
0xd2: {  	v3 =	vor.u32 $0x5, v2;
	_ =	sdelay $0x3  }
0xd3: {  	[tilespmem:s29+$0x3E80] =	vst v1  }
0xd4: {  	v1 =	vld.idx.msk [tilespmem:v3+s24+$0x0], $0xffff;
	_ =	sdelay $0x1  }
0xd5: {  	v3 =	vor.u32 $0x6, v2;
	_ =	sdelay $0x3  }
0xd6: {  	[tilespmem:s29+$0x4E20] =	vst v1  }
0xd7: {  	v1 =	vld.idx.msk [tilespmem:v3+s24+$0x0], $0xffff;
	_ =	sdelay $0x1  }
0xd8: {  	v3 =	vor.u32 $0x7, v2  }
.Ltmp6:
0xd9: {  	(pc) =	sbr.rel @p0 .LBB2_6-.Ltmp6, $3  }
0xda: {  	_ =	sdelay $0x1  }
0xdb: {  	[tilespmem:s29+$0x5DC0] =	vst v1  }
0xdc: {  	v2 =	vmov s2;
	s2 =	sadd.s32 $0x10, s2;
	v1 =	vld.idx.msk [tilespmem:v3+s24+$0x0], $0xffff  }
0xdd: {  	v2 =	vshll.u32 v2, $0x3  }
0xde: {  	v2 =	vor.u32 v0, v2;
	_ =	sdelay $0x3  }
0xdf: {  	[tilespmem:s29+$0x6D60] =	vst v1  }
0xe0: {  	v1 =	vld.idx.msk [tilespmem:v2+s24+$0x0], $0xffff  }
0xe1: {  	v3 =	vor.u32 $0x1, v2;
	_ =	sdelay $0x2  }
0xe2: {  	s0 =	sadd.s32 $0x10, s29  }
0xe3: {  	[tilespmem:s0+$0x0] =	vst v1  }
0xe4: {  	v1 =	vld.idx.msk [tilespmem:v3+s24+$0x0], $0xffff  }
0xe5: {  	v3 =	vor.u32 $0x2, v2;
	_ =	sdelay $0x3  }
0xe6: {  	[tilespmem:s0+$0xFA0] =	vst v1  }
0xe7: {  	v1 =	vld.idx.msk [tilespmem:v3+s24+$0x0], $0xffff  }
0xe8: {  	v3 =	vor.u32 $0x3, v2;
	_ =	sdelay $0x3  }
0xe9: {  	[tilespmem:s0+$0x1F40] =	vst v1  }
0xea: {  	v1 =	vld.idx.msk [tilespmem:v3+s24+$0x0], $0xffff  }
0xeb: {  	v3 =	vor.u32 $0x4, v2;
	_ =	sdelay $0x3  }
0xec: {  	[tilespmem:s0+$0x2EE0] =	vst v1  }
0xed: {  	v1 =	vld.idx.msk [tilespmem:v3+s24+$0x0], $0xffff  }
0xee: {  	v3 =	vor.u32 $0x5, v2;
	_ =	sdelay $0x3  }
0xef: {  	[tilespmem:s0+$0x3E80] =	vst v1  }
0xf0: {  	v1 =	vld.idx.msk [tilespmem:v3+s24+$0x0], $0xffff  }
0xf1: {  	v3 =	vor.u32 $0x6, v2;
	_ =	sdelay $0x3  }
0xf2: {  	[tilespmem:s0+$0x4E20] =	vst v1  }
0xf3: {  	v1 =	vld.idx.msk [tilespmem:v3+s24+$0x0], $0xffff  }
0xf4: {  	v2 =	vor.u32 $0x7, v2;
	_ =	sdelay $0x3  }
0xf5: {  	[tilespmem:s0+$0x5DC0] =	vst v1  }
0xf6: {  	v1 =	vld.idx.msk [tilespmem:v2+s24+$0x0], $0xffff;
	_ =	sdelay $0x1  }
0xf7: {  	s2 =	smul.u32 $0xFA0, s28;
	_ =	sdelay $0x1  }
0xf8: {  	s2 =	sshrl.u32 s2, $0x3  }
0xf9: {  	[tilespmem:s0+$0x6D60] =	vst v1;
	s0 =	sadd.s32 s6, s2  }
0xfa: {  	[hbm4b:s0+s4] =	stream.linear.scatter [tilespmem:s14], [sflag:$0x4], $0xFA0, $0x38;
	[tilespmem:$0x19640] =	vst v63  }
0xfb: {  	_ =	swait.ge [sflag:s15], $0xFA0  }
0xfc: {  	[sflag:s15] =	ssyncset.done $0x0  }
0xfd: {  	s2 =	sadd.s32 $0x7A120, s0;
	[sflag:s15] =	ssyncadd.s32 $0xFFFFF060  }
0xfe: {  	[hbm4b:s2+s4] =	stream.linear.scatter [tilespmem:s16], [sflag:$0x4], $0xFA0, $0x38;
	[tilespmem:$0x19640] =	vst v63  }
0xff: {  	_ =	swait.ge [sflag:s15], $0xFA0  }
0x100: {  	[sflag:s15] =	ssyncset.done $0x0  }
0x101: {  	s31 =	sadd.s32 $0xF4240, s0;
	[sflag:s15] =	ssyncadd.s32 $0xFFFFF060  }
0x102: {  	[hbm4b:s31+s4] =	stream.linear.scatter [tilespmem:s17], [sflag:$0x4], $0xFA0, $0x38;
	[tilespmem:$0x19640] =	vst v63  }
0x103: {  	_ =	swait.ge [sflag:s15], $0xFA0  }
0x104: {  	[sflag:s15] =	ssyncset.done $0x0  }
0x105: {  	s28 =	sadd.s32 $0x16E360, s0;
	[sflag:s15] =	ssyncadd.s32 $0xFFFFF060  }
0x106: {  	[hbm4b:s28+s4] =	stream.linear.scatter [tilespmem:s18], [sflag:$0x4], $0xFA0, $0x38;
	[tilespmem:$0x19640] =	vst v63  }
0x107: {  	_ =	swait.ge [sflag:s15], $0xFA0  }
0x108: {  	[sflag:s15] =	ssyncset.done $0x0  }
0x109: {  	s29 =	sadd.s32 $0x1E8480, s0;
	[sflag:s15] =	ssyncadd.s32 $0xFFFFF060  }
0x10a: {  	[hbm4b:s29+s4] =	stream.linear.scatter [tilespmem:s19], [sflag:$0x4], $0xFA0, $0x38;
	[tilespmem:$0x19640] =	vst v63  }
0x10b: {  	_ =	swait.ge [sflag:s15], $0xFA0  }
0x10c: {  	[sflag:s15] =	ssyncset.done $0x0  }
0x10d: {  	s30 =	sadd.s32 $0x2625A0, s0;
	[sflag:s15] =	ssyncadd.s32 $0xFFFFF060  }
0x10e: {  	[hbm4b:s30+s4] =	stream.linear.scatter [tilespmem:s20], [sflag:$0x4], $0xFA0, $0x38;
	[tilespmem:$0x19640] =	vst v63  }
0x10f: {  	_ =	swait.ge [sflag:s15], $0xFA0  }
0x110: {  	[sflag:s15] =	ssyncset.done $0x0  }
0x111: {  	s31 =	sadd.s32 $0x2DC6C0, s0;
	[sflag:s15] =	ssyncadd.s32 $0xFFFFF060  }
0x112: {  	[hbm4b:s31+s4] =	stream.linear.scatter [tilespmem:s21], [sflag:$0x4], $0xFA0, $0x38;
	[tilespmem:$0x19640] =	vst v63  }
0x113: {  	_ =	swait.ge [sflag:s15], $0xFA0  }
0x114: {  	[sflag:s15] =	ssyncset.done $0x0  }
.Ltmp7:
0x115: {  	s0 =	sadd.s32 $0x3567E0, s0;
	[sflag:s15] =	ssyncadd.s32 $0xFFFFF060;
	(pc) =	sbr.rel .LBB2_8-.Ltmp7, $4  }
0x116: {  	[hbm4b:s0+s4] =	stream.linear.scatter [tilespmem:s22], [sflag:$0x3], $0xFA0, $0x38;
	[tilespmem:$0x19640] =	vst v63  }
0x117: {  	_ =	swait.ge [sflag:s10], $0xFA0  }
0x118: {  	[sflag:s10] =	ssyncset.done $0x0  }
0x119: {  	[sflag:s10] =	ssyncadd.s32 $0xFFFFF060  }
.LBB2_10:
0x11a: {  	_ =	sfence.sel $0x180000  }
0x11b: {  	[bflag:$0x0] =	sbarrier.arrive $0xFFFF  }
0x11c: {  	_ =	strace $0x9000004A  }
0x11d: {  	s0 =	stileid.u32;
	[bflag:$0x2] =	sbarrier.arrive $0xFFFF  }
0x11e: {  	p0 =	sne.s32 s0, $0x0;
	s0 =	rddreg [dreg:$0x3]  }
0x11f: {  	s0 =	sadd.s32 @!p0 $0x100000, s0  }
0x120: {  	[sflag:s0] =	ssyncadd.tile.s32 @!p0 $0x1;
	_ =	shalt  }
.Lfunc_end2:
_tile_overlayer_lowered:
.L_overlay_start_2:
0x121: {  	(tag) =	ssettag $0x2  }
0x122: {  	s0 =	rddreg [dreg:$0x0];
	s2 =	stileid.u32  }
0x123: {  	s1 =	rddreg [dreg:$0x1];
	p0 =	sne.s32 s2, $0x0  }
0x124: {  	s3 =	rddreg [dreg:$0x2];
	[bflag:$0x3] =	sbarrier.arrive $0xFFFF;
	s2 =	simm.s32 @!p0 $0x1C03  }
0x125: {  	[timem:s3], [sflag:s2] =	dma.local @!p0 [hbm:s0], s1  }
0x126: {  	s0 =	simm.s32 @!p0 $0x3  }
0x127: {  	_ =	swait.ge @!p0 [sflag:s0], s1  }
0x128: {  	s1 =	ssub.s32 @!p0 $0x0, s1;
	[sflag:s0] =	ssyncset.done @!p0 $0x0  }
0x129: {  	[sflag:s0] =	ssyncadd.s32 @!p0 s1  }
0x12a: {  	[bflag:$0x3] =	sbarrier.arrive $0xFFFF  }
0x12b: {  	_ =	shalt  }

</sc_bundles>
